<compile_context>
chip_gen: v7x
topology: tpu7x:2x2x1
jax: 0.10.2.dev20260603
libtpu: 0.0.44.dev20260713+nightly
codegen_flags: <defaults>
</compile_context>

<pallas_src>
import functools

import jax
import jax.numpy as jnp
from jax import lax
from jax.experimental import pallas as pl
from jax.experimental.pallas import tpu as pltpu
from jax.experimental.pallas import tpu_sc as plsc

K = 8
L = 16
NC = 2
NS = 16

_SORT8 = (
    (0, 1), (2, 3), (4, 5), (6, 7),
    (0, 2), (1, 3), (4, 6), (5, 7),
    (1, 2), (5, 6),
    (0, 4), (1, 5), (2, 6), (3, 7),
    (2, 4), (3, 5),
    (1, 2), (3, 4), (5, 6),
)


def _sort8(vs):
    vs = list(vs)
    for i, j in _SORT8:
        hi = jnp.maximum(vs[i], vs[j])
        lo = jnp.minimum(vs[i], vs[j])
        vs[i], vs[j] = hi, lo
    return vs


def _merge_top8(r, v):
    m = [jnp.maximum(r[i], v[7 - i]) for i in range(K)]
    for i, j in ((0, 4), (1, 5), (2, 6), (3, 7),
                 (0, 2), (1, 3), (4, 6), (5, 7),
                 (0, 1), (2, 3), (4, 5), (6, 7)):
        hi = jnp.maximum(m[i], m[j])
        lo = jnp.minimum(m[i], m[j])
        m[i], m[j] = hi, lo
    return tuple(m)


def kernel(inputs):
    x = inputs
    B, S, D = x.shape
    NW = NC * NS
    CB = NW // B
    CW = D // CB
    NG = CW // L
    T = 256
    NT = S // T
    NB = T // K

    mesh = plsc.VectorSubcoreMesh(core_axis_name="c", subcore_axis_name="s")

    @functools.partial(
        pl.kernel,
        out_type=jax.ShapeDtypeStruct((NW, CW * K), jnp.float32),
        mesh=mesh,
        compiler_params=pltpu.CompilerParams(needs_layout_passes=False),
        scratch_types=[
            pltpu.VMEM((T, CW), jnp.float32),
            pltpu.VMEM((T, CW), jnp.float32),
            pltpu.VMEM((CW * K,), jnp.float32),
            pltpu.SemaphoreType.DMA,
            pltpu.SemaphoreType.DMA,
        ],
    )
    def kmax(x_hbm, out_hbm, buf0, buf1, outv, sem0, sem1):
        wid = lax.axis_index("s") * NC + lax.axis_index("c")
        b = wid // CB
        c0 = (wid % CB) * CW

        neg = jnp.full((L,), -jnp.inf, jnp.float32)

        def src(t):
            return x_hbm.at[b, pl.ds(t * T, T), pl.ds(c0, CW)]

        def process(buf, state):
            new_state = list(state)
            for g0 in range(0, NG, 2):
                def blk_body(blk, rs2, _g0=g0):
                    s0 = blk * K
                    ra, rb = rs2
                    va = _sort8(buf[s0 + j, pl.ds(_g0 * L, L)] for j in range(K))
                    vb = _sort8(
                        buf[s0 + j, pl.ds((_g0 + 1) * L, L)] for j in range(K))
                    return (_merge_top8(ra, va), _merge_top8(rb, vb))
                ra, rb = lax.fori_loop(
                    0, NB, blk_body, (state[g0], state[g0 + 1]))
                new_state[g0] = ra
                new_state[g0 + 1] = rb
            return tuple(new_state)

        def pair_body(tt, state):
            t0 = tt * 2
            pltpu.async_copy(src(t0 + 1), buf1, sem1)
            pltpu.make_async_copy(src(t0), buf0, sem0).wait()
            state = process(buf0, state)

            @pl.when(tt + 1 < NT // 2)
            def _():
                pltpu.async_copy(src(t0 + 2), buf0, sem0)

            pltpu.make_async_copy(src(t0 + 1), buf1, sem1).wait()
            return process(buf1, state)

        pltpu.async_copy(src(0), buf0, sem0)
        init = tuple(tuple(neg for _ in range(K)) for _ in range(NG))
        state = lax.fori_loop(0, NT // 2, pair_body, init)

        for g in range(NG):
            for i in range(K):
                outv[pl.ds(i * CW + g * L, L)] = state[g][i]
        pltpu.sync_copy(outv, out_hbm.at[wid])

    out = kmax(x)
    out = out.reshape(B, CB, K, CW).transpose(0, 1, 3, 2)
    return out.reshape(B, D * K)

# --- scband reference (transcript-rebuilt; emitter-appended) ---
"""Pipeline reference for scband-kmax-pooling-4114578669874 (READ-ONLY COPY).

The authoritative reference and input builder live on the scoring server;
editing this copy changes nothing except your own understanding.
"""

import jax, jax.numpy as jnp
import numpy as np

K_TOP = 8

def setup_inputs(seed: int = 0) -> dict:
    key = jax.random.key(seed)
    x = jax.random.normal(key, (4, 8192, 1024), dtype=jnp.float32)
    return {"inputs": x}

def reference(inputs):
    # KMaxPooling: transpose seq to last dim, take k largest per (batch, channel), flatten
    shifted = jnp.transpose(inputs, (0, 2, 1))  # [B, D, S]
    top_k_vals = jax.lax.top_k(shifted, K_TOP)[0]  # [B, D, k], sorted descending
    out = top_k_vals.reshape(top_k_vals.shape[0], -1)  # [B, D*k]
    return out

if __name__ == "__main__":
    import jax
    _d = setup_inputs()
    print(jax.jit(kernel)(*tuple(_d.values())))

</pallas_src>

<mosaic_0001>
#map = affine_map<(d0, d1) -> (0, 0, 0)>
#map1 = affine_map<(d0, d1) -> (0, 0)>
module attributes {stable_mosaic.version = 14 : i64} {
  func.func @kmax(%arg0: i32, %arg1: i32, %arg2: memref<4x8192x1024xf32, #tpu.memory_space<hbm>>, %arg3: memref<32x1024xf32, #tpu.memory_space<hbm>>, %arg4: memref<256x128xf32, #tpu.memory_space<vmem>>, %arg5: memref<256x128xf32, #tpu.memory_space<vmem>>, %arg6: memref<1024xf32, #tpu.memory_space<vmem>>, %arg7: memref<!tpu.dma_semaphore, #tpu.memory_space<semaphore_mem>>, %arg8: memref<!tpu.dma_semaphore, #tpu.memory_space<semaphore_mem>>) attributes {dimension_semantics = [#tpu.dimension_semantics<core_parallel>, #tpu.dimension_semantics<subcore_parallel>], iteration_bounds = array<i64: 2, 16>, scalar_prefetch = 0 : i64, scratch_operands = 5 : i64, tpu.core_type = #tpu.core_type<sc_vector_subcore>, window_params = [{transform_indices = #map}, {transform_indices = #map1}]} {
    %mul3A = arith.constant 2 : i32
    %mul3A_0 = arith.muli %arg1, %mul3A : i32
    %add3A = arith.addi %mul3A_0, %arg0 : i32
    %jit3A = arith.constant 8 : i32
    %div3A = arith.divsi %add3A, %jit3A : i32
    %sign3A = arith.constant 0 : i32
    %sign3A_1 = arith.cmpi sgt, %add3A, %sign3A : i32
    %sign3A_2 = arith.extui %sign3A_1 : i1 to i32
    %sign3A_3 = arith.constant 0 : i32
    %sign3A_4 = arith.cmpi slt, %add3A, %sign3A_3 : i32
    %sign3A_5 = arith.extui %sign3A_4 : i1 to i32
    %sign3A_6 = arith.subi %sign3A_2, %sign3A_5 : i32
    %sign3A_7 = arith.constant 0 : i32
    %sign3A_8 = arith.cmpi sgt, %jit3A, %sign3A_7 : i32
    %sign3A_9 = arith.extui %sign3A_8 : i1 to i32
    %sign3A_10 = arith.constant 0 : i32
    %sign3A_11 = arith.cmpi slt, %jit3A, %sign3A_10 : i32
    %sign3A_12 = arith.extui %sign3A_11 : i1 to i32
    %sign3A_13 = arith.subi %sign3A_9, %sign3A_12 : i32
    %ne3A = arith.cmpi ne, %sign3A_6, %sign3A_13 : i32
    %rem3A = arith.remsi %add3A, %jit3A : i32
    %ne3A_14 = arith.constant 0 : i32
    %ne3A_15 = arith.cmpi ne, %rem3A, %ne3A_14 : i32
    %and3A = arith.andi %ne3A, %ne3A_15 : i1
    %sub3A = arith.constant 1 : i32
    %sub3A_16 = arith.subi %div3A, %sub3A : i32
    %select_n3A = arith.select %and3A, %sub3A_16, %div3A : i32
    %jit3A_17 = arith.constant 8 : i32
    %eq3A = arith.constant 0 : i32
    %eq3A_18 = arith.cmpi eq, %jit3A_17, %eq3A : i32
    %jit3A_19 = arith.constant 1 : i32
    %select_n3A_20 = arith.select %eq3A_18, %jit3A_19, %jit3A_17 : i32
    %rem3A_21 = arith.remsi %add3A, %select_n3A_20 : i32
    %ne3A_22 = arith.constant 0 : i32
    %ne3A_23 = arith.cmpi ne, %rem3A_21, %ne3A_22 : i32
    %lt3A = arith.constant 0 : i32
    %lt3A_24 = arith.cmpi slt, %rem3A_21, %lt3A : i32
    %lt3A_25 = arith.constant 0 : i32
    %lt3A_26 = arith.cmpi slt, %select_n3A_20, %lt3A_25 : i32
    %ne3A_27 = arith.xori %lt3A_24, %lt3A_26 : i1
    %and3A_28 = arith.andi %ne3A_27, %ne3A_23 : i1
    %add3A_29 = arith.addi %rem3A_21, %select_n3A_20 : i32
    %select_n3A_30 = arith.select %and3A_28, %add3A_29, %rem3A_21 : i32
    %mul3A_31 = arith.constant 128 : i32
    %mul3A_32 = arith.muli %select_n3A_30, %mul3A_31 : i32
    %broadcast_in_dim3A = arith.constant 0xFF800000 : f32
    %broadcast_in_dim3A_33 = vector.broadcast %broadcast_in_dim3A : f32 to vector<16xf32>
    %dma_start3A = arith.constant 0 : i32
    %dma_start3A_34 = tpu.memref_slice %arg2[%select_n3A, %dma_start3A, %mul3A_32] : memref<4x8192x1024xf32, #tpu.memory_space<hbm>> -> memref<1x256x128xf32, #tpu.memory_space<hbm>>
    %dma_start3A_35 = tpu.memref_squeeze %dma_start3A_34 : memref<1x256x128xf32, #tpu.memory_space<hbm>> -> memref<256x128xf32, #tpu.memory_space<hbm>>
    %dma_start3A_36 = arith.constant 0 : i32
    %dma_start3A_37 = tpu.memref_slice %arg2[%select_n3A, %dma_start3A_36, %mul3A_32] : memref<4x8192x1024xf32, #tpu.memory_space<hbm>> -> memref<1x256x128xf32, #tpu.memory_space<hbm>>
    %dma_start3A_38 = tpu.memref_squeeze %dma_start3A_37 : memref<1x256x128xf32, #tpu.memory_space<hbm>> -> memref<256x128xf32, #tpu.memory_space<hbm>>
    tpu.enqueue_dma source(%dma_start3A_38 : memref<256x128xf32, #tpu.memory_space<hbm>>) target(%arg4 : memref<256x128xf32, #tpu.memory_space<vmem>>) target_semaphore(%arg7 : memref<!tpu.dma_semaphore, #tpu.memory_space<semaphore_mem>>)
    %scan3A = arith.constant 0 : i32
    %scan3A_39 = arith.constant 16 : i32
    %scan3A_40 = arith.addi %scan3A, %scan3A_39 : i32
    %scan3A_41 = arith.constant 1 : i32
    %scan3A_42:64 = scf.for %scan3A_171 = %scan3A to %scan3A_40 step %scan3A_41 iter_args(%scan3A_172 = %broadcast_in_dim3A_33, %scan3A_173 = %broadcast_in_dim3A_33, %scan3A_174 = %broadcast_in_dim3A_33, %scan3A_175 = %broadcast_in_dim3A_33, %scan3A_176 = %broadcast_in_dim3A_33, %scan3A_177 = %broadcast_in_dim3A_33, %scan3A_178 = %broadcast_in_dim3A_33, %scan3A_179 = %broadcast_in_dim3A_33, %scan3A_180 = %broadcast_in_dim3A_33, %scan3A_181 = %broadcast_in_dim3A_33, %scan3A_182 = %broadcast_in_dim3A_33, %scan3A_183 = %broadcast_in_dim3A_33, %scan3A_184 = %broadcast_in_dim3A_33, %scan3A_185 = %broadcast_in_dim3A_33, %scan3A_186 = %broadcast_in_dim3A_33, %scan3A_187 = %broadcast_in_dim3A_33, %scan3A_188 = %broadcast_in_dim3A_33, %scan3A_189 = %broadcast_in_dim3A_33, %scan3A_190 = %broadcast_in_dim3A_33, %scan3A_191 = %broadcast_in_dim3A_33, %scan3A_192 = %broadcast_in_dim3A_33, %scan3A_193 = %broadcast_in_dim3A_33, %scan3A_194 = %broadcast_in_dim3A_33, %scan3A_195 = %broadcast_in_dim3A_33, %scan3A_196 = %broadcast_in_dim3A_33, %scan3A_197 = %broadcast_in_dim3A_33, %scan3A_198 = %broadcast_in_dim3A_33, %scan3A_199 = %broadcast_in_dim3A_33, %scan3A_200 = %broadcast_in_dim3A_33, %scan3A_201 = %broadcast_in_dim3A_33, %scan3A_202 = %broadcast_in_dim3A_33, %scan3A_203 = %broadcast_in_dim3A_33, %scan3A_204 = %broadcast_in_dim3A_33, %scan3A_205 = %broadcast_in_dim3A_33, %scan3A_206 = %broadcast_in_dim3A_33, %scan3A_207 = %broadcast_in_dim3A_33, %scan3A_208 = %broadcast_in_dim3A_33, %scan3A_209 = %broadcast_in_dim3A_33, %scan3A_210 = %broadcast_in_dim3A_33, %scan3A_211 = %broadcast_in_dim3A_33, %scan3A_212 = %broadcast_in_dim3A_33, %scan3A_213 = %broadcast_in_dim3A_33, %scan3A_214 = %broadcast_in_dim3A_33, %scan3A_215 = %broadcast_in_dim3A_33, %scan3A_216 = %broadcast_in_dim3A_33, %scan3A_217 = %broadcast_in_dim3A_33, %scan3A_218 = %broadcast_in_dim3A_33, %scan3A_219 = %broadcast_in_dim3A_33, %scan3A_220 = %broadcast_in_dim3A_33, %scan3A_221 = %broadcast_in_dim3A_33, %scan3A_222 = %broadcast_in_dim3A_33, %scan3A_223 = %broadcast_in_dim3A_33, %scan3A_224 = %broadcast_in_dim3A_33, %scan3A_225 = %broadcast_in_dim3A_33, %scan3A_226 = %broadcast_in_dim3A_33, %scan3A_227 = %broadcast_in_dim3A_33, %scan3A_228 = %broadcast_in_dim3A_33, %scan3A_229 = %broadcast_in_dim3A_33, %scan3A_230 = %broadcast_in_dim3A_33, %scan3A_231 = %broadcast_in_dim3A_33, %scan3A_232 = %broadcast_in_dim3A_33, %scan3A_233 = %broadcast_in_dim3A_33, %scan3A_234 = %broadcast_in_dim3A_33, %scan3A_235 = %broadcast_in_dim3A_33) -> (vector<16xf32>, vector<16xf32>, vector<16xf32>, vector<16xf32>, vector<16xf32>, vector<16xf32>, vector<16xf32>, vector<16xf32>, vector<16xf32>, vector<16xf32>, vector<16xf32>, vector<16xf32>, vector<16xf32>, vector<16xf32>, vector<16xf32>, vector<16xf32>, vector<16xf32>, vector<16xf32>, vector<16xf32>, vector<16xf32>, vector<16xf32>, vector<16xf32>, vector<16xf32>, vector<16xf32>, vector<16xf32>, vector<16xf32>, vector<16xf32>, vector<16xf32>, vector<16xf32>, vector<16xf32>, vector<16xf32>, vector<16xf32>, vector<16xf32>, vector<16xf32>, vector<16xf32>, vector<16xf32>, vector<16xf32>, vector<16xf32>, vector<16xf32>, vector<16xf32>, vector<16xf32>, vector<16xf32>, vector<16xf32>, vector<16xf32>, vector<16xf32>, vector<16xf32>, vector<16xf32>, vector<16xf32>, vector<16xf32>, vector<16xf32>, vector<16xf32>, vector<16xf32>, vector<16xf32>, vector<16xf32>, vector<16xf32>, vector<16xf32>, vector<16xf32>, vector<16xf32>, vector<16xf32>, vector<16xf32>, vector<16xf32>, vector<16xf32>, vector<16xf32>, vector<16xf32>)  : i32 {
      %mul3A_236 = arith.constant 2 : i32
      %mul3A_237 = arith.muli %scan3A_171, %mul3A_236 : i32
      %add3A_238 = arith.constant 1 : i32
      %add3A_239 = arith.addi %mul3A_237, %add3A_238 : i32
      %mul3A_240 = arith.constant 256 : i32
      %mul3A_241 = arith.muli %add3A_239, %mul3A_240 : i32
      %dma_start3A_242 = tpu.memref_slice %arg2[%select_n3A, %mul3A_241, %mul3A_32] : memref<4x8192x1024xf32, #tpu.memory_space<hbm>> -> memref<1x256x128xf32, #tpu.memory_space<hbm>>
      %dma_start3A_243 = tpu.memref_squeeze %dma_start3A_242 : memref<1x256x128xf32, #tpu.memory_space<hbm>> -> memref<256x128xf32, #tpu.memory_space<hbm>>
      %dma_start3A_244 = tpu.memref_slice %arg2[%select_n3A, %mul3A_241, %mul3A_32] : memref<4x8192x1024xf32, #tpu.memory_space<hbm>> -> memref<1x256x128xf32, #tpu.memory_space<hbm>>
      %dma_start3A_245 = tpu.memref_squeeze %dma_start3A_244 : memref<1x256x128xf32, #tpu.memory_space<hbm>> -> memref<256x128xf32, #tpu.memory_space<hbm>>
      tpu.enqueue_dma source(%dma_start3A_245 : memref<256x128xf32, #tpu.memory_space<hbm>>) target(%arg5 : memref<256x128xf32, #tpu.memory_space<vmem>>) target_semaphore(%arg8 : memref<!tpu.dma_semaphore, #tpu.memory_space<semaphore_mem>>)
      %mul3A_246 = arith.constant 256 : i32
      %mul3A_247 = arith.muli %mul3A_237, %mul3A_246 : i32
      %dma_wait3A = tpu.memref_slice %arg2[%select_n3A, %mul3A_247, %mul3A_32] : memref<4x8192x1024xf32, #tpu.memory_space<hbm>> -> memref<1x256x128xf32, #tpu.memory_space<hbm>>
      %dma_wait3A_248 = tpu.memref_squeeze %dma_wait3A : memref<1x256x128xf32, #tpu.memory_space<hbm>> -> memref<256x128xf32, #tpu.memory_space<hbm>>
      %dma_wait3A_249 = tpu.memref_slice %arg2[%select_n3A, %mul3A_247, %mul3A_32] : memref<4x8192x1024xf32, #tpu.memory_space<hbm>> -> memref<1x256x128xf32, #tpu.memory_space<hbm>>
      %dma_wait3A_250 = tpu.memref_squeeze %dma_wait3A_249 : memref<1x256x128xf32, #tpu.memory_space<hbm>> -> memref<256x128xf32, #tpu.memory_space<hbm>>
      tpu.wait_dma2 semaphore(%arg7 : memref<!tpu.dma_semaphore, #tpu.memory_space<semaphore_mem>>) src(%dma_wait3A_250 : memref<256x128xf32, #tpu.memory_space<hbm>>) dst(%arg4 : memref<256x128xf32, #tpu.memory_space<vmem>>)
      %scan3A_251 = arith.constant 0 : i32
      %scan3A_252 = arith.constant 32 : i32
      %scan3A_253 = arith.addi %scan3A_251, %scan3A_252 : i32
      %scan3A_254 = arith.constant 1 : i32
      %scan3A_255:16 = scf.for %scan3A_312 = %scan3A_251 to %scan3A_253 step %scan3A_254 iter_args(%scan3A_313 = %scan3A_172, %scan3A_314 = %scan3A_173, %scan3A_315 = %scan3A_174, %scan3A_316 = %scan3A_175, %scan3A_317 = %scan3A_176, %scan3A_318 = %scan3A_177, %scan3A_319 = %scan3A_178, %scan3A_320 = %scan3A_179, %scan3A_321 = %scan3A_180, %scan3A_322 = %scan3A_181, %scan3A_323 = %scan3A_182, %scan3A_324 = %scan3A_183, %scan3A_325 = %scan3A_184, %scan3A_326 = %scan3A_185, %scan3A_327 = %scan3A_186, %scan3A_328 = %scan3A_187) -> (vector<16xf32>, vector<16xf32>, vector<16xf32>, vector<16xf32>, vector<16xf32>, vector<16xf32>, vector<16xf32>, vector<16xf32>, vector<16xf32>, vector<16xf32>, vector<16xf32>, vector<16xf32>, vector<16xf32>, vector<16xf32>, vector<16xf32>, vector<16xf32>)  : i32 {
        %mul3A_329 = arith.constant 8 : i32
        %mul3A_330 = arith.muli %scan3A_312, %mul3A_329 : i32
        %add3A_331 = arith.constant 0 : i32
        %add3A_332 = arith.addi %mul3A_330, %add3A_331 : i32
        %get3A = arith.index_cast %add3A_332 : i32 to index
        %get3A_333 = arith.constant 0 : index
        %get3A_334 = tpu.vector_load %arg4[%get3A, %get3A_333] {strides = array<i32>} : memref<256x128xf32, #tpu.memory_space<vmem>>, vector<16xf32>,
        %add3A_335 = arith.constant 1 : i32
        %add3A_336 = arith.addi %mul3A_330, %add3A_335 : i32
        %get3A_337 = arith.index_cast %add3A_336 : i32 to index
        %get3A_338 = arith.constant 0 : index
        %get3A_339 = tpu.vector_load %arg4[%get3A_337, %get3A_338] {strides = array<i32>} : memref<256x128xf32, #tpu.memory_space<vmem>>, vector<16xf32>,
        %add3A_340 = arith.constant 2 : i32
        %add3A_341 = arith.addi %mul3A_330, %add3A_340 : i32
        %get3A_342 = arith.index_cast %add3A_341 : i32 to index
        %get3A_343 = arith.constant 0 : index
        %get3A_344 = tpu.vector_load %arg4[%get3A_342, %get3A_343] {strides = array<i32>} : memref<256x128xf32, #tpu.memory_space<vmem>>, vector<16xf32>,
        %add3A_345 = arith.constant 3 : i32
        %add3A_346 = arith.addi %mul3A_330, %add3A_345 : i32
        %get3A_347 = arith.index_cast %add3A_346 : i32 to index
        %get3A_348 = arith.constant 0 : index
        %get3A_349 = tpu.vector_load %arg4[%get3A_347, %get3A_348] {strides = array<i32>} : memref<256x128xf32, #tpu.memory_space<vmem>>, vector<16xf32>,
        %add3A_350 = arith.constant 4 : i32
        %add3A_351 = arith.addi %mul3A_330, %add3A_350 : i32
        %get3A_352 = arith.index_cast %add3A_351 : i32 to index
        %get3A_353 = arith.constant 0 : index
        %get3A_354 = tpu.vector_load %arg4[%get3A_352, %get3A_353] {strides = array<i32>} : memref<256x128xf32, #tpu.memory_space<vmem>>, vector<16xf32>,
        %add3A_355 = arith.constant 5 : i32
        %add3A_356 = arith.addi %mul3A_330, %add3A_355 : i32
        %get3A_357 = arith.index_cast %add3A_356 : i32 to index
        %get3A_358 = arith.constant 0 : index
        %get3A_359 = tpu.vector_load %arg4[%get3A_357, %get3A_358] {strides = array<i32>} : memref<256x128xf32, #tpu.memory_space<vmem>>, vector<16xf32>,
        %add3A_360 = arith.constant 6 : i32
        %add3A_361 = arith.addi %mul3A_330, %add3A_360 : i32
        %get3A_362 = arith.index_cast %add3A_361 : i32 to index
        %get3A_363 = arith.constant 0 : index
        %get3A_364 = tpu.vector_load %arg4[%get3A_362, %get3A_363] {strides = array<i32>} : memref<256x128xf32, #tpu.memory_space<vmem>>, vector<16xf32>,
        %add3A_365 = arith.constant 7 : i32
        %add3A_366 = arith.addi %mul3A_330, %add3A_365 : i32
        %get3A_367 = arith.index_cast %add3A_366 : i32 to index
        %get3A_368 = arith.constant 0 : index
        %get3A_369 = tpu.vector_load %arg4[%get3A_367, %get3A_368] {strides = array<i32>} : memref<256x128xf32, #tpu.memory_space<vmem>>, vector<16xf32>,
        %max3A = arith.maximumf %get3A_334, %get3A_339 : vector<16xf32>
        %min3A = arith.minimumf %get3A_334, %get3A_339 : vector<16xf32>
        %max3A_370 = arith.maximumf %get3A_344, %get3A_349 : vector<16xf32>
        %min3A_371 = arith.minimumf %get3A_344, %get3A_349 : vector<16xf32>
        %max3A_372 = arith.maximumf %get3A_354, %get3A_359 : vector<16xf32>
        %min3A_373 = arith.minimumf %get3A_354, %get3A_359 : vector<16xf32>
        %max3A_374 = arith.maximumf %get3A_364, %get3A_369 : vector<16xf32>
        %min3A_375 = arith.minimumf %get3A_364, %get3A_369 : vector<16xf32>
        %max3A_376 = arith.maximumf %max3A, %max3A_370 : vector<16xf32>
        %min3A_377 = arith.minimumf %max3A, %max3A_370 : vector<16xf32>
        %max3A_378 = arith.maximumf %min3A, %min3A_371 : vector<16xf32>
        %min3A_379 = arith.minimumf %min3A, %min3A_371 : vector<16xf32>
        %max3A_380 = arith.maximumf %max3A_372, %max3A_374 : vector<16xf32>
        %min3A_381 = arith.minimumf %max3A_372, %max3A_374 : vector<16xf32>
        %max3A_382 = arith.maximumf %min3A_373, %min3A_375 : vector<16xf32>
        %min3A_383 = arith.minimumf %min3A_373, %min3A_375 : vector<16xf32>
        %max3A_384 = arith.maximumf %max3A_378, %min3A_377 : vector<16xf32>
        %min3A_385 = arith.minimumf %max3A_378, %min3A_377 : vector<16xf32>
        %max3A_386 = arith.maximumf %max3A_382, %min3A_381 : vector<16xf32>
        %min3A_387 = arith.minimumf %max3A_382, %min3A_381 : vector<16xf32>
        %max3A_388 = arith.maximumf %max3A_376, %max3A_380 : vector<16xf32>
        %min3A_389 = arith.minimumf %max3A_376, %max3A_380 : vector<16xf32>
        %max3A_390 = arith.maximumf %max3A_384, %max3A_386 : vector<16xf32>
        %min3A_391 = arith.minimumf %max3A_384, %max3A_386 : vector<16xf32>
        %max3A_392 = arith.maximumf %min3A_385, %min3A_387 : vector<16xf32>
        %min3A_393 = arith.minimumf %min3A_385, %min3A_387 : vector<16xf32>
        %max3A_394 = arith.maximumf %min3A_379, %min3A_383 : vector<16xf32>
        %min3A_395 = arith.minimumf %min3A_379, %min3A_383 : vector<16xf32>
        %max3A_396 = arith.maximumf %max3A_392, %min3A_389 : vector<16xf32>
        %min3A_397 = arith.minimumf %max3A_392, %min3A_389 : vector<16xf32>
        %max3A_398 = arith.maximumf %max3A_394, %min3A_391 : vector<16xf32>
        %min3A_399 = arith.minimumf %max3A_394, %min3A_391 : vector<16xf32>
        %max3A_400 = arith.maximumf %max3A_390, %max3A_396 : vector<16xf32>
        %min3A_401 = arith.minimumf %max3A_390, %max3A_396 : vector<16xf32>
        %max3A_402 = arith.maximumf %max3A_398, %min3A_397 : vector<16xf32>
        %min3A_403 = arith.minimumf %max3A_398, %min3A_397 : vector<16xf32>
        %max3A_404 = arith.maximumf %min3A_399, %min3A_393 : vector<16xf32>
        %min3A_405 = arith.minimumf %min3A_399, %min3A_393 : vector<16xf32>
        %add3A_406 = arith.constant 0 : i32
        %add3A_407 = arith.addi %mul3A_330, %add3A_406 : i32
        %get3A_408 = arith.index_cast %add3A_407 : i32 to index
        %get3A_409 = arith.constant 16 : index
        %get3A_410 = tpu.vector_load %arg4[%get3A_408, %get3A_409] {strides = array<i32>} : memref<256x128xf32, #tpu.memory_space<vmem>>, vector<16xf32>,
        %add3A_411 = arith.constant 1 : i32
        %add3A_412 = arith.addi %mul3A_330, %add3A_411 : i32
        %get3A_413 = arith.index_cast %add3A_412 : i32 to index
        %get3A_414 = arith.constant 16 : index
        %get3A_415 = tpu.vector_load %arg4[%get3A_413, %get3A_414] {strides = array<i32>} : memref<256x128xf32, #tpu.memory_space<vmem>>, vector<16xf32>,
        %add3A_416 = arith.constant 2 : i32
        %add3A_417 = arith.addi %mul3A_330, %add3A_416 : i32
        %get3A_418 = arith.index_cast %add3A_417 : i32 to index
        %get3A_419 = arith.constant 16 : index
        %get3A_420 = tpu.vector_load %arg4[%get3A_418, %get3A_419] {strides = array<i32>} : memref<256x128xf32, #tpu.memory_space<vmem>>, vector<16xf32>,
        %add3A_421 = arith.constant 3 : i32
        %add3A_422 = arith.addi %mul3A_330, %add3A_421 : i32
        %get3A_423 = arith.index_cast %add3A_422 : i32 to index
        %get3A_424 = arith.constant 16 : index
        %get3A_425 = tpu.vector_load %arg4[%get3A_423, %get3A_424] {strides = array<i32>} : memref<256x128xf32, #tpu.memory_space<vmem>>, vector<16xf32>,
        %add3A_426 = arith.constant 4 : i32
        %add3A_427 = arith.addi %mul3A_330, %add3A_426 : i32
        %get3A_428 = arith.index_cast %add3A_427 : i32 to index
        %get3A_429 = arith.constant 16 : index
        %get3A_430 = tpu.vector_load %arg4[%get3A_428, %get3A_429] {strides = array<i32>} : memref<256x128xf32, #tpu.memory_space<vmem>>, vector<16xf32>,
        %add3A_431 = arith.constant 5 : i32
        %add3A_432 = arith.addi %mul3A_330, %add3A_431 : i32
        %get3A_433 = arith.index_cast %add3A_432 : i32 to index
        %get3A_434 = arith.constant 16 : index
        %get3A_435 = tpu.vector_load %arg4[%get3A_433, %get3A_434] {strides = array<i32>} : memref<256x128xf32, #tpu.memory_space<vmem>>, vector<16xf32>,
        %add3A_436 = arith.constant 6 : i32
        %add3A_437 = arith.addi %mul3A_330, %add3A_436 : i32
        %get3A_438 = arith.index_cast %add3A_437 : i32 to index
        %get3A_439 = arith.constant 16 : index
        %get3A_440 = tpu.vector_load %arg4[%get3A_438, %get3A_439] {strides = array<i32>} : memref<256x128xf32, #tpu.memory_space<vmem>>, vector<16xf32>,
        %add3A_441 = arith.constant 7 : i32
        %add3A_442 = arith.addi %mul3A_330, %add3A_441 : i32
        %get3A_443 = arith.index_cast %add3A_442 : i32 to index
        %get3A_444 = arith.constant 16 : index
        %get3A_445 = tpu.vector_load %arg4[%get3A_443, %get3A_444] {strides = array<i32>} : memref<256x128xf32, #tpu.memory_space<vmem>>, vector<16xf32>,
        %max3A_446 = arith.maximumf %get3A_410, %get3A_415 : vector<16xf32>
        %min3A_447 = arith.minimumf %get3A_410, %get3A_415 : vector<16xf32>
        %max3A_448 = arith.maximumf %get3A_420, %get3A_425 : vector<16xf32>
        %min3A_449 = arith.minimumf %get3A_420, %get3A_425 : vector<16xf32>
        %max3A_450 = arith.maximumf %get3A_430, %get3A_435 : vector<16xf32>
        %min3A_451 = arith.minimumf %get3A_430, %get3A_435 : vector<16xf32>
        %max3A_452 = arith.maximumf %get3A_440, %get3A_445 : vector<16xf32>
        %min3A_453 = arith.minimumf %get3A_440, %get3A_445 : vector<16xf32>
        %max3A_454 = arith.maximumf %max3A_446, %max3A_448 : vector<16xf32>
        %min3A_455 = arith.minimumf %max3A_446, %max3A_448 : vector<16xf32>
        %max3A_456 = arith.maximumf %min3A_447, %min3A_449 : vector<16xf32>
        %min3A_457 = arith.minimumf %min3A_447, %min3A_449 : vector<16xf32>
        %max3A_458 = arith.maximumf %max3A_450, %max3A_452 : vector<16xf32>
        %min3A_459 = arith.minimumf %max3A_450, %max3A_452 : vector<16xf32>
        %max3A_460 = arith.maximumf %min3A_451, %min3A_453 : vector<16xf32>
        %min3A_461 = arith.minimumf %min3A_451, %min3A_453 : vector<16xf32>
        %max3A_462 = arith.maximumf %max3A_456, %min3A_455 : vector<16xf32>
        %min3A_463 = arith.minimumf %max3A_456, %min3A_455 : vector<16xf32>
        %max3A_464 = arith.maximumf %max3A_460, %min3A_459 : vector<16xf32>
        %min3A_465 = arith.minimumf %max3A_460, %min3A_459 : vector<16xf32>
        %max3A_466 = arith.maximumf %max3A_454, %max3A_458 : vector<16xf32>
        %min3A_467 = arith.minimumf %max3A_454, %max3A_458 : vector<16xf32>
        %max3A_468 = arith.maximumf %max3A_462, %max3A_464 : vector<16xf32>
        %min3A_469 = arith.minimumf %max3A_462, %max3A_464 : vector<16xf32>
        %max3A_470 = arith.maximumf %min3A_463, %min3A_465 : vector<16xf32>
        %min3A_471 = arith.minimumf %min3A_463, %min3A_465 : vector<16xf32>
        %max3A_472 = arith.maximumf %min3A_457, %min3A_461 : vector<16xf32>
        %min3A_473 = arith.minimumf %min3A_457, %min3A_461 : vector<16xf32>
        %max3A_474 = arith.maximumf %max3A_470, %min3A_467 : vector<16xf32>
        %min3A_475 = arith.minimumf %max3A_470, %min3A_467 : vector<16xf32>
        %max3A_476 = arith.maximumf %max3A_472, %min3A_469 : vector<16xf32>
        %min3A_477 = arith.minimumf %max3A_472, %min3A_469 : vector<16xf32>
        %max3A_478 = arith.maximumf %max3A_468, %max3A_474 : vector<16xf32>
        %min3A_479 = arith.minimumf %max3A_468, %max3A_474 : vector<16xf32>
        %max3A_480 = arith.maximumf %max3A_476, %min3A_475 : vector<16xf32>
        %min3A_481 = arith.minimumf %max3A_476, %min3A_475 : vector<16xf32>
        %max3A_482 = arith.maximumf %min3A_477, %min3A_471 : vector<16xf32>
        %min3A_483 = arith.minimumf %min3A_477, %min3A_471 : vector<16xf32>
        %max3A_484 = arith.maximumf %scan3A_313, %min3A_395 : vector<16xf32>
        %max3A_485 = arith.maximumf %scan3A_314, %min3A_405 : vector<16xf32>
        %max3A_486 = arith.maximumf %scan3A_315, %max3A_404 : vector<16xf32>
        %max3A_487 = arith.maximumf %scan3A_316, %min3A_403 : vector<16xf32>
        %max3A_488 = arith.maximumf %scan3A_317, %max3A_402 : vector<16xf32>
        %max3A_489 = arith.maximumf %scan3A_318, %min3A_401 : vector<16xf32>
        %max3A_490 = arith.maximumf %scan3A_319, %max3A_400 : vector<16xf32>
        %max3A_491 = arith.maximumf %scan3A_320, %max3A_388 : vector<16xf32>
        %max3A_492 = arith.maximumf %max3A_484, %max3A_488 : vector<16xf32>
        %min3A_493 = arith.minimumf %max3A_484, %max3A_488 : vector<16xf32>
        %max3A_494 = arith.maximumf %max3A_485, %max3A_489 : vector<16xf32>
        %min3A_495 = arith.minimumf %max3A_485, %max3A_489 : vector<16xf32>
        %max3A_496 = arith.maximumf %max3A_486, %max3A_490 : vector<16xf32>
        %min3A_497 = arith.minimumf %max3A_486, %max3A_490 : vector<16xf32>
        %max3A_498 = arith.maximumf %max3A_487, %max3A_491 : vector<16xf32>
        %min3A_499 = arith.minimumf %max3A_487, %max3A_491 : vector<16xf32>
        %max3A_500 = arith.maximumf %max3A_492, %max3A_496 : vector<16xf32>
        %min3A_501 = arith.minimumf %max3A_492, %max3A_496 : vector<16xf32>
        %max3A_502 = arith.maximumf %max3A_494, %max3A_498 : vector<16xf32>
        %min3A_503 = arith.minimumf %max3A_494, %max3A_498 : vector<16xf32>
        %max3A_504 = arith.maximumf %min3A_493, %min3A_497 : vector<16xf32>
        %min3A_505 = arith.minimumf %min3A_493, %min3A_497 : vector<16xf32>
        %max3A_506 = arith.maximumf %min3A_495, %min3A_499 : vector<16xf32>
        %min3A_507 = arith.minimumf %min3A_495, %min3A_499 : vector<16xf32>
        %max3A_508 = arith.maximumf %max3A_500, %max3A_502 : vector<16xf32>
        %min3A_509 = arith.minimumf %max3A_500, %max3A_502 : vector<16xf32>
        %max3A_510 = arith.maximumf %min3A_501, %min3A_503 : vector<16xf32>
        %min3A_511 = arith.minimumf %min3A_501, %min3A_503 : vector<16xf32>
        %max3A_512 = arith.maximumf %max3A_504, %max3A_506 : vector<16xf32>
        %min3A_513 = arith.minimumf %max3A_504, %max3A_506 : vector<16xf32>
        %max3A_514 = arith.maximumf %min3A_505, %min3A_507 : vector<16xf32>
        %min3A_515 = arith.minimumf %min3A_505, %min3A_507 : vector<16xf32>
        %max3A_516 = arith.maximumf %scan3A_321, %min3A_473 : vector<16xf32>
        %max3A_517 = arith.maximumf %scan3A_322, %min3A_483 : vector<16xf32>
        %max3A_518 = arith.maximumf %scan3A_323, %max3A_482 : vector<16xf32>
        %max3A_519 = arith.maximumf %scan3A_324, %min3A_481 : vector<16xf32>
        %max3A_520 = arith.maximumf %scan3A_325, %max3A_480 : vector<16xf32>
        %max3A_521 = arith.maximumf %scan3A_326, %min3A_479 : vector<16xf32>
        %max3A_522 = arith.maximumf %scan3A_327, %max3A_478 : vector<16xf32>
        %max3A_523 = arith.maximumf %scan3A_328, %max3A_466 : vector<16xf32>
        %max3A_524 = arith.maximumf %max3A_516, %max3A_520 : vector<16xf32>
        %min3A_525 = arith.minimumf %max3A_516, %max3A_520 : vector<16xf32>
        %max3A_526 = arith.maximumf %max3A_517, %max3A_521 : vector<16xf32>
        %min3A_527 = arith.minimumf %max3A_517, %max3A_521 : vector<16xf32>
        %max3A_528 = arith.maximumf %max3A_518, %max3A_522 : vector<16xf32>
        %min3A_529 = arith.minimumf %max3A_518, %max3A_522 : vector<16xf32>
        %max3A_530 = arith.maximumf %max3A_519, %max3A_523 : vector<16xf32>
        %min3A_531 = arith.minimumf %max3A_519, %max3A_523 : vector<16xf32>
        %max3A_532 = arith.maximumf %max3A_524, %max3A_528 : vector<16xf32>
        %min3A_533 = arith.minimumf %max3A_524, %max3A_528 : vector<16xf32>
        %max3A_534 = arith.maximumf %max3A_526, %max3A_530 : vector<16xf32>
        %min3A_535 = arith.minimumf %max3A_526, %max3A_530 : vector<16xf32>
        %max3A_536 = arith.maximumf %min3A_525, %min3A_529 : vector<16xf32>
        %min3A_537 = arith.minimumf %min3A_525, %min3A_529 : vector<16xf32>
        %max3A_538 = arith.maximumf %min3A_527, %min3A_531 : vector<16xf32>
        %min3A_539 = arith.minimumf %min3A_527, %min3A_531 : vector<16xf32>
        %max3A_540 = arith.maximumf %max3A_532, %max3A_534 : vector<16xf32>
        %min3A_541 = arith.minimumf %max3A_532, %max3A_534 : vector<16xf32>
        %max3A_542 = arith.maximumf %min3A_533, %min3A_535 : vector<16xf32>
        %min3A_543 = arith.minimumf %min3A_533, %min3A_535 : vector<16xf32>
        %max3A_544 = arith.maximumf %max3A_536, %max3A_538 : vector<16xf32>
        %min3A_545 = arith.minimumf %max3A_536, %max3A_538 : vector<16xf32>
        %max3A_546 = arith.maximumf %min3A_537, %min3A_539 : vector<16xf32>
        %min3A_547 = arith.minimumf %min3A_537, %min3A_539 : vector<16xf32>
        scf.yield %max3A_508, %min3A_509, %max3A_510, %min3A_511, %max3A_512, %min3A_513, %max3A_514, %min3A_515, %max3A_540, %min3A_541, %max3A_542, %min3A_543, %max3A_544, %min3A_545, %max3A_546, %min3A_547 : vector<16xf32>, vector<16xf32>, vector<16xf32>, vector<16xf32>, vector<16xf32>, vector<16xf32>, vector<16xf32>, vector<16xf32>, vector<16xf32>, vector<16xf32>, vector<16xf32>, vector<16xf32>, vector<16xf32>, vector<16xf32>, vector<16xf32>, vector<16xf32>
      }
      %scan3A_256 = arith.constant 32 : i32
      %scan3A_257 = arith.constant 0 : i32
      %scan3A_258 = arith.constant 32 : i32
      %scan3A_259 = arith.addi %scan3A_257, %scan3A_258 : i32
      %scan3A_260 = arith.constant 1 : i32
      %scan3A_261:16 = scf.for %scan3A_312 = %scan3A_257 to %scan3A_259 step %scan3A_260 iter_args(%scan3A_313 = %scan3A_188, %scan3A_314 = %scan3A_189, %scan3A_315 = %scan3A_190, %scan3A_316 = %scan3A_191, %scan3A_317 = %scan3A_192, %scan3A_318 = %scan3A_193, %scan3A_319 = %scan3A_194, %scan3A_320 = %scan3A_195, %scan3A_321 = %scan3A_196, %scan3A_322 = %scan3A_197, %scan3A_323 = %scan3A_198, %scan3A_324 = %scan3A_199, %scan3A_325 = %scan3A_200, %scan3A_326 = %scan3A_201, %scan3A_327 = %scan3A_202, %scan3A_328 = %scan3A_203) -> (vector<16xf32>, vector<16xf32>, vector<16xf32>, vector<16xf32>, vector<16xf32>, vector<16xf32>, vector<16xf32>, vector<16xf32>, vector<16xf32>, vector<16xf32>, vector<16xf32>, vector<16xf32>, vector<16xf32>, vector<16xf32>, vector<16xf32>, vector<16xf32>)  : i32 {
        %mul3A_329 = arith.constant 8 : i32
        %mul3A_330 = arith.muli %scan3A_312, %mul3A_329 : i32
        %add3A_331 = arith.constant 0 : i32
        %add3A_332 = arith.addi %mul3A_330, %add3A_331 : i32
        %get3A = arith.index_cast %add3A_332 : i32 to index
        %get3A_333 = arith.constant 32 : index
        %get3A_334 = tpu.vector_load %arg4[%get3A, %get3A_333] {strides = array<i32>} : memref<256x128xf32, #tpu.memory_space<vmem>>, vector<16xf32>,
        %add3A_335 = arith.constant 1 : i32
        %add3A_336 = arith.addi %mul3A_330, %add3A_335 : i32
        %get3A_337 = arith.index_cast %add3A_336 : i32 to index
        %get3A_338 = arith.constant 32 : index
        %get3A_339 = tpu.vector_load %arg4[%get3A_337, %get3A_338] {strides = array<i32>} : memref<256x128xf32, #tpu.memory_space<vmem>>, vector<16xf32>,
        %add3A_340 = arith.constant 2 : i32
        %add3A_341 = arith.addi %mul3A_330, %add3A_340 : i32
        %get3A_342 = arith.index_cast %add3A_341 : i32 to index
        %get3A_343 = arith.constant 32 : index
        %get3A_344 = tpu.vector_load %arg4[%get3A_342, %get3A_343] {strides = array<i32>} : memref<256x128xf32, #tpu.memory_space<vmem>>, vector<16xf32>,
        %add3A_345 = arith.constant 3 : i32
        %add3A_346 = arith.addi %mul3A_330, %add3A_345 : i32
        %get3A_347 = arith.index_cast %add3A_346 : i32 to index
        %get3A_348 = arith.constant 32 : index
        %get3A_349 = tpu.vector_load %arg4[%get3A_347, %get3A_348] {strides = array<i32>} : memref<256x128xf32, #tpu.memory_space<vmem>>, vector<16xf32>,
        %add3A_350 = arith.constant 4 : i32
        %add3A_351 = arith.addi %mul3A_330, %add3A_350 : i32
        %get3A_352 = arith.index_cast %add3A_351 : i32 to index
        %get3A_353 = arith.constant 32 : index
        %get3A_354 = tpu.vector_load %arg4[%get3A_352, %get3A_353] {strides = array<i32>} : memref<256x128xf32, #tpu.memory_space<vmem>>, vector<16xf32>,
        %add3A_355 = arith.constant 5 : i32
        %add3A_356 = arith.addi %mul3A_330, %add3A_355 : i32
        %get3A_357 = arith.index_cast %add3A_356 : i32 to index
        %get3A_358 = arith.constant 32 : index
        %get3A_359 = tpu.vector_load %arg4[%get3A_357, %get3A_358] {strides = array<i32>} : memref<256x128xf32, #tpu.memory_space<vmem>>, vector<16xf32>,
        %add3A_360 = arith.constant 6 : i32
        %add3A_361 = arith.addi %mul3A_330, %add3A_360 : i32
        %get3A_362 = arith.index_cast %add3A_361 : i32 to index
        %get3A_363 = arith.constant 32 : index
        %get3A_364 = tpu.vector_load %arg4[%get3A_362, %get3A_363] {strides = array<i32>} : memref<256x128xf32, #tpu.memory_space<vmem>>, vector<16xf32>,
        %add3A_365 = arith.constant 7 : i32
        %add3A_366 = arith.addi %mul3A_330, %add3A_365 : i32
        %get3A_367 = arith.index_cast %add3A_366 : i32 to index
        %get3A_368 = arith.constant 32 : index
        %get3A_369 = tpu.vector_load %arg4[%get3A_367, %get3A_368] {strides = array<i32>} : memref<256x128xf32, #tpu.memory_space<vmem>>, vector<16xf32>,
        %max3A = arith.maximumf %get3A_334, %get3A_339 : vector<16xf32>
        %min3A = arith.minimumf %get3A_334, %get3A_339 : vector<16xf32>
        %max3A_370 = arith.maximumf %get3A_344, %get3A_349 : vector<16xf32>
        %min3A_371 = arith.minimumf %get3A_344, %get3A_349 : vector<16xf32>
        %max3A_372 = arith.maximumf %get3A_354, %get3A_359 : vector<16xf32>
        %min3A_373 = arith.minimumf %get3A_354, %get3A_359 : vector<16xf32>
        %max3A_374 = arith.maximumf %get3A_364, %get3A_369 : vector<16xf32>
        %min3A_375 = arith.minimumf %get3A_364, %get3A_369 : vector<16xf32>
        %max3A_376 = arith.maximumf %max3A, %max3A_370 : vector<16xf32>
        %min3A_377 = arith.minimumf %max3A, %max3A_370 : vector<16xf32>
        %max3A_378 = arith.maximumf %min3A, %min3A_371 : vector<16xf32>
        %min3A_379 = arith.minimumf %min3A, %min3A_371 : vector<16xf32>
        %max3A_380 = arith.maximumf %max3A_372, %max3A_374 : vector<16xf32>
        %min3A_381 = arith.minimumf %max3A_372, %max3A_374 : vector<16xf32>
        %max3A_382 = arith.maximumf %min3A_373, %min3A_375 : vector<16xf32>
        %min3A_383 = arith.minimumf %min3A_373, %min3A_375 : vector<16xf32>
        %max3A_384 = arith.maximumf %max3A_378, %min3A_377 : vector<16xf32>
        %min3A_385 = arith.minimumf %max3A_378, %min3A_377 : vector<16xf32>
        %max3A_386 = arith.maximumf %max3A_382, %min3A_381 : vector<16xf32>
        %min3A_387 = arith.minimumf %max3A_382, %min3A_381 : vector<16xf32>
        %max3A_388 = arith.maximumf %max3A_376, %max3A_380 : vector<16xf32>
        %min3A_389 = arith.minimumf %max3A_376, %max3A_380 : vector<16xf32>
        %max3A_390 = arith.maximumf %max3A_384, %max3A_386 : vector<16xf32>
        %min3A_391 = arith.minimumf %max3A_384, %max3A_386 : vector<16xf32>
        %max3A_392 = arith.maximumf %min3A_385, %min3A_387 : vector<16xf32>
        %min3A_393 = arith.minimumf %min3A_385, %min3A_387 : vector<16xf32>
        %max3A_394 = arith.maximumf %min3A_379, %min3A_383 : vector<16xf32>
        %min3A_395 = arith.minimumf %min3A_379, %min3A_383 : vector<16xf32>
        %max3A_396 = arith.maximumf %max3A_392, %min3A_389 : vector<16xf32>
        %min3A_397 = arith.minimumf %max3A_392, %min3A_389 : vector<16xf32>
        %max3A_398 = arith.maximumf %max3A_394, %min3A_391 : vector<16xf32>
        %min3A_399 = arith.minimumf %max3A_394, %min3A_391 : vector<16xf32>
        %max3A_400 = arith.maximumf %max3A_390, %max3A_396 : vector<16xf32>
        %min3A_401 = arith.minimumf %max3A_390, %max3A_396 : vector<16xf32>
        %max3A_402 = arith.maximumf %max3A_398, %min3A_397 : vector<16xf32>
        %min3A_403 = arith.minimumf %max3A_398, %min3A_397 : vector<16xf32>
        %max3A_404 = arith.maximumf %min3A_399, %min3A_393 : vector<16xf32>
        %min3A_405 = arith.minimumf %min3A_399, %min3A_393 : vector<16xf32>
        %add3A_406 = arith.constant 0 : i32
        %add3A_407 = arith.addi %mul3A_330, %add3A_406 : i32
        %get3A_408 = arith.index_cast %add3A_407 : i32 to index
        %get3A_409 = arith.constant 48 : index
        %get3A_410 = tpu.vector_load %arg4[%get3A_408, %get3A_409] {strides = array<i32>} : memref<256x128xf32, #tpu.memory_space<vmem>>, vector<16xf32>,
        %add3A_411 = arith.constant 1 : i32
        %add3A_412 = arith.addi %mul3A_330, %add3A_411 : i32
        %get3A_413 = arith.index_cast %add3A_412 : i32 to index
        %get3A_414 = arith.constant 48 : index
        %get3A_415 = tpu.vector_load %arg4[%get3A_413, %get3A_414] {strides = array<i32>} : memref<256x128xf32, #tpu.memory_space<vmem>>, vector<16xf32>,
        %add3A_416 = arith.constant 2 : i32
        %add3A_417 = arith.addi %mul3A_330, %add3A_416 : i32
        %get3A_418 = arith.index_cast %add3A_417 : i32 to index
        %get3A_419 = arith.constant 48 : index
        %get3A_420 = tpu.vector_load %arg4[%get3A_418, %get3A_419] {strides = array<i32>} : memref<256x128xf32, #tpu.memory_space<vmem>>, vector<16xf32>,
        %add3A_421 = arith.constant 3 : i32
        %add3A_422 = arith.addi %mul3A_330, %add3A_421 : i32
        %get3A_423 = arith.index_cast %add3A_422 : i32 to index
        %get3A_424 = arith.constant 48 : index
        %get3A_425 = tpu.vector_load %arg4[%get3A_423, %get3A_424] {strides = array<i32>} : memref<256x128xf32, #tpu.memory_space<vmem>>, vector<16xf32>,
        %add3A_426 = arith.constant 4 : i32
        %add3A_427 = arith.addi %mul3A_330, %add3A_426 : i32
        %get3A_428 = arith.index_cast %add3A_427 : i32 to index
        %get3A_429 = arith.constant 48 : index
        %get3A_430 = tpu.vector_load %arg4[%get3A_428, %get3A_429] {strides = array<i32>} : memref<256x128xf32, #tpu.memory_space<vmem>>, vector<16xf32>,
        %add3A_431 = arith.constant 5 : i32
        %add3A_432 = arith.addi %mul3A_330, %add3A_431 : i32
        %get3A_433 = arith.index_cast %add3A_432 : i32 to index
        %get3A_434 = arith.constant 48 : index
        %get3A_435 = tpu.vector_load %arg4[%get3A_433, %get3A_434] {strides = array<i32>} : memref<256x128xf32, #tpu.memory_space<vmem>>, vector<16xf32>,
        %add3A_436 = arith.constant 6 : i32
        %add3A_437 = arith.addi %mul3A_330, %add3A_436 : i32
        %get3A_438 = arith.index_cast %add3A_437 : i32 to index
        %get3A_439 = arith.constant 48 : index
        %get3A_440 = tpu.vector_load %arg4[%get3A_438, %get3A_439] {strides = array<i32>} : memref<256x128xf32, #tpu.memory_space<vmem>>, vector<16xf32>,
        %add3A_441 = arith.constant 7 : i32
        %add3A_442 = arith.addi %mul3A_330, %add3A_441 : i32
        %get3A_443 = arith.index_cast %add3A_442 : i32 to index
        %get3A_444 = arith.constant 48 : index
        %get3A_445 = tpu.vector_load %arg4[%get3A_443, %get3A_444] {strides = array<i32>} : memref<256x128xf32, #tpu.memory_space<vmem>>, vector<16xf32>,
        %max3A_446 = arith.maximumf %get3A_410, %get3A_415 : vector<16xf32>
        %min3A_447 = arith.minimumf %get3A_410, %get3A_415 : vector<16xf32>
        %max3A_448 = arith.maximumf %get3A_420, %get3A_425 : vector<16xf32>
        %min3A_449 = arith.minimumf %get3A_420, %get3A_425 : vector<16xf32>
        %max3A_450 = arith.maximumf %get3A_430, %get3A_435 : vector<16xf32>
        %min3A_451 = arith.minimumf %get3A_430, %get3A_435 : vector<16xf32>
        %max3A_452 = arith.maximumf %get3A_440, %get3A_445 : vector<16xf32>
        %min3A_453 = arith.minimumf %get3A_440, %get3A_445 : vector<16xf32>
        %max3A_454 = arith.maximumf %max3A_446, %max3A_448 : vector<16xf32>
        %min3A_455 = arith.minimumf %max3A_446, %max3A_448 : vector<16xf32>
        %max3A_456 = arith.maximumf %min3A_447, %min3A_449 : vector<16xf32>
        %min3A_457 = arith.minimumf %min3A_447, %min3A_449 : vector<16xf32>
        %max3A_458 = arith.maximumf %max3A_450, %max3A_452 : vector<16xf32>
        %min3A_459 = arith.minimumf %max3A_450, %max3A_452 : vector<16xf32>
        %max3A_460 = arith.maximumf %min3A_451, %min3A_453 : vector<16xf32>
        %min3A_461 = arith.minimumf %min3A_451, %min3A_453 : vector<16xf32>
        %max3A_462 = arith.maximumf %max3A_456, %min3A_455 : vector<16xf32>
        %min3A_463 = arith.minimumf %max3A_456, %min3A_455 : vector<16xf32>
        %max3A_464 = arith.maximumf %max3A_460, %min3A_459 : vector<16xf32>
        %min3A_465 = arith.minimumf %max3A_460, %min3A_459 : vector<16xf32>
        %max3A_466 = arith.maximumf %max3A_454, %max3A_458 : vector<16xf32>
        %min3A_467 = arith.minimumf %max3A_454, %max3A_458 : vector<16xf32>
        %max3A_468 = arith.maximumf %max3A_462, %max3A_464 : vector<16xf32>
        %min3A_469 = arith.minimumf %max3A_462, %max3A_464 : vector<16xf32>
        %max3A_470 = arith.maximumf %min3A_463, %min3A_465 : vector<16xf32>
        %min3A_471 = arith.minimumf %min3A_463, %min3A_465 : vector<16xf32>
        %max3A_472 = arith.maximumf %min3A_457, %min3A_461 : vector<16xf32>
        %min3A_473 = arith.minimumf %min3A_457, %min3A_461 : vector<16xf32>
        %max3A_474 = arith.maximumf %max3A_470, %min3A_467 : vector<16xf32>
        %min3A_475 = arith.minimumf %max3A_470, %min3A_467 : vector<16xf32>
        %max3A_476 = arith.maximumf %max3A_472, %min3A_469 : vector<16xf32>
        %min3A_477 = arith.minimumf %max3A_472, %min3A_469 : vector<16xf32>
        %max3A_478 = arith.maximumf %max3A_468, %max3A_474 : vector<16xf32>
        %min3A_479 = arith.minimumf %max3A_468, %max3A_474 : vector<16xf32>
        %max3A_480 = arith.maximumf %max3A_476, %min3A_475 : vector<16xf32>
        %min3A_481 = arith.minimumf %max3A_476, %min3A_475 : vector<16xf32>
        %max3A_482 = arith.maximumf %min3A_477, %min3A_471 : vector<16xf32>
        %min3A_483 = arith.minimumf %min3A_477, %min3A_471 : vector<16xf32>
        %max3A_484 = arith.maximumf %scan3A_313, %min3A_395 : vector<16xf32>
        %max3A_485 = arith.maximumf %scan3A_314, %min3A_405 : vector<16xf32>
        %max3A_486 = arith.maximumf %scan3A_315, %max3A_404 : vector<16xf32>
        %max3A_487 = arith.maximumf %scan3A_316, %min3A_403 : vector<16xf32>
        %max3A_488 = arith.maximumf %scan3A_317, %max3A_402 : vector<16xf32>
        %max3A_489 = arith.maximumf %scan3A_318, %min3A_401 : vector<16xf32>
        %max3A_490 = arith.maximumf %scan3A_319, %max3A_400 : vector<16xf32>
        %max3A_491 = arith.maximumf %scan3A_320, %max3A_388 : vector<16xf32>
        %max3A_492 = arith.maximumf %max3A_484, %max3A_488 : vector<16xf32>
        %min3A_493 = arith.minimumf %max3A_484, %max3A_488 : vector<16xf32>
        %max3A_494 = arith.maximumf %max3A_485, %max3A_489 : vector<16xf32>
        %min3A_495 = arith.minimumf %max3A_485, %max3A_489 : vector<16xf32>
        %max3A_496 = arith.maximumf %max3A_486, %max3A_490 : vector<16xf32>
        %min3A_497 = arith.minimumf %max3A_486, %max3A_490 : vector<16xf32>
        %max3A_498 = arith.maximumf %max3A_487, %max3A_491 : vector<16xf32>
        %min3A_499 = arith.minimumf %max3A_487, %max3A_491 : vector<16xf32>
        %max3A_500 = arith.maximumf %max3A_492, %max3A_496 : vector<16xf32>
        %min3A_501 = arith.minimumf %max3A_492, %max3A_496 : vector<16xf32>
        %max3A_502 = arith.maximumf %max3A_494, %max3A_498 : vector<16xf32>
        %min3A_503 = arith.minimumf %max3A_494, %max3A_498 : vector<16xf32>
        %max3A_504 = arith.maximumf %min3A_493, %min3A_497 : vector<16xf32>
        %min3A_505 = arith.minimumf %min3A_493, %min3A_497 : vector<16xf32>
        %max3A_506 = arith.maximumf %min3A_495, %min3A_499 : vector<16xf32>
        %min3A_507 = arith.minimumf %min3A_495, %min3A_499 : vector<16xf32>
        %max3A_508 = arith.maximumf %max3A_500, %max3A_502 : vector<16xf32>
        %min3A_509 = arith.minimumf %max3A_500, %max3A_502 : vector<16xf32>
        %max3A_510 = arith.maximumf %min3A_501, %min3A_503 : vector<16xf32>
        %min3A_511 = arith.minimumf %min3A_501, %min3A_503 : vector<16xf32>
        %max3A_512 = arith.maximumf %max3A_504, %max3A_506 : vector<16xf32>
        %min3A_513 = arith.minimumf %max3A_504, %max3A_506 : vector<16xf32>
        %max3A_514 = arith.maximumf %min3A_505, %min3A_507 : vector<16xf32>
        %min3A_515 = arith.minimumf %min3A_505, %min3A_507 : vector<16xf32>
        %max3A_516 = arith.maximumf %scan3A_321, %min3A_473 : vector<16xf32>
        %max3A_517 = arith.maximumf %scan3A_322, %min3A_483 : vector<16xf32>
        %max3A_518 = arith.maximumf %scan3A_323, %max3A_482 : vector<16xf32>
        %max3A_519 = arith.maximumf %scan3A_324, %min3A_481 : vector<16xf32>
        %max3A_520 = arith.maximumf %scan3A_325, %max3A_480 : vector<16xf32>
        %max3A_521 = arith.maximumf %scan3A_326, %min3A_479 : vector<16xf32>
        %max3A_522 = arith.maximumf %scan3A_327, %max3A_478 : vector<16xf32>
        %max3A_523 = arith.maximumf %scan3A_328, %max3A_466 : vector<16xf32>
        %max3A_524 = arith.maximumf %max3A_516, %max3A_520 : vector<16xf32>
        %min3A_525 = arith.minimumf %max3A_516, %max3A_520 : vector<16xf32>
        %max3A_526 = arith.maximumf %max3A_517, %max3A_521 : vector<16xf32>
        %min3A_527 = arith.minimumf %max3A_517, %max3A_521 : vector<16xf32>
        %max3A_528 = arith.maximumf %max3A_518, %max3A_522 : vector<16xf32>
        %min3A_529 = arith.minimumf %max3A_518, %max3A_522 : vector<16xf32>
        %max3A_530 = arith.maximumf %max3A_519, %max3A_523 : vector<16xf32>
        %min3A_531 = arith.minimumf %max3A_519, %max3A_523 : vector<16xf32>
        %max3A_532 = arith.maximumf %max3A_524, %max3A_528 : vector<16xf32>
        %min3A_533 = arith.minimumf %max3A_524, %max3A_528 : vector<16xf32>
        %max3A_534 = arith.maximumf %max3A_526, %max3A_530 : vector<16xf32>
        %min3A_535 = arith.minimumf %max3A_526, %max3A_530 : vector<16xf32>
        %max3A_536 = arith.maximumf %min3A_525, %min3A_529 : vector<16xf32>
        %min3A_537 = arith.minimumf %min3A_525, %min3A_529 : vector<16xf32>
        %max3A_538 = arith.maximumf %min3A_527, %min3A_531 : vector<16xf32>
        %min3A_539 = arith.minimumf %min3A_527, %min3A_531 : vector<16xf32>
        %max3A_540 = arith.maximumf %max3A_532, %max3A_534 : vector<16xf32>
        %min3A_541 = arith.minimumf %max3A_532, %max3A_534 : vector<16xf32>
        %max3A_542 = arith.maximumf %min3A_533, %min3A_535 : vector<16xf32>
        %min3A_543 = arith.minimumf %min3A_533, %min3A_535 : vector<16xf32>
        %max3A_544 = arith.maximumf %max3A_536, %max3A_538 : vector<16xf32>
        %min3A_545 = arith.minimumf %max3A_536, %max3A_538 : vector<16xf32>
        %max3A_546 = arith.maximumf %min3A_537, %min3A_539 : vector<16xf32>
        %min3A_547 = arith.minimumf %min3A_537, %min3A_539 : vector<16xf32>
        scf.yield %max3A_508, %min3A_509, %max3A_510, %min3A_511, %max3A_512, %min3A_513, %max3A_514, %min3A_515, %max3A_540, %min3A_541, %max3A_542, %min3A_543, %max3A_544, %min3A_545, %max3A_546, %min3A_547 : vector<16xf32>, vector<16xf32>, vector<16xf32>, vector<16xf32>, vector<16xf32>, vector<16xf32>, vector<16xf32>, vector<16xf32>, vector<16xf32>, vector<16xf32>, vector<16xf32>, vector<16xf32>, vector<16xf32>, vector<16xf32>, vector<16xf32>, vector<16xf32>
      }
      %scan3A_262 = arith.constant 32 : i32
      %scan3A_263 = arith.constant 0 : i32
      %scan3A_264 = arith.constant 32 : i32
      %scan3A_265 = arith.addi %scan3A_263, %scan3A_264 : i32
      %scan3A_266 = arith.constant 1 : i32
      %scan3A_267:16 = scf.for %scan3A_312 = %scan3A_263 to %scan3A_265 step %scan3A_266 iter_args(%scan3A_313 = %scan3A_204, %scan3A_314 = %scan3A_205, %scan3A_315 = %scan3A_206, %scan3A_316 = %scan3A_207, %scan3A_317 = %scan3A_208, %scan3A_318 = %scan3A_209, %scan3A_319 = %scan3A_210, %scan3A_320 = %scan3A_211, %scan3A_321 = %scan3A_212, %scan3A_322 = %scan3A_213, %scan3A_323 = %scan3A_214, %scan3A_324 = %scan3A_215, %scan3A_325 = %scan3A_216, %scan3A_326 = %scan3A_217, %scan3A_327 = %scan3A_218, %scan3A_328 = %scan3A_219) -> (vector<16xf32>, vector<16xf32>, vector<16xf32>, vector<16xf32>, vector<16xf32>, vector<16xf32>, vector<16xf32>, vector<16xf32>, vector<16xf32>, vector<16xf32>, vector<16xf32>, vector<16xf32>, vector<16xf32>, vector<16xf32>, vector<16xf32>, vector<16xf32>)  : i32 {
        %mul3A_329 = arith.constant 8 : i32
        %mul3A_330 = arith.muli %scan3A_312, %mul3A_329 : i32
        %add3A_331 = arith.constant 0 : i32
        %add3A_332 = arith.addi %mul3A_330, %add3A_331 : i32
        %get3A = arith.index_cast %add3A_332 : i32 to index
        %get3A_333 = arith.constant 64 : index
        %get3A_334 = tpu.vector_load %arg4[%get3A, %get3A_333] {strides = array<i32>} : memref<256x128xf32, #tpu.memory_space<vmem>>, vector<16xf32>,
        %add3A_335 = arith.constant 1 : i32
        %add3A_336 = arith.addi %mul3A_330, %add3A_335 : i32
        %get3A_337 = arith.index_cast %add3A_336 : i32 to index
        %get3A_338 = arith.constant 64 : index
        %get3A_339 = tpu.vector_load %arg4[%get3A_337, %get3A_338] {strides = array<i32>} : memref<256x128xf32, #tpu.memory_space<vmem>>, vector<16xf32>,
        %add3A_340 = arith.constant 2 : i32
        %add3A_341 = arith.addi %mul3A_330, %add3A_340 : i32
        %get3A_342 = arith.index_cast %add3A_341 : i32 to index
        %get3A_343 = arith.constant 64 : index
        %get3A_344 = tpu.vector_load %arg4[%get3A_342, %get3A_343] {strides = array<i32>} : memref<256x128xf32, #tpu.memory_space<vmem>>, vector<16xf32>,
        %add3A_345 = arith.constant 3 : i32
        %add3A_346 = arith.addi %mul3A_330, %add3A_345 : i32
        %get3A_347 = arith.index_cast %add3A_346 : i32 to index
        %get3A_348 = arith.constant 64 : index
        %get3A_349 = tpu.vector_load %arg4[%get3A_347, %get3A_348] {strides = array<i32>} : memref<256x128xf32, #tpu.memory_space<vmem>>, vector<16xf32>,
        %add3A_350 = arith.constant 4 : i32
        %add3A_351 = arith.addi %mul3A_330, %add3A_350 : i32
        %get3A_352 = arith.index_cast %add3A_351 : i32 to index
        %get3A_353 = arith.constant 64 : index
        %get3A_354 = tpu.vector_load %arg4[%get3A_352, %get3A_353] {strides = array<i32>} : memref<256x128xf32, #tpu.memory_space<vmem>>, vector<16xf32>,
        %add3A_355 = arith.constant 5 : i32
        %add3A_356 = arith.addi %mul3A_330, %add3A_355 : i32
        %get3A_357 = arith.index_cast %add3A_356 : i32 to index
        %get3A_358 = arith.constant 64 : index
        %get3A_359 = tpu.vector_load %arg4[%get3A_357, %get3A_358] {strides = array<i32>} : memref<256x128xf32, #tpu.memory_space<vmem>>, vector<16xf32>,
        %add3A_360 = arith.constant 6 : i32
        %add3A_361 = arith.addi %mul3A_330, %add3A_360 : i32
        %get3A_362 = arith.index_cast %add3A_361 : i32 to index
        %get3A_363 = arith.constant 64 : index
        %get3A_364 = tpu.vector_load %arg4[%get3A_362, %get3A_363] {strides = array<i32>} : memref<256x128xf32, #tpu.memory_space<vmem>>, vector<16xf32>,
        %add3A_365 = arith.constant 7 : i32
        %add3A_366 = arith.addi %mul3A_330, %add3A_365 : i32
        %get3A_367 = arith.index_cast %add3A_366 : i32 to index
        %get3A_368 = arith.constant 64 : index
        %get3A_369 = tpu.vector_load %arg4[%get3A_367, %get3A_368] {strides = array<i32>} : memref<256x128xf32, #tpu.memory_space<vmem>>, vector<16xf32>,
        %max3A = arith.maximumf %get3A_334, %get3A_339 : vector<16xf32>
        %min3A = arith.minimumf %get3A_334, %get3A_339 : vector<16xf32>
        %max3A_370 = arith.maximumf %get3A_344, %get3A_349 : vector<16xf32>
        %min3A_371 = arith.minimumf %get3A_344, %get3A_349 : vector<16xf32>
        %max3A_372 = arith.maximumf %get3A_354, %get3A_359 : vector<16xf32>
        %min3A_373 = arith.minimumf %get3A_354, %get3A_359 : vector<16xf32>
        %max3A_374 = arith.maximumf %get3A_364, %get3A_369 : vector<16xf32>
        %min3A_375 = arith.minimumf %get3A_364, %get3A_369 : vector<16xf32>
        %max3A_376 = arith.maximumf %max3A, %max3A_370 : vector<16xf32>
        %min3A_377 = arith.minimumf %max3A, %max3A_370 : vector<16xf32>
        %max3A_378 = arith.maximumf %min3A, %min3A_371 : vector<16xf32>
        %min3A_379 = arith.minimumf %min3A, %min3A_371 : vector<16xf32>
        %max3A_380 = arith.maximumf %max3A_372, %max3A_374 : vector<16xf32>
        %min3A_381 = arith.minimumf %max3A_372, %max3A_374 : vector<16xf32>
        %max3A_382 = arith.maximumf %min3A_373, %min3A_375 : vector<16xf32>
        %min3A_383 = arith.minimumf %min3A_373, %min3A_375 : vector<16xf32>
        %max3A_384 = arith.maximumf %max3A_378, %min3A_377 : vector<16xf32>
        %min3A_385 = arith.minimumf %max3A_378, %min3A_377 : vector<16xf32>
        %max3A_386 = arith.maximumf %max3A_382, %min3A_381 : vector<16xf32>
        %min3A_387 = arith.minimumf %max3A_382, %min3A_381 : vector<16xf32>
        %max3A_388 = arith.maximumf %max3A_376, %max3A_380 : vector<16xf32>
        %min3A_389 = arith.minimumf %max3A_376, %max3A_380 : vector<16xf32>
        %max3A_390 = arith.maximumf %max3A_384, %max3A_386 : vector<16xf32>
        %min3A_391 = arith.minimumf %max3A_384, %max3A_386 : vector<16xf32>
        %max3A_392 = arith.maximumf %min3A_385, %min3A_387 : vector<16xf32>
        %min3A_393 = arith.minimumf %min3A_385, %min3A_387 : vector<16xf32>
        %max3A_394 = arith.maximumf %min3A_379, %min3A_383 : vector<16xf32>
        %min3A_395 = arith.minimumf %min3A_379, %min3A_383 : vector<16xf32>
        %max3A_396 = arith.maximumf %max3A_392, %min3A_389 : vector<16xf32>
        %min3A_397 = arith.minimumf %max3A_392, %min3A_389 : vector<16xf32>
        %max3A_398 = arith.maximumf %max3A_394, %min3A_391 : vector<16xf32>
        %min3A_399 = arith.minimumf %max3A_394, %min3A_391 : vector<16xf32>
        %max3A_400 = arith.maximumf %max3A_390, %max3A_396 : vector<16xf32>
        %min3A_401 = arith.minimumf %max3A_390, %max3A_396 : vector<16xf32>
        %max3A_402 = arith.maximumf %max3A_398, %min3A_397 : vector<16xf32>
        %min3A_403 = arith.minimumf %max3A_398, %min3A_397 : vector<16xf32>
        %max3A_404 = arith.maximumf %min3A_399, %min3A_393 : vector<16xf32>
        %min3A_405 = arith.minimumf %min3A_399, %min3A_393 : vector<16xf32>
        %add3A_406 = arith.constant 0 : i32
        %add3A_407 = arith.addi %mul3A_330, %add3A_406 : i32
        %get3A_408 = arith.index_cast %add3A_407 : i32 to index
        %get3A_409 = arith.constant 80 : index
        %get3A_410 = tpu.vector_load %arg4[%get3A_408, %get3A_409] {strides = array<i32>} : memref<256x128xf32, #tpu.memory_space<vmem>>, vector<16xf32>,
        %add3A_411 = arith.constant 1 : i32
        %add3A_412 = arith.addi %mul3A_330, %add3A_411 : i32
        %get3A_413 = arith.index_cast %add3A_412 : i32 to index
        %get3A_414 = arith.constant 80 : index
        %get3A_415 = tpu.vector_load %arg4[%get3A_413, %get3A_414] {strides = array<i32>} : memref<256x128xf32, #tpu.memory_space<vmem>>, vector<16xf32>,
        %add3A_416 = arith.constant 2 : i32
        %add3A_417 = arith.addi %mul3A_330, %add3A_416 : i32
        %get3A_418 = arith.index_cast %add3A_417 : i32 to index
        %get3A_419 = arith.constant 80 : index
        %get3A_420 = tpu.vector_load %arg4[%get3A_418, %get3A_419] {strides = array<i32>} : memref<256x128xf32, #tpu.memory_space<vmem>>, vector<16xf32>,
        %add3A_421 = arith.constant 3 : i32
        %add3A_422 = arith.addi %mul3A_330, %add3A_421 : i32
        %get3A_423 = arith.index_cast %add3A_422 : i32 to index
        %get3A_424 = arith.constant 80 : index
        %get3A_425 = tpu.vector_load %arg4[%get3A_423, %get3A_424] {strides = array<i32>} : memref<256x128xf32, #tpu.memory_space<vmem>>, vector<16xf32>,
        %add3A_426 = arith.constant 4 : i32
        %add3A_427 = arith.addi %mul3A_330, %add3A_426 : i32
        %get3A_428 = arith.index_cast %add3A_427 : i32 to index
        %get3A_429 = arith.constant 80 : index
        %get3A_430 = tpu.vector_load %arg4[%get3A_428, %get3A_429] {strides = array<i32>} : memref<256x128xf32, #tpu.memory_space<vmem>>, vector<16xf32>,
        %add3A_431 = arith.constant 5 : i32
        %add3A_432 = arith.addi %mul3A_330, %add3A_431 : i32
        %get3A_433 = arith.index_cast %add3A_432 : i32 to index
        %get3A_434 = arith.constant 80 : index
        %get3A_435 = tpu.vector_load %arg4[%get3A_433, %get3A_434] {strides = array<i32>} : memref<256x128xf32, #tpu.memory_space<vmem>>, vector<16xf32>,
        %add3A_436 = arith.constant 6 : i32
        %add3A_437 = arith.addi %mul3A_330, %add3A_436 : i32
        %get3A_438 = arith.index_cast %add3A_437 : i32 to index
        %get3A_439 = arith.constant 80 : index
        %get3A_440 = tpu.vector_load %arg4[%get3A_438, %get3A_439] {strides = array<i32>} : memref<256x128xf32, #tpu.memory_space<vmem>>, vector<16xf32>,
        %add3A_441 = arith.constant 7 : i32
        %add3A_442 = arith.addi %mul3A_330, %add3A_441 : i32
        %get3A_443 = arith.index_cast %add3A_442 : i32 to index
        %get3A_444 = arith.constant 80 : index
        %get3A_445 = tpu.vector_load %arg4[%get3A_443, %get3A_444] {strides = array<i32>} : memref<256x128xf32, #tpu.memory_space<vmem>>, vector<16xf32>,
        %max3A_446 = arith.maximumf %get3A_410, %get3A_415 : vector<16xf32>
        %min3A_447 = arith.minimumf %get3A_410, %get3A_415 : vector<16xf32>
        %max3A_448 = arith.maximumf %get3A_420, %get3A_425 : vector<16xf32>
        %min3A_449 = arith.minimumf %get3A_420, %get3A_425 : vector<16xf32>
        %max3A_450 = arith.maximumf %get3A_430, %get3A_435 : vector<16xf32>
        %min3A_451 = arith.minimumf %get3A_430, %get3A_435 : vector<16xf32>
        %max3A_452 = arith.maximumf %get3A_440, %get3A_445 : vector<16xf32>
        %min3A_453 = arith.minimumf %get3A_440, %get3A_445 : vector<16xf32>
        %max3A_454 = arith.maximumf %max3A_446, %max3A_448 : vector<16xf32>
        %min3A_455 = arith.minimumf %max3A_446, %max3A_448 : vector<16xf32>
        %max3A_456 = arith.maximumf %min3A_447, %min3A_449 : vector<16xf32>
        %min3A_457 = arith.minimumf %min3A_447, %min3A_449 : vector<16xf32>
        %max3A_458 = arith.maximumf %max3A_450, %max3A_452 : vector<16xf32>
        %min3A_459 = arith.minimumf %max3A_450, %max3A_452 : vector<16xf32>
        %max3A_460 = arith.maximumf %min3A_451, %min3A_453 : vector<16xf32>
        %min3A_461 = arith.minimumf %min3A_451, %min3A_453 : vector<16xf32>
        %max3A_462 = arith.maximumf %max3A_456, %min3A_455 : vector<16xf32>
        %min3A_463 = arith.minimumf %max3A_456, %min3A_455 : vector<16xf32>
        %max3A_464 = arith.maximumf %max3A_460, %min3A_459 : vector<16xf32>
        %min3A_465 = arith.minimumf %max3A_460, %min3A_459 : vector<16xf32>
        %max3A_466 = arith.maximumf %max3A_454, %max3A_458 : vector<16xf32>
        %min3A_467 = arith.minimumf %max3A_454, %max3A_458 : vector<16xf32>
        %max3A_468 = arith.maximumf %max3A_462, %max3A_464 : vector<16xf32>
        %min3A_469 = arith.minimumf %max3A_462, %max3A_464 : vector<16xf32>
        %max3A_470 = arith.maximumf %min3A_463, %min3A_465 : vector<16xf32>
        %min3A_471 = arith.minimumf %min3A_463, %min3A_465 : vector<16xf32>
        %max3A_472 = arith.maximumf %min3A_457, %min3A_461 : vector<16xf32>
        %min3A_473 = arith.minimumf %min3A_457, %min3A_461 : vector<16xf32>
        %max3A_474 = arith.maximumf %max3A_470, %min3A_467 : vector<16xf32>
        %min3A_475 = arith.minimumf %max3A_470, %min3A_467 : vector<16xf32>
        %max3A_476 = arith.maximumf %max3A_472, %min3A_469 : vector<16xf32>
        %min3A_477 = arith.minimumf %max3A_472, %min3A_469 : vector<16xf32>
        %max3A_478 = arith.maximumf %max3A_468, %max3A_474 : vector<16xf32>
        %min3A_479 = arith.minimumf %max3A_468, %max3A_474 : vector<16xf32>
        %max3A_480 = arith.maximumf %max3A_476, %min3A_475 : vector<16xf32>
        %min3A_481 = arith.minimumf %max3A_476, %min3A_475 : vector<16xf32>
        %max3A_482 = arith.maximumf %min3A_477, %min3A_471 : vector<16xf32>
        %min3A_483 = arith.minimumf %min3A_477, %min3A_471 : vector<16xf32>
        %max3A_484 = arith.maximumf %scan3A_313, %min3A_395 : vector<16xf32>
        %max3A_485 = arith.maximumf %scan3A_314, %min3A_405 : vector<16xf32>
        %max3A_486 = arith.maximumf %scan3A_315, %max3A_404 : vector<16xf32>
        %max3A_487 = arith.maximumf %scan3A_316, %min3A_403 : vector<16xf32>
        %max3A_488 = arith.maximumf %scan3A_317, %max3A_402 : vector<16xf32>
        %max3A_489 = arith.maximumf %scan3A_318, %min3A_401 : vector<16xf32>
        %max3A_490 = arith.maximumf %scan3A_319, %max3A_400 : vector<16xf32>
        %max3A_491 = arith.maximumf %scan3A_320, %max3A_388 : vector<16xf32>
        %max3A_492 = arith.maximumf %max3A_484, %max3A_488 : vector<16xf32>
        %min3A_493 = arith.minimumf %max3A_484, %max3A_488 : vector<16xf32>
        %max3A_494 = arith.maximumf %max3A_485, %max3A_489 : vector<16xf32>
        %min3A_495 = arith.minimumf %max3A_485, %max3A_489 : vector<16xf32>
        %max3A_496 = arith.maximumf %max3A_486, %max3A_490 : vector<16xf32>
        %min3A_497 = arith.minimumf %max3A_486, %max3A_490 : vector<16xf32>
        %max3A_498 = arith.maximumf %max3A_487, %max3A_491 : vector<16xf32>
        %min3A_499 = arith.minimumf %max3A_487, %max3A_491 : vector<16xf32>
        %max3A_500 = arith.maximumf %max3A_492, %max3A_496 : vector<16xf32>
        %min3A_501 = arith.minimumf %max3A_492, %max3A_496 : vector<16xf32>
        %max3A_502 = arith.maximumf %max3A_494, %max3A_498 : vector<16xf32>
        %min3A_503 = arith.minimumf %max3A_494, %max3A_498 : vector<16xf32>
        %max3A_504 = arith.maximumf %min3A_493, %min3A_497 : vector<16xf32>
        %min3A_505 = arith.minimumf %min3A_493, %min3A_497 : vector<16xf32>
        %max3A_506 = arith.maximumf %min3A_495, %min3A_499 : vector<16xf32>
        %min3A_507 = arith.minimumf %min3A_495, %min3A_499 : vector<16xf32>
        %max3A_508 = arith.maximumf %max3A_500, %max3A_502 : vector<16xf32>
        %min3A_509 = arith.minimumf %max3A_500, %max3A_502 : vector<16xf32>
        %max3A_510 = arith.maximumf %min3A_501, %min3A_503 : vector<16xf32>
        %min3A_511 = arith.minimumf %min3A_501, %min3A_503 : vector<16xf32>
        %max3A_512 = arith.maximumf %max3A_504, %max3A_506 : vector<16xf32>
        %min3A_513 = arith.minimumf %max3A_504, %max3A_506 : vector<16xf32>
        %max3A_514 = arith.maximumf %min3A_505, %min3A_507 : vector<16xf32>
        %min3A_515 = arith.minimumf %min3A_505, %min3A_507 : vector<16xf32>
        %max3A_516 = arith.maximumf %scan3A_321, %min3A_473 : vector<16xf32>
        %max3A_517 = arith.maximumf %scan3A_322, %min3A_483 : vector<16xf32>
        %max3A_518 = arith.maximumf %scan3A_323, %max3A_482 : vector<16xf32>
        %max3A_519 = arith.maximumf %scan3A_324, %min3A_481 : vector<16xf32>
        %max3A_520 = arith.maximumf %scan3A_325, %max3A_480 : vector<16xf32>
        %max3A_521 = arith.maximumf %scan3A_326, %min3A_479 : vector<16xf32>
        %max3A_522 = arith.maximumf %scan3A_327, %max3A_478 : vector<16xf32>
        %max3A_523 = arith.maximumf %scan3A_328, %max3A_466 : vector<16xf32>
        %max3A_524 = arith.maximumf %max3A_516, %max3A_520 : vector<16xf32>
        %min3A_525 = arith.minimumf %max3A_516, %max3A_520 : vector<16xf32>
        %max3A_526 = arith.maximumf %max3A_517, %max3A_521 : vector<16xf32>
        %min3A_527 = arith.minimumf %max3A_517, %max3A_521 : vector<16xf32>
        %max3A_528 = arith.maximumf %max3A_518, %max3A_522 : vector<16xf32>
        %min3A_529 = arith.minimumf %max3A_518, %max3A_522 : vector<16xf32>
        %max3A_530 = arith.maximumf %max3A_519, %max3A_523 : vector<16xf32>
        %min3A_531 = arith.minimumf %max3A_519, %max3A_523 : vector<16xf32>
        %max3A_532 = arith.maximumf %max3A_524, %max3A_528 : vector<16xf32>
        %min3A_533 = arith.minimumf %max3A_524, %max3A_528 : vector<16xf32>
        %max3A_534 = arith.maximumf %max3A_526, %max3A_530 : vector<16xf32>
        %min3A_535 = arith.minimumf %max3A_526, %max3A_530 : vector<16xf32>
        %max3A_536 = arith.maximumf %min3A_525, %min3A_529 : vector<16xf32>
        %min3A_537 = arith.minimumf %min3A_525, %min3A_529 : vector<16xf32>
        %max3A_538 = arith.maximumf %min3A_527, %min3A_531 : vector<16xf32>
        %min3A_539 = arith.minimumf %min3A_527, %min3A_531 : vector<16xf32>
        %max3A_540 = arith.maximumf %max3A_532, %max3A_534 : vector<16xf32>
        %min3A_541 = arith.minimumf %max3A_532, %max3A_534 : vector<16xf32>
        %max3A_542 = arith.maximumf %min3A_533, %min3A_535 : vector<16xf32>
        %min3A_543 = arith.minimumf %min3A_533, %min3A_535 : vector<16xf32>
        %max3A_544 = arith.maximumf %max3A_536, %max3A_538 : vector<16xf32>
        %min3A_545 = arith.minimumf %max3A_536, %max3A_538 : vector<16xf32>
        %max3A_546 = arith.maximumf %min3A_537, %min3A_539 : vector<16xf32>
        %min3A_547 = arith.minimumf %min3A_537, %min3A_539 : vector<16xf32>
        scf.yield %max3A_508, %min3A_509, %max3A_510, %min3A_511, %max3A_512, %min3A_513, %max3A_514, %min3A_515, %max3A_540, %min3A_541, %max3A_542, %min3A_543, %max3A_544, %min3A_545, %max3A_546, %min3A_547 : vector<16xf32>, vector<16xf32>, vector<16xf32>, vector<16xf32>, vector<16xf32>, vector<16xf32>, vector<16xf32>, vector<16xf32>, vector<16xf32>, vector<16xf32>, vector<16xf32>, vector<16xf32>, vector<16xf32>, vector<16xf32>, vector<16xf32>, vector<16xf32>
      }
      %scan3A_268 = arith.constant 32 : i32
      %scan3A_269 = arith.constant 0 : i32
      %scan3A_270 = arith.constant 32 : i32
      %scan3A_271 = arith.addi %scan3A_269, %scan3A_270 : i32
      %scan3A_272 = arith.constant 1 : i32
      %scan3A_273:16 = scf.for %scan3A_312 = %scan3A_269 to %scan3A_271 step %scan3A_272 iter_args(%scan3A_313 = %scan3A_220, %scan3A_314 = %scan3A_221, %scan3A_315 = %scan3A_222, %scan3A_316 = %scan3A_223, %scan3A_317 = %scan3A_224, %scan3A_318 = %scan3A_225, %scan3A_319 = %scan3A_226, %scan3A_320 = %scan3A_227, %scan3A_321 = %scan3A_228, %scan3A_322 = %scan3A_229, %scan3A_323 = %scan3A_230, %scan3A_324 = %scan3A_231, %scan3A_325 = %scan3A_232, %scan3A_326 = %scan3A_233, %scan3A_327 = %scan3A_234, %scan3A_328 = %scan3A_235) -> (vector<16xf32>, vector<16xf32>, vector<16xf32>, vector<16xf32>, vector<16xf32>, vector<16xf32>, vector<16xf32>, vector<16xf32>, vector<16xf32>, vector<16xf32>, vector<16xf32>, vector<16xf32>, vector<16xf32>, vector<16xf32>, vector<16xf32>, vector<16xf32>)  : i32 {
        %mul3A_329 = arith.constant 8 : i32
        %mul3A_330 = arith.muli %scan3A_312, %mul3A_329 : i32
        %add3A_331 = arith.constant 0 : i32
        %add3A_332 = arith.addi %mul3A_330, %add3A_331 : i32
        %get3A = arith.index_cast %add3A_332 : i32 to index
        %get3A_333 = arith.constant 96 : index
        %get3A_334 = tpu.vector_load %arg4[%get3A, %get3A_333] {strides = array<i32>} : memref<256x128xf32, #tpu.memory_space<vmem>>, vector<16xf32>,
        %add3A_335 = arith.constant 1 : i32
        %add3A_336 = arith.addi %mul3A_330, %add3A_335 : i32
        %get3A_337 = arith.index_cast %add3A_336 : i32 to index
        %get3A_338 = arith.constant 96 : index
        %get3A_339 = tpu.vector_load %arg4[%get3A_337, %get3A_338] {strides = array<i32>} : memref<256x128xf32, #tpu.memory_space<vmem>>, vector<16xf32>,
        %add3A_340 = arith.constant 2 : i32
        %add3A_341 = arith.addi %mul3A_330, %add3A_340 : i32
        %get3A_342 = arith.index_cast %add3A_341 : i32 to index
        %get3A_343 = arith.constant 96 : index
        %get3A_344 = tpu.vector_load %arg4[%get3A_342, %get3A_343] {strides = array<i32>} : memref<256x128xf32, #tpu.memory_space<vmem>>, vector<16xf32>,
        %add3A_345 = arith.constant 3 : i32
        %add3A_346 = arith.addi %mul3A_330, %add3A_345 : i32
        %get3A_347 = arith.index_cast %add3A_346 : i32 to index
        %get3A_348 = arith.constant 96 : index
        %get3A_349 = tpu.vector_load %arg4[%get3A_347, %get3A_348] {strides = array<i32>} : memref<256x128xf32, #tpu.memory_space<vmem>>, vector<16xf32>,
        %add3A_350 = arith.constant 4 : i32
        %add3A_351 = arith.addi %mul3A_330, %add3A_350 : i32
        %get3A_352 = arith.index_cast %add3A_351 : i32 to index
        %get3A_353 = arith.constant 96 : index
        %get3A_354 = tpu.vector_load %arg4[%get3A_352, %get3A_353] {strides = array<i32>} : memref<256x128xf32, #tpu.memory_space<vmem>>, vector<16xf32>,
        %add3A_355 = arith.constant 5 : i32
        %add3A_356 = arith.addi %mul3A_330, %add3A_355 : i32
        %get3A_357 = arith.index_cast %add3A_356 : i32 to index
        %get3A_358 = arith.constant 96 : index
        %get3A_359 = tpu.vector_load %arg4[%get3A_357, %get3A_358] {strides = array<i32>} : memref<256x128xf32, #tpu.memory_space<vmem>>, vector<16xf32>,
        %add3A_360 = arith.constant 6 : i32
        %add3A_361 = arith.addi %mul3A_330, %add3A_360 : i32
        %get3A_362 = arith.index_cast %add3A_361 : i32 to index
        %get3A_363 = arith.constant 96 : index
        %get3A_364 = tpu.vector_load %arg4[%get3A_362, %get3A_363] {strides = array<i32>} : memref<256x128xf32, #tpu.memory_space<vmem>>, vector<16xf32>,
        %add3A_365 = arith.constant 7 : i32
        %add3A_366 = arith.addi %mul3A_330, %add3A_365 : i32
        %get3A_367 = arith.index_cast %add3A_366 : i32 to index
        %get3A_368 = arith.constant 96 : index
        %get3A_369 = tpu.vector_load %arg4[%get3A_367, %get3A_368] {strides = array<i32>} : memref<256x128xf32, #tpu.memory_space<vmem>>, vector<16xf32>,
        %max3A = arith.maximumf %get3A_334, %get3A_339 : vector<16xf32>
        %min3A = arith.minimumf %get3A_334, %get3A_339 : vector<16xf32>
        %max3A_370 = arith.maximumf %get3A_344, %get3A_349 : vector<16xf32>
        %min3A_371 = arith.minimumf %get3A_344, %get3A_349 : vector<16xf32>
        %max3A_372 = arith.maximumf %get3A_354, %get3A_359 : vector<16xf32>
        %min3A_373 = arith.minimumf %get3A_354, %get3A_359 : vector<16xf32>
        %max3A_374 = arith.maximumf %get3A_364, %get3A_369 : vector<16xf32>
        %min3A_375 = arith.minimumf %get3A_364, %get3A_369 : vector<16xf32>
        %max3A_376 = arith.maximumf %max3A, %max3A_370 : vector<16xf32>
        %min3A_377 = arith.minimumf %max3A, %max3A_370 : vector<16xf32>
        %max3A_378 = arith.maximumf %min3A, %min3A_371 : vector<16xf32>
        %min3A_379 = arith.minimumf %min3A, %min3A_371 : vector<16xf32>
        %max3A_380 = arith.maximumf %max3A_372, %max3A_374 : vector<16xf32>
        %min3A_381 = arith.minimumf %max3A_372, %max3A_374 : vector<16xf32>
        %max3A_382 = arith.maximumf %min3A_373, %min3A_375 : vector<16xf32>
        %min3A_383 = arith.minimumf %min3A_373, %min3A_375 : vector<16xf32>
        %max3A_384 = arith.maximumf %max3A_378, %min3A_377 : vector<16xf32>
        %min3A_385 = arith.minimumf %max3A_378, %min3A_377 : vector<16xf32>
        %max3A_386 = arith.maximumf %max3A_382, %min3A_381 : vector<16xf32>
        %min3A_387 = arith.minimumf %max3A_382, %min3A_381 : vector<16xf32>
        %max3A_388 = arith.maximumf %max3A_376, %max3A_380 : vector<16xf32>
        %min3A_389 = arith.minimumf %max3A_376, %max3A_380 : vector<16xf32>
        %max3A_390 = arith.maximumf %max3A_384, %max3A_386 : vector<16xf32>
        %min3A_391 = arith.minimumf %max3A_384, %max3A_386 : vector<16xf32>
        %max3A_392 = arith.maximumf %min3A_385, %min3A_387 : vector<16xf32>
        %min3A_393 = arith.minimumf %min3A_385, %min3A_387 : vector<16xf32>
        %max3A_394 = arith.maximumf %min3A_379, %min3A_383 : vector<16xf32>
        %min3A_395 = arith.minimumf %min3A_379, %min3A_383 : vector<16xf32>
        %max3A_396 = arith.maximumf %max3A_392, %min3A_389 : vector<16xf32>
        %min3A_397 = arith.minimumf %max3A_392, %min3A_389 : vector<16xf32>
        %max3A_398 = arith.maximumf %max3A_394, %min3A_391 : vector<16xf32>
        %min3A_399 = arith.minimumf %max3A_394, %min3A_391 : vector<16xf32>
        %max3A_400 = arith.maximumf %max3A_390, %max3A_396 : vector<16xf32>
        %min3A_401 = arith.minimumf %max3A_390, %max3A_396 : vector<16xf32>
        %max3A_402 = arith.maximumf %max3A_398, %min3A_397 : vector<16xf32>
        %min3A_403 = arith.minimumf %max3A_398, %min3A_397 : vector<16xf32>
        %max3A_404 = arith.maximumf %min3A_399, %min3A_393 : vector<16xf32>
        %min3A_405 = arith.minimumf %min3A_399, %min3A_393 : vector<16xf32>
        %add3A_406 = arith.constant 0 : i32
        %add3A_407 = arith.addi %mul3A_330, %add3A_406 : i32
        %get3A_408 = arith.index_cast %add3A_407 : i32 to index
        %get3A_409 = arith.constant 112 : index
        %get3A_410 = tpu.vector_load %arg4[%get3A_408, %get3A_409] {strides = array<i32>} : memref<256x128xf32, #tpu.memory_space<vmem>>, vector<16xf32>,
        %add3A_411 = arith.constant 1 : i32
        %add3A_412 = arith.addi %mul3A_330, %add3A_411 : i32
        %get3A_413 = arith.index_cast %add3A_412 : i32 to index
        %get3A_414 = arith.constant 112 : index
        %get3A_415 = tpu.vector_load %arg4[%get3A_413, %get3A_414] {strides = array<i32>} : memref<256x128xf32, #tpu.memory_space<vmem>>, vector<16xf32>,
        %add3A_416 = arith.constant 2 : i32
        %add3A_417 = arith.addi %mul3A_330, %add3A_416 : i32
        %get3A_418 = arith.index_cast %add3A_417 : i32 to index
        %get3A_419 = arith.constant 112 : index
        %get3A_420 = tpu.vector_load %arg4[%get3A_418, %get3A_419] {strides = array<i32>} : memref<256x128xf32, #tpu.memory_space<vmem>>, vector<16xf32>,
        %add3A_421 = arith.constant 3 : i32
        %add3A_422 = arith.addi %mul3A_330, %add3A_421 : i32
        %get3A_423 = arith.index_cast %add3A_422 : i32 to index
        %get3A_424 = arith.constant 112 : index
        %get3A_425 = tpu.vector_load %arg4[%get3A_423, %get3A_424] {strides = array<i32>} : memref<256x128xf32, #tpu.memory_space<vmem>>, vector<16xf32>,
        %add3A_426 = arith.constant 4 : i32
        %add3A_427 = arith.addi %mul3A_330, %add3A_426 : i32
        %get3A_428 = arith.index_cast %add3A_427 : i32 to index
        %get3A_429 = arith.constant 112 : index
        %get3A_430 = tpu.vector_load %arg4[%get3A_428, %get3A_429] {strides = array<i32>} : memref<256x128xf32, #tpu.memory_space<vmem>>, vector<16xf32>,
        %add3A_431 = arith.constant 5 : i32
        %add3A_432 = arith.addi %mul3A_330, %add3A_431 : i32
        %get3A_433 = arith.index_cast %add3A_432 : i32 to index
        %get3A_434 = arith.constant 112 : index
        %get3A_435 = tpu.vector_load %arg4[%get3A_433, %get3A_434] {strides = array<i32>} : memref<256x128xf32, #tpu.memory_space<vmem>>, vector<16xf32>,
        %add3A_436 = arith.constant 6 : i32
        %add3A_437 = arith.addi %mul3A_330, %add3A_436 : i32
        %get3A_438 = arith.index_cast %add3A_437 : i32 to index
        %get3A_439 = arith.constant 112 : index
        %get3A_440 = tpu.vector_load %arg4[%get3A_438, %get3A_439] {strides = array<i32>} : memref<256x128xf32, #tpu.memory_space<vmem>>, vector<16xf32>,
        %add3A_441 = arith.constant 7 : i32
        %add3A_442 = arith.addi %mul3A_330, %add3A_441 : i32
        %get3A_443 = arith.index_cast %add3A_442 : i32 to index
        %get3A_444 = arith.constant 112 : index
        %get3A_445 = tpu.vector_load %arg4[%get3A_443, %get3A_444] {strides = array<i32>} : memref<256x128xf32, #tpu.memory_space<vmem>>, vector<16xf32>,
        %max3A_446 = arith.maximumf %get3A_410, %get3A_415 : vector<16xf32>
        %min3A_447 = arith.minimumf %get3A_410, %get3A_415 : vector<16xf32>
        %max3A_448 = arith.maximumf %get3A_420, %get3A_425 : vector<16xf32>
        %min3A_449 = arith.minimumf %get3A_420, %get3A_425 : vector<16xf32>
        %max3A_450 = arith.maximumf %get3A_430, %get3A_435 : vector<16xf32>
        %min3A_451 = arith.minimumf %get3A_430, %get3A_435 : vector<16xf32>
        %max3A_452 = arith.maximumf %get3A_440, %get3A_445 : vector<16xf32>
        %min3A_453 = arith.minimumf %get3A_440, %get3A_445 : vector<16xf32>
        %max3A_454 = arith.maximumf %max3A_446, %max3A_448 : vector<16xf32>
        %min3A_455 = arith.minimumf %max3A_446, %max3A_448 : vector<16xf32>
        %max3A_456 = arith.maximumf %min3A_447, %min3A_449 : vector<16xf32>
        %min3A_457 = arith.minimumf %min3A_447, %min3A_449 : vector<16xf32>
        %max3A_458 = arith.maximumf %max3A_450, %max3A_452 : vector<16xf32>
        %min3A_459 = arith.minimumf %max3A_450, %max3A_452 : vector<16xf32>
        %max3A_460 = arith.maximumf %min3A_451, %min3A_453 : vector<16xf32>
        %min3A_461 = arith.minimumf %min3A_451, %min3A_453 : vector<16xf32>
        %max3A_462 = arith.maximumf %max3A_456, %min3A_455 : vector<16xf32>
        %min3A_463 = arith.minimumf %max3A_456, %min3A_455 : vector<16xf32>
        %max3A_464 = arith.maximumf %max3A_460, %min3A_459 : vector<16xf32>
        %min3A_465 = arith.minimumf %max3A_460, %min3A_459 : vector<16xf32>
        %max3A_466 = arith.maximumf %max3A_454, %max3A_458 : vector<16xf32>
        %min3A_467 = arith.minimumf %max3A_454, %max3A_458 : vector<16xf32>
        %max3A_468 = arith.maximumf %max3A_462, %max3A_464 : vector<16xf32>
        %min3A_469 = arith.minimumf %max3A_462, %max3A_464 : vector<16xf32>
        %max3A_470 = arith.maximumf %min3A_463, %min3A_465 : vector<16xf32>
        %min3A_471 = arith.minimumf %min3A_463, %min3A_465 : vector<16xf32>
        %max3A_472 = arith.maximumf %min3A_457, %min3A_461 : vector<16xf32>
        %min3A_473 = arith.minimumf %min3A_457, %min3A_461 : vector<16xf32>
        %max3A_474 = arith.maximumf %max3A_470, %min3A_467 : vector<16xf32>
        %min3A_475 = arith.minimumf %max3A_470, %min3A_467 : vector<16xf32>
        %max3A_476 = arith.maximumf %max3A_472, %min3A_469 : vector<16xf32>
        %min3A_477 = arith.minimumf %max3A_472, %min3A_469 : vector<16xf32>
        %max3A_478 = arith.maximumf %max3A_468, %max3A_474 : vector<16xf32>
        %min3A_479 = arith.minimumf %max3A_468, %max3A_474 : vector<16xf32>
        %max3A_480 = arith.maximumf %max3A_476, %min3A_475 : vector<16xf32>
        %min3A_481 = arith.minimumf %max3A_476, %min3A_475 : vector<16xf32>
        %max3A_482 = arith.maximumf %min3A_477, %min3A_471 : vector<16xf32>
        %min3A_483 = arith.minimumf %min3A_477, %min3A_471 : vector<16xf32>
        %max3A_484 = arith.maximumf %scan3A_313, %min3A_395 : vector<16xf32>
        %max3A_485 = arith.maximumf %scan3A_314, %min3A_405 : vector<16xf32>
        %max3A_486 = arith.maximumf %scan3A_315, %max3A_404 : vector<16xf32>
        %max3A_487 = arith.maximumf %scan3A_316, %min3A_403 : vector<16xf32>
        %max3A_488 = arith.maximumf %scan3A_317, %max3A_402 : vector<16xf32>
        %max3A_489 = arith.maximumf %scan3A_318, %min3A_401 : vector<16xf32>
        %max3A_490 = arith.maximumf %scan3A_319, %max3A_400 : vector<16xf32>
        %max3A_491 = arith.maximumf %scan3A_320, %max3A_388 : vector<16xf32>
        %max3A_492 = arith.maximumf %max3A_484, %max3A_488 : vector<16xf32>
        %min3A_493 = arith.minimumf %max3A_484, %max3A_488 : vector<16xf32>
        %max3A_494 = arith.maximumf %max3A_485, %max3A_489 : vector<16xf32>
        %min3A_495 = arith.minimumf %max3A_485, %max3A_489 : vector<16xf32>
        %max3A_496 = arith.maximumf %max3A_486, %max3A_490 : vector<16xf32>
        %min3A_497 = arith.minimumf %max3A_486, %max3A_490 : vector<16xf32>
        %max3A_498 = arith.maximumf %max3A_487, %max3A_491 : vector<16xf32>
        %min3A_499 = arith.minimumf %max3A_487, %max3A_491 : vector<16xf32>
        %max3A_500 = arith.maximumf %max3A_492, %max3A_496 : vector<16xf32>
        %min3A_501 = arith.minimumf %max3A_492, %max3A_496 : vector<16xf32>
        %max3A_502 = arith.maximumf %max3A_494, %max3A_498 : vector<16xf32>
        %min3A_503 = arith.minimumf %max3A_494, %max3A_498 : vector<16xf32>
        %max3A_504 = arith.maximumf %min3A_493, %min3A_497 : vector<16xf32>
        %min3A_505 = arith.minimumf %min3A_493, %min3A_497 : vector<16xf32>
        %max3A_506 = arith.maximumf %min3A_495, %min3A_499 : vector<16xf32>
        %min3A_507 = arith.minimumf %min3A_495, %min3A_499 : vector<16xf32>
        %max3A_508 = arith.maximumf %max3A_500, %max3A_502 : vector<16xf32>
        %min3A_509 = arith.minimumf %max3A_500, %max3A_502 : vector<16xf32>
        %max3A_510 = arith.maximumf %min3A_501, %min3A_503 : vector<16xf32>
        %min3A_511 = arith.minimumf %min3A_501, %min3A_503 : vector<16xf32>
        %max3A_512 = arith.maximumf %max3A_504, %max3A_506 : vector<16xf32>
        %min3A_513 = arith.minimumf %max3A_504, %max3A_506 : vector<16xf32>
        %max3A_514 = arith.maximumf %min3A_505, %min3A_507 : vector<16xf32>
        %min3A_515 = arith.minimumf %min3A_505, %min3A_507 : vector<16xf32>
        %max3A_516 = arith.maximumf %scan3A_321, %min3A_473 : vector<16xf32>
        %max3A_517 = arith.maximumf %scan3A_322, %min3A_483 : vector<16xf32>
        %max3A_518 = arith.maximumf %scan3A_323, %max3A_482 : vector<16xf32>
        %max3A_519 = arith.maximumf %scan3A_324, %min3A_481 : vector<16xf32>
        %max3A_520 = arith.maximumf %scan3A_325, %max3A_480 : vector<16xf32>
        %max3A_521 = arith.maximumf %scan3A_326, %min3A_479 : vector<16xf32>
        %max3A_522 = arith.maximumf %scan3A_327, %max3A_478 : vector<16xf32>
        %max3A_523 = arith.maximumf %scan3A_328, %max3A_466 : vector<16xf32>
        %max3A_524 = arith.maximumf %max3A_516, %max3A_520 : vector<16xf32>
        %min3A_525 = arith.minimumf %max3A_516, %max3A_520 : vector<16xf32>
        %max3A_526 = arith.maximumf %max3A_517, %max3A_521 : vector<16xf32>
        %min3A_527 = arith.minimumf %max3A_517, %max3A_521 : vector<16xf32>
        %max3A_528 = arith.maximumf %max3A_518, %max3A_522 : vector<16xf32>
        %min3A_529 = arith.minimumf %max3A_518, %max3A_522 : vector<16xf32>
        %max3A_530 = arith.maximumf %max3A_519, %max3A_523 : vector<16xf32>
        %min3A_531 = arith.minimumf %max3A_519, %max3A_523 : vector<16xf32>
        %max3A_532 = arith.maximumf %max3A_524, %max3A_528 : vector<16xf32>
        %min3A_533 = arith.minimumf %max3A_524, %max3A_528 : vector<16xf32>
        %max3A_534 = arith.maximumf %max3A_526, %max3A_530 : vector<16xf32>
        %min3A_535 = arith.minimumf %max3A_526, %max3A_530 : vector<16xf32>
        %max3A_536 = arith.maximumf %min3A_525, %min3A_529 : vector<16xf32>
        %min3A_537 = arith.minimumf %min3A_525, %min3A_529 : vector<16xf32>
        %max3A_538 = arith.maximumf %min3A_527, %min3A_531 : vector<16xf32>
        %min3A_539 = arith.minimumf %min3A_527, %min3A_531 : vector<16xf32>
        %max3A_540 = arith.maximumf %max3A_532, %max3A_534 : vector<16xf32>
        %min3A_541 = arith.minimumf %max3A_532, %max3A_534 : vector<16xf32>
        %max3A_542 = arith.maximumf %min3A_533, %min3A_535 : vector<16xf32>
        %min3A_543 = arith.minimumf %min3A_533, %min3A_535 : vector<16xf32>
        %max3A_544 = arith.maximumf %max3A_536, %max3A_538 : vector<16xf32>
        %min3A_545 = arith.minimumf %max3A_536, %max3A_538 : vector<16xf32>
        %max3A_546 = arith.maximumf %min3A_537, %min3A_539 : vector<16xf32>
        %min3A_547 = arith.minimumf %min3A_537, %min3A_539 : vector<16xf32>
        scf.yield %max3A_508, %min3A_509, %max3A_510, %min3A_511, %max3A_512, %min3A_513, %max3A_514, %min3A_515, %max3A_540, %min3A_541, %max3A_542, %min3A_543, %max3A_544, %min3A_545, %max3A_546, %min3A_547 : vector<16xf32>, vector<16xf32>, vector<16xf32>, vector<16xf32>, vector<16xf32>, vector<16xf32>, vector<16xf32>, vector<16xf32>, vector<16xf32>, vector<16xf32>, vector<16xf32>, vector<16xf32>, vector<16xf32>, vector<16xf32>, vector<16xf32>, vector<16xf32>
      }
      %scan3A_274 = arith.constant 32 : i32
      %add3A_275 = arith.constant 1 : i32
      %add3A_276 = arith.addi %scan3A_171, %add3A_275 : i32
      %lt3A_277 = arith.constant 16 : i32
      %lt3A_278 = arith.cmpi slt, %add3A_276, %lt3A_277 : i32
      %convert_element_type3A = arith.extui %lt3A_278 : i1 to i32
      %cond3A = arith.constant 0 : i32
      %cond3A_279 = arith.cmpi ne, %convert_element_type3A, %cond3A : i32
      scf.if %cond3A_279 {
        %add3A_312 = arith.constant 2 : i32
        %add3A_313 = arith.addi %mul3A_237, %add3A_312 : i32
        %mul3A_314 = arith.constant 256 : i32
        %mul3A_315 = arith.muli %add3A_313, %mul3A_314 : i32
        %dma_start3A_316 = tpu.memref_slice %arg2[%select_n3A, %mul3A_315, %mul3A_32] : memref<4x8192x1024xf32, #tpu.memory_space<hbm>> -> memref<1x256x128xf32, #tpu.memory_space<hbm>>
        %dma_start3A_317 = tpu.memref_squeeze %dma_start3A_316 : memref<1x256x128xf32, #tpu.memory_space<hbm>> -> memref<256x128xf32, #tpu.memory_space<hbm>>
        %dma_start3A_318 = tpu.memref_slice %arg2[%select_n3A, %mul3A_315, %mul3A_32] : memref<4x8192x1024xf32, #tpu.memory_space<hbm>> -> memref<1x256x128xf32, #tpu.memory_space<hbm>>
        %dma_start3A_319 = tpu.memref_squeeze %dma_start3A_318 : memref<1x256x128xf32, #tpu.memory_space<hbm>> -> memref<256x128xf32, #tpu.memory_space<hbm>>
        tpu.enqueue_dma source(%dma_start3A_319 : memref<256x128xf32, #tpu.memory_space<hbm>>) target(%arg4 : memref<256x128xf32, #tpu.memory_space<vmem>>) target_semaphore(%arg7 : memref<!tpu.dma_semaphore, #tpu.memory_space<semaphore_mem>>)
      } else {
      }
      %add3A_280 = arith.constant 1 : i32
      %add3A_281 = arith.addi %mul3A_237, %add3A_280 : i32
      %mul3A_282 = arith.constant 256 : i32
      %mul3A_283 = arith.muli %add3A_281, %mul3A_282 : i32
      %dma_wait3A_284 = tpu.memref_slice %arg2[%select_n3A, %mul3A_283, %mul3A_32] : memref<4x8192x1024xf32, #tpu.memory_space<hbm>> -> memref<1x256x128xf32, #tpu.memory_space<hbm>>
      %dma_wait3A_285 = tpu.memref_squeeze %dma_wait3A_284 : memref<1x256x128xf32, #tpu.memory_space<hbm>> -> memref<256x128xf32, #tpu.memory_space<hbm>>
      %dma_wait3A_286 = tpu.memref_slice %arg2[%select_n3A, %mul3A_283, %mul3A_32] : memref<4x8192x1024xf32, #tpu.memory_space<hbm>> -> memref<1x256x128xf32, #tpu.memory_space<hbm>>
      %dma_wait3A_287 = tpu.memref_squeeze %dma_wait3A_286 : memref<1x256x128xf32, #tpu.memory_space<hbm>> -> memref<256x128xf32, #tpu.memory_space<hbm>>
      tpu.wait_dma2 semaphore(%arg8 : memref<!tpu.dma_semaphore, #tpu.memory_space<semaphore_mem>>) src(%dma_wait3A_287 : memref<256x128xf32, #tpu.memory_space<hbm>>) dst(%arg5 : memref<256x128xf32, #tpu.memory_space<vmem>>)
      %scan3A_288 = arith.constant 0 : i32
      %scan3A_289 = arith.constant 32 : i32
      %scan3A_290 = arith.addi %scan3A_288, %scan3A_289 : i32
      %scan3A_291 = arith.constant 1 : i32
      %scan3A_292:16 = scf.for %scan3A_312 = %scan3A_288 to %scan3A_290 step %scan3A_291 iter_args(%scan3A_313 = %scan3A_255#0, %scan3A_314 = %scan3A_255#1, %scan3A_315 = %scan3A_255#2, %scan3A_316 = %scan3A_255#3, %scan3A_317 = %scan3A_255#4, %scan3A_318 = %scan3A_255#5, %scan3A_319 = %scan3A_255#6, %scan3A_320 = %scan3A_255#7, %scan3A_321 = %scan3A_255#8, %scan3A_322 = %scan3A_255#9, %scan3A_323 = %scan3A_255#10, %scan3A_324 = %scan3A_255#11, %scan3A_325 = %scan3A_255#12, %scan3A_326 = %scan3A_255#13, %scan3A_327 = %scan3A_255#14, %scan3A_328 = %scan3A_255#15) -> (vector<16xf32>, vector<16xf32>, vector<16xf32>, vector<16xf32>, vector<16xf32>, vector<16xf32>, vector<16xf32>, vector<16xf32>, vector<16xf32>, vector<16xf32>, vector<16xf32>, vector<16xf32>, vector<16xf32>, vector<16xf32>, vector<16xf32>, vector<16xf32>)  : i32 {
        %mul3A_329 = arith.constant 8 : i32
        %mul3A_330 = arith.muli %scan3A_312, %mul3A_329 : i32
        %add3A_331 = arith.constant 0 : i32
        %add3A_332 = arith.addi %mul3A_330, %add3A_331 : i32
        %get3A = arith.index_cast %add3A_332 : i32 to index
        %get3A_333 = arith.constant 0 : index
        %get3A_334 = tpu.vector_load %arg5[%get3A, %get3A_333] {strides = array<i32>} : memref<256x128xf32, #tpu.memory_space<vmem>>, vector<16xf32>,
        %add3A_335 = arith.constant 1 : i32
        %add3A_336 = arith.addi %mul3A_330, %add3A_335 : i32
        %get3A_337 = arith.index_cast %add3A_336 : i32 to index
        %get3A_338 = arith.constant 0 : index
        %get3A_339 = tpu.vector_load %arg5[%get3A_337, %get3A_338] {strides = array<i32>} : memref<256x128xf32, #tpu.memory_space<vmem>>, vector<16xf32>,
        %add3A_340 = arith.constant 2 : i32
        %add3A_341 = arith.addi %mul3A_330, %add3A_340 : i32
        %get3A_342 = arith.index_cast %add3A_341 : i32 to index
        %get3A_343 = arith.constant 0 : index
        %get3A_344 = tpu.vector_load %arg5[%get3A_342, %get3A_343] {strides = array<i32>} : memref<256x128xf32, #tpu.memory_space<vmem>>, vector<16xf32>,
        %add3A_345 = arith.constant 3 : i32
        %add3A_346 = arith.addi %mul3A_330, %add3A_345 : i32
        %get3A_347 = arith.index_cast %add3A_346 : i32 to index
        %get3A_348 = arith.constant 0 : index
        %get3A_349 = tpu.vector_load %arg5[%get3A_347, %get3A_348] {strides = array<i32>} : memref<256x128xf32, #tpu.memory_space<vmem>>, vector<16xf32>,
        %add3A_350 = arith.constant 4 : i32
        %add3A_351 = arith.addi %mul3A_330, %add3A_350 : i32
        %get3A_352 = arith.index_cast %add3A_351 : i32 to index
        %get3A_353 = arith.constant 0 : index
        %get3A_354 = tpu.vector_load %arg5[%get3A_352, %get3A_353] {strides = array<i32>} : memref<256x128xf32, #tpu.memory_space<vmem>>, vector<16xf32>,
        %add3A_355 = arith.constant 5 : i32
        %add3A_356 = arith.addi %mul3A_330, %add3A_355 : i32
        %get3A_357 = arith.index_cast %add3A_356 : i32 to index
        %get3A_358 = arith.constant 0 : index
        %get3A_359 = tpu.vector_load %arg5[%get3A_357, %get3A_358] {strides = array<i32>} : memref<256x128xf32, #tpu.memory_space<vmem>>, vector<16xf32>,
        %add3A_360 = arith.constant 6 : i32
        %add3A_361 = arith.addi %mul3A_330, %add3A_360 : i32
        %get3A_362 = arith.index_cast %add3A_361 : i32 to index
        %get3A_363 = arith.constant 0 : index
        %get3A_364 = tpu.vector_load %arg5[%get3A_362, %get3A_363] {strides = array<i32>} : memref<256x128xf32, #tpu.memory_space<vmem>>, vector<16xf32>,
        %add3A_365 = arith.constant 7 : i32
        %add3A_366 = arith.addi %mul3A_330, %add3A_365 : i32
        %get3A_367 = arith.index_cast %add3A_366 : i32 to index
        %get3A_368 = arith.constant 0 : index
        %get3A_369 = tpu.vector_load %arg5[%get3A_367, %get3A_368] {strides = array<i32>} : memref<256x128xf32, #tpu.memory_space<vmem>>, vector<16xf32>,
        %max3A = arith.maximumf %get3A_334, %get3A_339 : vector<16xf32>
        %min3A = arith.minimumf %get3A_334, %get3A_339 : vector<16xf32>
        %max3A_370 = arith.maximumf %get3A_344, %get3A_349 : vector<16xf32>
        %min3A_371 = arith.minimumf %get3A_344, %get3A_349 : vector<16xf32>
        %max3A_372 = arith.maximumf %get3A_354, %get3A_359 : vector<16xf32>
        %min3A_373 = arith.minimumf %get3A_354, %get3A_359 : vector<16xf32>
        %max3A_374 = arith.maximumf %get3A_364, %get3A_369 : vector<16xf32>
        %min3A_375 = arith.minimumf %get3A_364, %get3A_369 : vector<16xf32>
        %max3A_376 = arith.maximumf %max3A, %max3A_370 : vector<16xf32>
        %min3A_377 = arith.minimumf %max3A, %max3A_370 : vector<16xf32>
        %max3A_378 = arith.maximumf %min3A, %min3A_371 : vector<16xf32>
        %min3A_379 = arith.minimumf %min3A, %min3A_371 : vector<16xf32>
        %max3A_380 = arith.maximumf %max3A_372, %max3A_374 : vector<16xf32>
        %min3A_381 = arith.minimumf %max3A_372, %max3A_374 : vector<16xf32>
        %max3A_382 = arith.maximumf %min3A_373, %min3A_375 : vector<16xf32>
        %min3A_383 = arith.minimumf %min3A_373, %min3A_375 : vector<16xf32>
        %max3A_384 = arith.maximumf %max3A_378, %min3A_377 : vector<16xf32>
        %min3A_385 = arith.minimumf %max3A_378, %min3A_377 : vector<16xf32>
        %max3A_386 = arith.maximumf %max3A_382, %min3A_381 : vector<16xf32>
        %min3A_387 = arith.minimumf %max3A_382, %min3A_381 : vector<16xf32>
        %max3A_388 = arith.maximumf %max3A_376, %max3A_380 : vector<16xf32>
        %min3A_389 = arith.minimumf %max3A_376, %max3A_380 : vector<16xf32>
        %max3A_390 = arith.maximumf %max3A_384, %max3A_386 : vector<16xf32>
        %min3A_391 = arith.minimumf %max3A_384, %max3A_386 : vector<16xf32>
        %max3A_392 = arith.maximumf %min3A_385, %min3A_387 : vector<16xf32>
        %min3A_393 = arith.minimumf %min3A_385, %min3A_387 : vector<16xf32>
        %max3A_394 = arith.maximumf %min3A_379, %min3A_383 : vector<16xf32>
        %min3A_395 = arith.minimumf %min3A_379, %min3A_383 : vector<16xf32>
        %max3A_396 = arith.maximumf %max3A_392, %min3A_389 : vector<16xf32>
        %min3A_397 = arith.minimumf %max3A_392, %min3A_389 : vector<16xf32>
        %max3A_398 = arith.maximumf %max3A_394, %min3A_391 : vector<16xf32>
        %min3A_399 = arith.minimumf %max3A_394, %min3A_391 : vector<16xf32>
        %max3A_400 = arith.maximumf %max3A_390, %max3A_396 : vector<16xf32>
        %min3A_401 = arith.minimumf %max3A_390, %max3A_396 : vector<16xf32>
        %max3A_402 = arith.maximumf %max3A_398, %min3A_397 : vector<16xf32>
        %min3A_403 = arith.minimumf %max3A_398, %min3A_397 : vector<16xf32>
        %max3A_404 = arith.maximumf %min3A_399, %min3A_393 : vector<16xf32>
        %min3A_405 = arith.minimumf %min3A_399, %min3A_393 : vector<16xf32>
        %add3A_406 = arith.constant 0 : i32
        %add3A_407 = arith.addi %mul3A_330, %add3A_406 : i32
        %get3A_408 = arith.index_cast %add3A_407 : i32 to index
        %get3A_409 = arith.constant 16 : index
        %get3A_410 = tpu.vector_load %arg5[%get3A_408, %get3A_409] {strides = array<i32>} : memref<256x128xf32, #tpu.memory_space<vmem>>, vector<16xf32>,
        %add3A_411 = arith.constant 1 : i32
        %add3A_412 = arith.addi %mul3A_330, %add3A_411 : i32
        %get3A_413 = arith.index_cast %add3A_412 : i32 to index
        %get3A_414 = arith.constant 16 : index
        %get3A_415 = tpu.vector_load %arg5[%get3A_413, %get3A_414] {strides = array<i32>} : memref<256x128xf32, #tpu.memory_space<vmem>>, vector<16xf32>,
        %add3A_416 = arith.constant 2 : i32
        %add3A_417 = arith.addi %mul3A_330, %add3A_416 : i32
        %get3A_418 = arith.index_cast %add3A_417 : i32 to index
        %get3A_419 = arith.constant 16 : index
        %get3A_420 = tpu.vector_load %arg5[%get3A_418, %get3A_419] {strides = array<i32>} : memref<256x128xf32, #tpu.memory_space<vmem>>, vector<16xf32>,
        %add3A_421 = arith.constant 3 : i32
        %add3A_422 = arith.addi %mul3A_330, %add3A_421 : i32
        %get3A_423 = arith.index_cast %add3A_422 : i32 to index
        %get3A_424 = arith.constant 16 : index
        %get3A_425 = tpu.vector_load %arg5[%get3A_423, %get3A_424] {strides = array<i32>} : memref<256x128xf32, #tpu.memory_space<vmem>>, vector<16xf32>,
        %add3A_426 = arith.constant 4 : i32
        %add3A_427 = arith.addi %mul3A_330, %add3A_426 : i32
        %get3A_428 = arith.index_cast %add3A_427 : i32 to index
        %get3A_429 = arith.constant 16 : index
        %get3A_430 = tpu.vector_load %arg5[%get3A_428, %get3A_429] {strides = array<i32>} : memref<256x128xf32, #tpu.memory_space<vmem>>, vector<16xf32>,
        %add3A_431 = arith.constant 5 : i32
        %add3A_432 = arith.addi %mul3A_330, %add3A_431 : i32
        %get3A_433 = arith.index_cast %add3A_432 : i32 to index
        %get3A_434 = arith.constant 16 : index
        %get3A_435 = tpu.vector_load %arg5[%get3A_433, %get3A_434] {strides = array<i32>} : memref<256x128xf32, #tpu.memory_space<vmem>>, vector<16xf32>,
        %add3A_436 = arith.constant 6 : i32
        %add3A_437 = arith.addi %mul3A_330, %add3A_436 : i32
        %get3A_438 = arith.index_cast %add3A_437 : i32 to index
        %get3A_439 = arith.constant 16 : index
        %get3A_440 = tpu.vector_load %arg5[%get3A_438, %get3A_439] {strides = array<i32>} : memref<256x128xf32, #tpu.memory_space<vmem>>, vector<16xf32>,
        %add3A_441 = arith.constant 7 : i32
        %add3A_442 = arith.addi %mul3A_330, %add3A_441 : i32
        %get3A_443 = arith.index_cast %add3A_442 : i32 to index
        %get3A_444 = arith.constant 16 : index
        %get3A_445 = tpu.vector_load %arg5[%get3A_443, %get3A_444] {strides = array<i32>} : memref<256x128xf32, #tpu.memory_space<vmem>>, vector<16xf32>,
        %max3A_446 = arith.maximumf %get3A_410, %get3A_415 : vector<16xf32>
        %min3A_447 = arith.minimumf %get3A_410, %get3A_415 : vector<16xf32>
        %max3A_448 = arith.maximumf %get3A_420, %get3A_425 : vector<16xf32>
        %min3A_449 = arith.minimumf %get3A_420, %get3A_425 : vector<16xf32>
        %max3A_450 = arith.maximumf %get3A_430, %get3A_435 : vector<16xf32>
        %min3A_451 = arith.minimumf %get3A_430, %get3A_435 : vector<16xf32>
        %max3A_452 = arith.maximumf %get3A_440, %get3A_445 : vector<16xf32>
        %min3A_453 = arith.minimumf %get3A_440, %get3A_445 : vector<16xf32>
        %max3A_454 = arith.maximumf %max3A_446, %max3A_448 : vector<16xf32>
        %min3A_455 = arith.minimumf %max3A_446, %max3A_448 : vector<16xf32>
        %max3A_456 = arith.maximumf %min3A_447, %min3A_449 : vector<16xf32>
        %min3A_457 = arith.minimumf %min3A_447, %min3A_449 : vector<16xf32>
        %max3A_458 = arith.maximumf %max3A_450, %max3A_452 : vector<16xf32>
        %min3A_459 = arith.minimumf %max3A_450, %max3A_452 : vector<16xf32>
        %max3A_460 = arith.maximumf %min3A_451, %min3A_453 : vector<16xf32>
        %min3A_461 = arith.minimumf %min3A_451, %min3A_453 : vector<16xf32>
        %max3A_462 = arith.maximumf %max3A_456, %min3A_455 : vector<16xf32>
        %min3A_463 = arith.minimumf %max3A_456, %min3A_455 : vector<16xf32>
        %max3A_464 = arith.maximumf %max3A_460, %min3A_459 : vector<16xf32>
        %min3A_465 = arith.minimumf %max3A_460, %min3A_459 : vector<16xf32>
        %max3A_466 = arith.maximumf %max3A_454, %max3A_458 : vector<16xf32>
        %min3A_467 = arith.minimumf %max3A_454, %max3A_458 : vector<16xf32>
        %max3A_468 = arith.maximumf %max3A_462, %max3A_464 : vector<16xf32>
        %min3A_469 = arith.minimumf %max3A_462, %max3A_464 : vector<16xf32>
        %max3A_470 = arith.maximumf %min3A_463, %min3A_465 : vector<16xf32>
        %min3A_471 = arith.minimumf %min3A_463, %min3A_465 : vector<16xf32>
        %max3A_472 = arith.maximumf %min3A_457, %min3A_461 : vector<16xf32>
        %min3A_473 = arith.minimumf %min3A_457, %min3A_461 : vector<16xf32>
        %max3A_474 = arith.maximumf %max3A_470, %min3A_467 : vector<16xf32>
        %min3A_475 = arith.minimumf %max3A_470, %min3A_467 : vector<16xf32>
        %max3A_476 = arith.maximumf %max3A_472, %min3A_469 : vector<16xf32>
        %min3A_477 = arith.minimumf %max3A_472, %min3A_469 : vector<16xf32>
        %max3A_478 = arith.maximumf %max3A_468, %max3A_474 : vector<16xf32>
        %min3A_479 = arith.minimumf %max3A_468, %max3A_474 : vector<16xf32>
        %max3A_480 = arith.maximumf %max3A_476, %min3A_475 : vector<16xf32>
        %min3A_481 = arith.minimumf %max3A_476, %min3A_475 : vector<16xf32>
        %max3A_482 = arith.maximumf %min3A_477, %min3A_471 : vector<16xf32>
        %min3A_483 = arith.minimumf %min3A_477, %min3A_471 : vector<16xf32>
        %max3A_484 = arith.maximumf %scan3A_313, %min3A_395 : vector<16xf32>
        %max3A_485 = arith.maximumf %scan3A_314, %min3A_405 : vector<16xf32>
        %max3A_486 = arith.maximumf %scan3A_315, %max3A_404 : vector<16xf32>
        %max3A_487 = arith.maximumf %scan3A_316, %min3A_403 : vector<16xf32>
        %max3A_488 = arith.maximumf %scan3A_317, %max3A_402 : vector<16xf32>
        %max3A_489 = arith.maximumf %scan3A_318, %min3A_401 : vector<16xf32>
        %max3A_490 = arith.maximumf %scan3A_319, %max3A_400 : vector<16xf32>
        %max3A_491 = arith.maximumf %scan3A_320, %max3A_388 : vector<16xf32>
        %max3A_492 = arith.maximumf %max3A_484, %max3A_488 : vector<16xf32>
        %min3A_493 = arith.minimumf %max3A_484, %max3A_488 : vector<16xf32>
        %max3A_494 = arith.maximumf %max3A_485, %max3A_489 : vector<16xf32>
        %min3A_495 = arith.minimumf %max3A_485, %max3A_489 : vector<16xf32>
        %max3A_496 = arith.maximumf %max3A_486, %max3A_490 : vector<16xf32>
        %min3A_497 = arith.minimumf %max3A_486, %max3A_490 : vector<16xf32>
        %max3A_498 = arith.maximumf %max3A_487, %max3A_491 : vector<16xf32>
        %min3A_499 = arith.minimumf %max3A_487, %max3A_491 : vector<16xf32>
        %max3A_500 = arith.maximumf %max3A_492, %max3A_496 : vector<16xf32>
        %min3A_501 = arith.minimumf %max3A_492, %max3A_496 : vector<16xf32>
        %max3A_502 = arith.maximumf %max3A_494, %max3A_498 : vector<16xf32>
        %min3A_503 = arith.minimumf %max3A_494, %max3A_498 : vector<16xf32>
        %max3A_504 = arith.maximumf %min3A_493, %min3A_497 : vector<16xf32>
        %min3A_505 = arith.minimumf %min3A_493, %min3A_497 : vector<16xf32>
        %max3A_506 = arith.maximumf %min3A_495, %min3A_499 : vector<16xf32>
        %min3A_507 = arith.minimumf %min3A_495, %min3A_499 : vector<16xf32>
        %max3A_508 = arith.maximumf %max3A_500, %max3A_502 : vector<16xf32>
        %min3A_509 = arith.minimumf %max3A_500, %max3A_502 : vector<16xf32>
        %max3A_510 = arith.maximumf %min3A_501, %min3A_503 : vector<16xf32>
        %min3A_511 = arith.minimumf %min3A_501, %min3A_503 : vector<16xf32>
        %max3A_512 = arith.maximumf %max3A_504, %max3A_506 : vector<16xf32>
        %min3A_513 = arith.minimumf %max3A_504, %max3A_506 : vector<16xf32>
        %max3A_514 = arith.maximumf %min3A_505, %min3A_507 : vector<16xf32>
        %min3A_515 = arith.minimumf %min3A_505, %min3A_507 : vector<16xf32>
        %max3A_516 = arith.maximumf %scan3A_321, %min3A_473 : vector<16xf32>
        %max3A_517 = arith.maximumf %scan3A_322, %min3A_483 : vector<16xf32>
        %max3A_518 = arith.maximumf %scan3A_323, %max3A_482 : vector<16xf32>
        %max3A_519 = arith.maximumf %scan3A_324, %min3A_481 : vector<16xf32>
        %max3A_520 = arith.maximumf %scan3A_325, %max3A_480 : vector<16xf32>
        %max3A_521 = arith.maximumf %scan3A_326, %min3A_479 : vector<16xf32>
        %max3A_522 = arith.maximumf %scan3A_327, %max3A_478 : vector<16xf32>
        %max3A_523 = arith.maximumf %scan3A_328, %max3A_466 : vector<16xf32>
        %max3A_524 = arith.maximumf %max3A_516, %max3A_520 : vector<16xf32>
        %min3A_525 = arith.minimumf %max3A_516, %max3A_520 : vector<16xf32>
        %max3A_526 = arith.maximumf %max3A_517, %max3A_521 : vector<16xf32>
        %min3A_527 = arith.minimumf %max3A_517, %max3A_521 : vector<16xf32>
        %max3A_528 = arith.maximumf %max3A_518, %max3A_522 : vector<16xf32>
        %min3A_529 = arith.minimumf %max3A_518, %max3A_522 : vector<16xf32>
        %max3A_530 = arith.maximumf %max3A_519, %max3A_523 : vector<16xf32>
        %min3A_531 = arith.minimumf %max3A_519, %max3A_523 : vector<16xf32>
        %max3A_532 = arith.maximumf %max3A_524, %max3A_528 : vector<16xf32>
        %min3A_533 = arith.minimumf %max3A_524, %max3A_528 : vector<16xf32>
        %max3A_534 = arith.maximumf %max3A_526, %max3A_530 : vector<16xf32>
        %min3A_535 = arith.minimumf %max3A_526, %max3A_530 : vector<16xf32>
        %max3A_536 = arith.maximumf %min3A_525, %min3A_529 : vector<16xf32>
        %min3A_537 = arith.minimumf %min3A_525, %min3A_529 : vector<16xf32>
        %max3A_538 = arith.maximumf %min3A_527, %min3A_531 : vector<16xf32>
        %min3A_539 = arith.minimumf %min3A_527, %min3A_531 : vector<16xf32>
        %max3A_540 = arith.maximumf %max3A_532, %max3A_534 : vector<16xf32>
        %min3A_541 = arith.minimumf %max3A_532, %max3A_534 : vector<16xf32>
        %max3A_542 = arith.maximumf %min3A_533, %min3A_535 : vector<16xf32>
        %min3A_543 = arith.minimumf %min3A_533, %min3A_535 : vector<16xf32>
        %max3A_544 = arith.maximumf %max3A_536, %max3A_538 : vector<16xf32>
        %min3A_545 = arith.minimumf %max3A_536, %max3A_538 : vector<16xf32>
        %max3A_546 = arith.maximumf %min3A_537, %min3A_539 : vector<16xf32>
        %min3A_547 = arith.minimumf %min3A_537, %min3A_539 : vector<16xf32>
        scf.yield %max3A_508, %min3A_509, %max3A_510, %min3A_511, %max3A_512, %min3A_513, %max3A_514, %min3A_515, %max3A_540, %min3A_541, %max3A_542, %min3A_543, %max3A_544, %min3A_545, %max3A_546, %min3A_547 : vector<16xf32>, vector<16xf32>, vector<16xf32>, vector<16xf32>, vector<16xf32>, vector<16xf32>, vector<16xf32>, vector<16xf32>, vector<16xf32>, vector<16xf32>, vector<16xf32>, vector<16xf32>, vector<16xf32>, vector<16xf32>, vector<16xf32>, vector<16xf32>
      }
      %scan3A_293 = arith.constant 32 : i32
      %scan3A_294 = arith.constant 0 : i32
      %scan3A_295 = arith.constant 32 : i32
      %scan3A_296 = arith.addi %scan3A_294, %scan3A_295 : i32
      %scan3A_297 = arith.constant 1 : i32
      %scan3A_298:16 = scf.for %scan3A_312 = %scan3A_294 to %scan3A_296 step %scan3A_297 iter_args(%scan3A_313 = %scan3A_261#0, %scan3A_314 = %scan3A_261#1, %scan3A_315 = %scan3A_261#2, %scan3A_316 = %scan3A_261#3, %scan3A_317 = %scan3A_261#4, %scan3A_318 = %scan3A_261#5, %scan3A_319 = %scan3A_261#6, %scan3A_320 = %scan3A_261#7, %scan3A_321 = %scan3A_261#8, %scan3A_322 = %scan3A_261#9, %scan3A_323 = %scan3A_261#10, %scan3A_324 = %scan3A_261#11, %scan3A_325 = %scan3A_261#12, %scan3A_326 = %scan3A_261#13, %scan3A_327 = %scan3A_261#14, %scan3A_328 = %scan3A_261#15) -> (vector<16xf32>, vector<16xf32>, vector<16xf32>, vector<16xf32>, vector<16xf32>, vector<16xf32>, vector<16xf32>, vector<16xf32>, vector<16xf32>, vector<16xf32>, vector<16xf32>, vector<16xf32>, vector<16xf32>, vector<16xf32>, vector<16xf32>, vector<16xf32>)  : i32 {
        %mul3A_329 = arith.constant 8 : i32
        %mul3A_330 = arith.muli %scan3A_312, %mul3A_329 : i32
        %add3A_331 = arith.constant 0 : i32
        %add3A_332 = arith.addi %mul3A_330, %add3A_331 : i32
        %get3A = arith.index_cast %add3A_332 : i32 to index
        %get3A_333 = arith.constant 32 : index
        %get3A_334 = tpu.vector_load %arg5[%get3A, %get3A_333] {strides = array<i32>} : memref<256x128xf32, #tpu.memory_space<vmem>>, vector<16xf32>,
        %add3A_335 = arith.constant 1 : i32
        %add3A_336 = arith.addi %mul3A_330, %add3A_335 : i32
        %get3A_337 = arith.index_cast %add3A_336 : i32 to index
        %get3A_338 = arith.constant 32 : index
        %get3A_339 = tpu.vector_load %arg5[%get3A_337, %get3A_338] {strides = array<i32>} : memref<256x128xf32, #tpu.memory_space<vmem>>, vector<16xf32>,
        %add3A_340 = arith.constant 2 : i32
        %add3A_341 = arith.addi %mul3A_330, %add3A_340 : i32
        %get3A_342 = arith.index_cast %add3A_341 : i32 to index
        %get3A_343 = arith.constant 32 : index
        %get3A_344 = tpu.vector_load %arg5[%get3A_342, %get3A_343] {strides = array<i32>} : memref<256x128xf32, #tpu.memory_space<vmem>>, vector<16xf32>,
        %add3A_345 = arith.constant 3 : i32
        %add3A_346 = arith.addi %mul3A_330, %add3A_345 : i32
        %get3A_347 = arith.index_cast %add3A_346 : i32 to index
        %get3A_348 = arith.constant 32 : index
        %get3A_349 = tpu.vector_load %arg5[%get3A_347, %get3A_348] {strides = array<i32>} : memref<256x128xf32, #tpu.memory_space<vmem>>, vector<16xf32>,
        %add3A_350 = arith.constant 4 : i32
        %add3A_351 = arith.addi %mul3A_330, %add3A_350 : i32
        %get3A_352 = arith.index_cast %add3A_351 : i32 to index
        %get3A_353 = arith.constant 32 : index
        %get3A_354 = tpu.vector_load %arg5[%get3A_352, %get3A_353] {strides = array<i32>} : memref<256x128xf32, #tpu.memory_space<vmem>>, vector<16xf32>,
        %add3A_355 = arith.constant 5 : i32
        %add3A_356 = arith.addi %mul3A_330, %add3A_355 : i32
        %get3A_357 = arith.index_cast %add3A_356 : i32 to index
        %get3A_358 = arith.constant 32 : index
        %get3A_359 = tpu.vector_load %arg5[%get3A_357, %get3A_358] {strides = array<i32>} : memref<256x128xf32, #tpu.memory_space<vmem>>, vector<16xf32>,
        %add3A_360 = arith.constant 6 : i32
        %add3A_361 = arith.addi %mul3A_330, %add3A_360 : i32
        %get3A_362 = arith.index_cast %add3A_361 : i32 to index
        %get3A_363 = arith.constant 32 : index
        %get3A_364 = tpu.vector_load %arg5[%get3A_362, %get3A_363] {strides = array<i32>} : memref<256x128xf32, #tpu.memory_space<vmem>>, vector<16xf32>,
        %add3A_365 = arith.constant 7 : i32
        %add3A_366 = arith.addi %mul3A_330, %add3A_365 : i32
        %get3A_367 = arith.index_cast %add3A_366 : i32 to index
        %get3A_368 = arith.constant 32 : index
        %get3A_369 = tpu.vector_load %arg5[%get3A_367, %get3A_368] {strides = array<i32>} : memref<256x128xf32, #tpu.memory_space<vmem>>, vector<16xf32>,
        %max3A = arith.maximumf %get3A_334, %get3A_339 : vector<16xf32>
        %min3A = arith.minimumf %get3A_334, %get3A_339 : vector<16xf32>
        %max3A_370 = arith.maximumf %get3A_344, %get3A_349 : vector<16xf32>
        %min3A_371 = arith.minimumf %get3A_344, %get3A_349 : vector<16xf32>
        %max3A_372 = arith.maximumf %get3A_354, %get3A_359 : vector<16xf32>
        %min3A_373 = arith.minimumf %get3A_354, %get3A_359 : vector<16xf32>
        %max3A_374 = arith.maximumf %get3A_364, %get3A_369 : vector<16xf32>
        %min3A_375 = arith.minimumf %get3A_364, %get3A_369 : vector<16xf32>
        %max3A_376 = arith.maximumf %max3A, %max3A_370 : vector<16xf32>
        %min3A_377 = arith.minimumf %max3A, %max3A_370 : vector<16xf32>
        %max3A_378 = arith.maximumf %min3A, %min3A_371 : vector<16xf32>
        %min3A_379 = arith.minimumf %min3A, %min3A_371 : vector<16xf32>
        %max3A_380 = arith.maximumf %max3A_372, %max3A_374 : vector<16xf32>
        %min3A_381 = arith.minimumf %max3A_372, %max3A_374 : vector<16xf32>
        %max3A_382 = arith.maximumf %min3A_373, %min3A_375 : vector<16xf32>
        %min3A_383 = arith.minimumf %min3A_373, %min3A_375 : vector<16xf32>
        %max3A_384 = arith.maximumf %max3A_378, %min3A_377 : vector<16xf32>
        %min3A_385 = arith.minimumf %max3A_378, %min3A_377 : vector<16xf32>
        %max3A_386 = arith.maximumf %max3A_382, %min3A_381 : vector<16xf32>
        %min3A_387 = arith.minimumf %max3A_382, %min3A_381 : vector<16xf32>
        %max3A_388 = arith.maximumf %max3A_376, %max3A_380 : vector<16xf32>
        %min3A_389 = arith.minimumf %max3A_376, %max3A_380 : vector<16xf32>
        %max3A_390 = arith.maximumf %max3A_384, %max3A_386 : vector<16xf32>
        %min3A_391 = arith.minimumf %max3A_384, %max3A_386 : vector<16xf32>
        %max3A_392 = arith.maximumf %min3A_385, %min3A_387 : vector<16xf32>
        %min3A_393 = arith.minimumf %min3A_385, %min3A_387 : vector<16xf32>
        %max3A_394 = arith.maximumf %min3A_379, %min3A_383 : vector<16xf32>
        %min3A_395 = arith.minimumf %min3A_379, %min3A_383 : vector<16xf32>
        %max3A_396 = arith.maximumf %max3A_392, %min3A_389 : vector<16xf32>
        %min3A_397 = arith.minimumf %max3A_392, %min3A_389 : vector<16xf32>
        %max3A_398 = arith.maximumf %max3A_394, %min3A_391 : vector<16xf32>
        %min3A_399 = arith.minimumf %max3A_394, %min3A_391 : vector<16xf32>
        %max3A_400 = arith.maximumf %max3A_390, %max3A_396 : vector<16xf32>
        %min3A_401 = arith.minimumf %max3A_390, %max3A_396 : vector<16xf32>
        %max3A_402 = arith.maximumf %max3A_398, %min3A_397 : vector<16xf32>
        %min3A_403 = arith.minimumf %max3A_398, %min3A_397 : vector<16xf32>
        %max3A_404 = arith.maximumf %min3A_399, %min3A_393 : vector<16xf32>
        %min3A_405 = arith.minimumf %min3A_399, %min3A_393 : vector<16xf32>
        %add3A_406 = arith.constant 0 : i32
        %add3A_407 = arith.addi %mul3A_330, %add3A_406 : i32
        %get3A_408 = arith.index_cast %add3A_407 : i32 to index
        %get3A_409 = arith.constant 48 : index
        %get3A_410 = tpu.vector_load %arg5[%get3A_408, %get3A_409] {strides = array<i32>} : memref<256x128xf32, #tpu.memory_space<vmem>>, vector<16xf32>,
        %add3A_411 = arith.constant 1 : i32
        %add3A_412 = arith.addi %mul3A_330, %add3A_411 : i32
        %get3A_413 = arith.index_cast %add3A_412 : i32 to index
        %get3A_414 = arith.constant 48 : index
        %get3A_415 = tpu.vector_load %arg5[%get3A_413, %get3A_414] {strides = array<i32>} : memref<256x128xf32, #tpu.memory_space<vmem>>, vector<16xf32>,
        %add3A_416 = arith.constant 2 : i32
        %add3A_417 = arith.addi %mul3A_330, %add3A_416 : i32
        %get3A_418 = arith.index_cast %add3A_417 : i32 to index
        %get3A_419 = arith.constant 48 : index
        %get3A_420 = tpu.vector_load %arg5[%get3A_418, %get3A_419] {strides = array<i32>} : memref<256x128xf32, #tpu.memory_space<vmem>>, vector<16xf32>,
        %add3A_421 = arith.constant 3 : i32
        %add3A_422 = arith.addi %mul3A_330, %add3A_421 : i32
        %get3A_423 = arith.index_cast %add3A_422 : i32 to index
        %get3A_424 = arith.constant 48 : index
        %get3A_425 = tpu.vector_load %arg5[%get3A_423, %get3A_424] {strides = array<i32>} : memref<256x128xf32, #tpu.memory_space<vmem>>, vector<16xf32>,
        %add3A_426 = arith.constant 4 : i32
        %add3A_427 = arith.addi %mul3A_330, %add3A_426 : i32
        %get3A_428 = arith.index_cast %add3A_427 : i32 to index
        %get3A_429 = arith.constant 48 : index
        %get3A_430 = tpu.vector_load %arg5[%get3A_428, %get3A_429] {strides = array<i32>} : memref<256x128xf32, #tpu.memory_space<vmem>>, vector<16xf32>,
        %add3A_431 = arith.constant 5 : i32
        %add3A_432 = arith.addi %mul3A_330, %add3A_431 : i32
        %get3A_433 = arith.index_cast %add3A_432 : i32 to index
        %get3A_434 = arith.constant 48 : index
        %get3A_435 = tpu.vector_load %arg5[%get3A_433, %get3A_434] {strides = array<i32>} : memref<256x128xf32, #tpu.memory_space<vmem>>, vector<16xf32>,
        %add3A_436 = arith.constant 6 : i32
        %add3A_437 = arith.addi %mul3A_330, %add3A_436 : i32
        %get3A_438 = arith.index_cast %add3A_437 : i32 to index
        %get3A_439 = arith.constant 48 : index
        %get3A_440 = tpu.vector_load %arg5[%get3A_438, %get3A_439] {strides = array<i32>} : memref<256x128xf32, #tpu.memory_space<vmem>>, vector<16xf32>,
        %add3A_441 = arith.constant 7 : i32
        %add3A_442 = arith.addi %mul3A_330, %add3A_441 : i32
        %get3A_443 = arith.index_cast %add3A_442 : i32 to index
        %get3A_444 = arith.constant 48 : index
        %get3A_445 = tpu.vector_load %arg5[%get3A_443, %get3A_444] {strides = array<i32>} : memref<256x128xf32, #tpu.memory_space<vmem>>, vector<16xf32>,
        %max3A_446 = arith.maximumf %get3A_410, %get3A_415 : vector<16xf32>
        %min3A_447 = arith.minimumf %get3A_410, %get3A_415 : vector<16xf32>
        %max3A_448 = arith.maximumf %get3A_420, %get3A_425 : vector<16xf32>
        %min3A_449 = arith.minimumf %get3A_420, %get3A_425 : vector<16xf32>
        %max3A_450 = arith.maximumf %get3A_430, %get3A_435 : vector<16xf32>
        %min3A_451 = arith.minimumf %get3A_430, %get3A_435 : vector<16xf32>
        %max3A_452 = arith.maximumf %get3A_440, %get3A_445 : vector<16xf32>
        %min3A_453 = arith.minimumf %get3A_440, %get3A_445 : vector<16xf32>
        %max3A_454 = arith.maximumf %max3A_446, %max3A_448 : vector<16xf32>
        %min3A_455 = arith.minimumf %max3A_446, %max3A_448 : vector<16xf32>
        %max3A_456 = arith.maximumf %min3A_447, %min3A_449 : vector<16xf32>
        %min3A_457 = arith.minimumf %min3A_447, %min3A_449 : vector<16xf32>
        %max3A_458 = arith.maximumf %max3A_450, %max3A_452 : vector<16xf32>
        %min3A_459 = arith.minimumf %max3A_450, %max3A_452 : vector<16xf32>
        %max3A_460 = arith.maximumf %min3A_451, %min3A_453 : vector<16xf32>
        %min3A_461 = arith.minimumf %min3A_451, %min3A_453 : vector<16xf32>
        %max3A_462 = arith.maximumf %max3A_456, %min3A_455 : vector<16xf32>
        %min3A_463 = arith.minimumf %max3A_456, %min3A_455 : vector<16xf32>
        %max3A_464 = arith.maximumf %max3A_460, %min3A_459 : vector<16xf32>
        %min3A_465 = arith.minimumf %max3A_460, %min3A_459 : vector<16xf32>
        %max3A_466 = arith.maximumf %max3A_454, %max3A_458 : vector<16xf32>
        %min3A_467 = arith.minimumf %max3A_454, %max3A_458 : vector<16xf32>
        %max3A_468 = arith.maximumf %max3A_462, %max3A_464 : vector<16xf32>
        %min3A_469 = arith.minimumf %max3A_462, %max3A_464 : vector<16xf32>
        %max3A_470 = arith.maximumf %min3A_463, %min3A_465 : vector<16xf32>
        %min3A_471 = arith.minimumf %min3A_463, %min3A_465 : vector<16xf32>
        %max3A_472 = arith.maximumf %min3A_457, %min3A_461 : vector<16xf32>
        %min3A_473 = arith.minimumf %min3A_457, %min3A_461 : vector<16xf32>
        %max3A_474 = arith.maximumf %max3A_470, %min3A_467 : vector<16xf32>
        %min3A_475 = arith.minimumf %max3A_470, %min3A_467 : vector<16xf32>
        %max3A_476 = arith.maximumf %max3A_472, %min3A_469 : vector<16xf32>
        %min3A_477 = arith.minimumf %max3A_472, %min3A_469 : vector<16xf32>
        %max3A_478 = arith.maximumf %max3A_468, %max3A_474 : vector<16xf32>
        %min3A_479 = arith.minimumf %max3A_468, %max3A_474 : vector<16xf32>
        %max3A_480 = arith.maximumf %max3A_476, %min3A_475 : vector<16xf32>
        %min3A_481 = arith.minimumf %max3A_476, %min3A_475 : vector<16xf32>
        %max3A_482 = arith.maximumf %min3A_477, %min3A_471 : vector<16xf32>
        %min3A_483 = arith.minimumf %min3A_477, %min3A_471 : vector<16xf32>
        %max3A_484 = arith.maximumf %scan3A_313, %min3A_395 : vector<16xf32>
        %max3A_485 = arith.maximumf %scan3A_314, %min3A_405 : vector<16xf32>
        %max3A_486 = arith.maximumf %scan3A_315, %max3A_404 : vector<16xf32>
        %max3A_487 = arith.maximumf %scan3A_316, %min3A_403 : vector<16xf32>
        %max3A_488 = arith.maximumf %scan3A_317, %max3A_402 : vector<16xf32>
        %max3A_489 = arith.maximumf %scan3A_318, %min3A_401 : vector<16xf32>
        %max3A_490 = arith.maximumf %scan3A_319, %max3A_400 : vector<16xf32>
        %max3A_491 = arith.maximumf %scan3A_320, %max3A_388 : vector<16xf32>
        %max3A_492 = arith.maximumf %max3A_484, %max3A_488 : vector<16xf32>
        %min3A_493 = arith.minimumf %max3A_484, %max3A_488 : vector<16xf32>
        %max3A_494 = arith.maximumf %max3A_485, %max3A_489 : vector<16xf32>
        %min3A_495 = arith.minimumf %max3A_485, %max3A_489 : vector<16xf32>
        %max3A_496 = arith.maximumf %max3A_486, %max3A_490 : vector<16xf32>
        %min3A_497 = arith.minimumf %max3A_486, %max3A_490 : vector<16xf32>
        %max3A_498 = arith.maximumf %max3A_487, %max3A_491 : vector<16xf32>
        %min3A_499 = arith.minimumf %max3A_487, %max3A_491 : vector<16xf32>
        %max3A_500 = arith.maximumf %max3A_492, %max3A_496 : vector<16xf32>
        %min3A_501 = arith.minimumf %max3A_492, %max3A_496 : vector<16xf32>
        %max3A_502 = arith.maximumf %max3A_494, %max3A_498 : vector<16xf32>
        %min3A_503 = arith.minimumf %max3A_494, %max3A_498 : vector<16xf32>
        %max3A_504 = arith.maximumf %min3A_493, %min3A_497 : vector<16xf32>
        %min3A_505 = arith.minimumf %min3A_493, %min3A_497 : vector<16xf32>
        %max3A_506 = arith.maximumf %min3A_495, %min3A_499 : vector<16xf32>
        %min3A_507 = arith.minimumf %min3A_495, %min3A_499 : vector<16xf32>
        %max3A_508 = arith.maximumf %max3A_500, %max3A_502 : vector<16xf32>
        %min3A_509 = arith.minimumf %max3A_500, %max3A_502 : vector<16xf32>
        %max3A_510 = arith.maximumf %min3A_501, %min3A_503 : vector<16xf32>
        %min3A_511 = arith.minimumf %min3A_501, %min3A_503 : vector<16xf32>
        %max3A_512 = arith.maximumf %max3A_504, %max3A_506 : vector<16xf32>
        %min3A_513 = arith.minimumf %max3A_504, %max3A_506 : vector<16xf32>
        %max3A_514 = arith.maximumf %min3A_505, %min3A_507 : vector<16xf32>
        %min3A_515 = arith.minimumf %min3A_505, %min3A_507 : vector<16xf32>
        %max3A_516 = arith.maximumf %scan3A_321, %min3A_473 : vector<16xf32>
        %max3A_517 = arith.maximumf %scan3A_322, %min3A_483 : vector<16xf32>
        %max3A_518 = arith.maximumf %scan3A_323, %max3A_482 : vector<16xf32>
        %max3A_519 = arith.maximumf %scan3A_324, %min3A_481 : vector<16xf32>
        %max3A_520 = arith.maximumf %scan3A_325, %max3A_480 : vector<16xf32>
        %max3A_521 = arith.maximumf %scan3A_326, %min3A_479 : vector<16xf32>
        %max3A_522 = arith.maximumf %scan3A_327, %max3A_478 : vector<16xf32>
        %max3A_523 = arith.maximumf %scan3A_328, %max3A_466 : vector<16xf32>
        %max3A_524 = arith.maximumf %max3A_516, %max3A_520 : vector<16xf32>
        %min3A_525 = arith.minimumf %max3A_516, %max3A_520 : vector<16xf32>
        %max3A_526 = arith.maximumf %max3A_517, %max3A_521 : vector<16xf32>
        %min3A_527 = arith.minimumf %max3A_517, %max3A_521 : vector<16xf32>
        %max3A_528 = arith.maximumf %max3A_518, %max3A_522 : vector<16xf32>
        %min3A_529 = arith.minimumf %max3A_518, %max3A_522 : vector<16xf32>
        %max3A_530 = arith.maximumf %max3A_519, %max3A_523 : vector<16xf32>
        %min3A_531 = arith.minimumf %max3A_519, %max3A_523 : vector<16xf32>
        %max3A_532 = arith.maximumf %max3A_524, %max3A_528 : vector<16xf32>
        %min3A_533 = arith.minimumf %max3A_524, %max3A_528 : vector<16xf32>
        %max3A_534 = arith.maximumf %max3A_526, %max3A_530 : vector<16xf32>
        %min3A_535 = arith.minimumf %max3A_526, %max3A_530 : vector<16xf32>
        %max3A_536 = arith.maximumf %min3A_525, %min3A_529 : vector<16xf32>
        %min3A_537 = arith.minimumf %min3A_525, %min3A_529 : vector<16xf32>
        %max3A_538 = arith.maximumf %min3A_527, %min3A_531 : vector<16xf32>
        %min3A_539 = arith.minimumf %min3A_527, %min3A_531 : vector<16xf32>
        %max3A_540 = arith.maximumf %max3A_532, %max3A_534 : vector<16xf32>
        %min3A_541 = arith.minimumf %max3A_532, %max3A_534 : vector<16xf32>
        %max3A_542 = arith.maximumf %min3A_533, %min3A_535 : vector<16xf32>
        %min3A_543 = arith.minimumf %min3A_533, %min3A_535 : vector<16xf32>
        %max3A_544 = arith.maximumf %max3A_536, %max3A_538 : vector<16xf32>
        %min3A_545 = arith.minimumf %max3A_536, %max3A_538 : vector<16xf32>
        %max3A_546 = arith.maximumf %min3A_537, %min3A_539 : vector<16xf32>
        %min3A_547 = arith.minimumf %min3A_537, %min3A_539 : vector<16xf32>
        scf.yield %max3A_508, %min3A_509, %max3A_510, %min3A_511, %max3A_512, %min3A_513, %max3A_514, %min3A_515, %max3A_540, %min3A_541, %max3A_542, %min3A_543, %max3A_544, %min3A_545, %max3A_546, %min3A_547 : vector<16xf32>, vector<16xf32>, vector<16xf32>, vector<16xf32>, vector<16xf32>, vector<16xf32>, vector<16xf32>, vector<16xf32>, vector<16xf32>, vector<16xf32>, vector<16xf32>, vector<16xf32>, vector<16xf32>, vector<16xf32>, vector<16xf32>, vector<16xf32>
      }
      %scan3A_299 = arith.constant 32 : i32
      %scan3A_300 = arith.constant 0 : i32
      %scan3A_301 = arith.constant 32 : i32
      %scan3A_302 = arith.addi %scan3A_300, %scan3A_301 : i32
      %scan3A_303 = arith.constant 1 : i32
      %scan3A_304:16 = scf.for %scan3A_312 = %scan3A_300 to %scan3A_302 step %scan3A_303 iter_args(%scan3A_313 = %scan3A_267#0, %scan3A_314 = %scan3A_267#1, %scan3A_315 = %scan3A_267#2, %scan3A_316 = %scan3A_267#3, %scan3A_317 = %scan3A_267#4, %scan3A_318 = %scan3A_267#5, %scan3A_319 = %scan3A_267#6, %scan3A_320 = %scan3A_267#7, %scan3A_321 = %scan3A_267#8, %scan3A_322 = %scan3A_267#9, %scan3A_323 = %scan3A_267#10, %scan3A_324 = %scan3A_267#11, %scan3A_325 = %scan3A_267#12, %scan3A_326 = %scan3A_267#13, %scan3A_327 = %scan3A_267#14, %scan3A_328 = %scan3A_267#15) -> (vector<16xf32>, vector<16xf32>, vector<16xf32>, vector<16xf32>, vector<16xf32>, vector<16xf32>, vector<16xf32>, vector<16xf32>, vector<16xf32>, vector<16xf32>, vector<16xf32>, vector<16xf32>, vector<16xf32>, vector<16xf32>, vector<16xf32>, vector<16xf32>)  : i32 {
        %mul3A_329 = arith.constant 8 : i32
        %mul3A_330 = arith.muli %scan3A_312, %mul3A_329 : i32
        %add3A_331 = arith.constant 0 : i32
        %add3A_332 = arith.addi %mul3A_330, %add3A_331 : i32
        %get3A = arith.index_cast %add3A_332 : i32 to index
        %get3A_333 = arith.constant 64 : index
        %get3A_334 = tpu.vector_load %arg5[%get3A, %get3A_333] {strides = array<i32>} : memref<256x128xf32, #tpu.memory_space<vmem>>, vector<16xf32>,
        %add3A_335 = arith.constant 1 : i32
        %add3A_336 = arith.addi %mul3A_330, %add3A_335 : i32
        %get3A_337 = arith.index_cast %add3A_336 : i32 to index
        %get3A_338 = arith.constant 64 : index
        %get3A_339 = tpu.vector_load %arg5[%get3A_337, %get3A_338] {strides = array<i32>} : memref<256x128xf32, #tpu.memory_space<vmem>>, vector<16xf32>,
        %add3A_340 = arith.constant 2 : i32
        %add3A_341 = arith.addi %mul3A_330, %add3A_340 : i32
        %get3A_342 = arith.index_cast %add3A_341 : i32 to index
        %get3A_343 = arith.constant 64 : index
        %get3A_344 = tpu.vector_load %arg5[%get3A_342, %get3A_343] {strides = array<i32>} : memref<256x128xf32, #tpu.memory_space<vmem>>, vector<16xf32>,
        %add3A_345 = arith.constant 3 : i32
        %add3A_346 = arith.addi %mul3A_330, %add3A_345 : i32
        %get3A_347 = arith.index_cast %add3A_346 : i32 to index
        %get3A_348 = arith.constant 64 : index
        %get3A_349 = tpu.vector_load %arg5[%get3A_347, %get3A_348] {strides = array<i32>} : memref<256x128xf32, #tpu.memory_space<vmem>>, vector<16xf32>,
        %add3A_350 = arith.constant 4 : i32
        %add3A_351 = arith.addi %mul3A_330, %add3A_350 : i32
        %get3A_352 = arith.index_cast %add3A_351 : i32 to index
        %get3A_353 = arith.constant 64 : index
        %get3A_354 = tpu.vector_load %arg5[%get3A_352, %get3A_353] {strides = array<i32>} : memref<256x128xf32, #tpu.memory_space<vmem>>, vector<16xf32>,
        %add3A_355 = arith.constant 5 : i32
        %add3A_356 = arith.addi %mul3A_330, %add3A_355 : i32
        %get3A_357 = arith.index_cast %add3A_356 : i32 to index
        %get3A_358 = arith.constant 64 : index
        %get3A_359 = tpu.vector_load %arg5[%get3A_357, %get3A_358] {strides = array<i32>} : memref<256x128xf32, #tpu.memory_space<vmem>>, vector<16xf32>,
        %add3A_360 = arith.constant 6 : i32
        %add3A_361 = arith.addi %mul3A_330, %add3A_360 : i32
        %get3A_362 = arith.index_cast %add3A_361 : i32 to index
        %get3A_363 = arith.constant 64 : index
        %get3A_364 = tpu.vector_load %arg5[%get3A_362, %get3A_363] {strides = array<i32>} : memref<256x128xf32, #tpu.memory_space<vmem>>, vector<16xf32>,
        %add3A_365 = arith.constant 7 : i32
        %add3A_366 = arith.addi %mul3A_330, %add3A_365 : i32
        %get3A_367 = arith.index_cast %add3A_366 : i32 to index
        %get3A_368 = arith.constant 64 : index
        %get3A_369 = tpu.vector_load %arg5[%get3A_367, %get3A_368] {strides = array<i32>} : memref<256x128xf32, #tpu.memory_space<vmem>>, vector<16xf32>,
        %max3A = arith.maximumf %get3A_334, %get3A_339 : vector<16xf32>
        %min3A = arith.minimumf %get3A_334, %get3A_339 : vector<16xf32>
        %max3A_370 = arith.maximumf %get3A_344, %get3A_349 : vector<16xf32>
        %min3A_371 = arith.minimumf %get3A_344, %get3A_349 : vector<16xf32>
        %max3A_372 = arith.maximumf %get3A_354, %get3A_359 : vector<16xf32>
        %min3A_373 = arith.minimumf %get3A_354, %get3A_359 : vector<16xf32>
        %max3A_374 = arith.maximumf %get3A_364, %get3A_369 : vector<16xf32>
        %min3A_375 = arith.minimumf %get3A_364, %get3A_369 : vector<16xf32>
        %max3A_376 = arith.maximumf %max3A, %max3A_370 : vector<16xf32>
        %min3A_377 = arith.minimumf %max3A, %max3A_370 : vector<16xf32>
        %max3A_378 = arith.maximumf %min3A, %min3A_371 : vector<16xf32>
        %min3A_379 = arith.minimumf %min3A, %min3A_371 : vector<16xf32>
        %max3A_380 = arith.maximumf %max3A_372, %max3A_374 : vector<16xf32>
        %min3A_381 = arith.minimumf %max3A_372, %max3A_374 : vector<16xf32>
        %max3A_382 = arith.maximumf %min3A_373, %min3A_375 : vector<16xf32>
        %min3A_383 = arith.minimumf %min3A_373, %min3A_375 : vector<16xf32>
        %max3A_384 = arith.maximumf %max3A_378, %min3A_377 : vector<16xf32>
        %min3A_385 = arith.minimumf %max3A_378, %min3A_377 : vector<16xf32>
        %max3A_386 = arith.maximumf %max3A_382, %min3A_381 : vector<16xf32>
        %min3A_387 = arith.minimumf %max3A_382, %min3A_381 : vector<16xf32>
        %max3A_388 = arith.maximumf %max3A_376, %max3A_380 : vector<16xf32>
        %min3A_389 = arith.minimumf %max3A_376, %max3A_380 : vector<16xf32>
        %max3A_390 = arith.maximumf %max3A_384, %max3A_386 : vector<16xf32>
        %min3A_391 = arith.minimumf %max3A_384, %max3A_386 : vector<16xf32>
        %max3A_392 = arith.maximumf %min3A_385, %min3A_387 : vector<16xf32>
        %min3A_393 = arith.minimumf %min3A_385, %min3A_387 : vector<16xf32>
        %max3A_394 = arith.maximumf %min3A_379, %min3A_383 : vector<16xf32>
        %min3A_395 = arith.minimumf %min3A_379, %min3A_383 : vector<16xf32>
        %max3A_396 = arith.maximumf %max3A_392, %min3A_389 : vector<16xf32>
        %min3A_397 = arith.minimumf %max3A_392, %min3A_389 : vector<16xf32>
        %max3A_398 = arith.maximumf %max3A_394, %min3A_391 : vector<16xf32>
        %min3A_399 = arith.minimumf %max3A_394, %min3A_391 : vector<16xf32>
        %max3A_400 = arith.maximumf %max3A_390, %max3A_396 : vector<16xf32>
        %min3A_401 = arith.minimumf %max3A_390, %max3A_396 : vector<16xf32>
        %max3A_402 = arith.maximumf %max3A_398, %min3A_397 : vector<16xf32>
        %min3A_403 = arith.minimumf %max3A_398, %min3A_397 : vector<16xf32>
        %max3A_404 = arith.maximumf %min3A_399, %min3A_393 : vector<16xf32>
        %min3A_405 = arith.minimumf %min3A_399, %min3A_393 : vector<16xf32>
        %add3A_406 = arith.constant 0 : i32
        %add3A_407 = arith.addi %mul3A_330, %add3A_406 : i32
        %get3A_408 = arith.index_cast %add3A_407 : i32 to index
        %get3A_409 = arith.constant 80 : index
        %get3A_410 = tpu.vector_load %arg5[%get3A_408, %get3A_409] {strides = array<i32>} : memref<256x128xf32, #tpu.memory_space<vmem>>, vector<16xf32>,
        %add3A_411 = arith.constant 1 : i32
        %add3A_412 = arith.addi %mul3A_330, %add3A_411 : i32
        %get3A_413 = arith.index_cast %add3A_412 : i32 to index
        %get3A_414 = arith.constant 80 : index
        %get3A_415 = tpu.vector_load %arg5[%get3A_413, %get3A_414] {strides = array<i32>} : memref<256x128xf32, #tpu.memory_space<vmem>>, vector<16xf32>,
        %add3A_416 = arith.constant 2 : i32
        %add3A_417 = arith.addi %mul3A_330, %add3A_416 : i32
        %get3A_418 = arith.index_cast %add3A_417 : i32 to index
        %get3A_419 = arith.constant 80 : index
        %get3A_420 = tpu.vector_load %arg5[%get3A_418, %get3A_419] {strides = array<i32>} : memref<256x128xf32, #tpu.memory_space<vmem>>, vector<16xf32>,
        %add3A_421 = arith.constant 3 : i32
        %add3A_422 = arith.addi %mul3A_330, %add3A_421 : i32
        %get3A_423 = arith.index_cast %add3A_422 : i32 to index
        %get3A_424 = arith.constant 80 : index
        %get3A_425 = tpu.vector_load %arg5[%get3A_423, %get3A_424] {strides = array<i32>} : memref<256x128xf32, #tpu.memory_space<vmem>>, vector<16xf32>,
        %add3A_426 = arith.constant 4 : i32
        %add3A_427 = arith.addi %mul3A_330, %add3A_426 : i32
        %get3A_428 = arith.index_cast %add3A_427 : i32 to index
        %get3A_429 = arith.constant 80 : index
        %get3A_430 = tpu.vector_load %arg5[%get3A_428, %get3A_429] {strides = array<i32>} : memref<256x128xf32, #tpu.memory_space<vmem>>, vector<16xf32>,
        %add3A_431 = arith.constant 5 : i32
        %add3A_432 = arith.addi %mul3A_330, %add3A_431 : i32
        %get3A_433 = arith.index_cast %add3A_432 : i32 to index
        %get3A_434 = arith.constant 80 : index
        %get3A_435 = tpu.vector_load %arg5[%get3A_433, %get3A_434] {strides = array<i32>} : memref<256x128xf32, #tpu.memory_space<vmem>>, vector<16xf32>,
        %add3A_436 = arith.constant 6 : i32
        %add3A_437 = arith.addi %mul3A_330, %add3A_436 : i32
        %get3A_438 = arith.index_cast %add3A_437 : i32 to index
        %get3A_439 = arith.constant 80 : index
        %get3A_440 = tpu.vector_load %arg5[%get3A_438, %get3A_439] {strides = array<i32>} : memref<256x128xf32, #tpu.memory_space<vmem>>, vector<16xf32>,
        %add3A_441 = arith.constant 7 : i32
        %add3A_442 = arith.addi %mul3A_330, %add3A_441 : i32
        %get3A_443 = arith.index_cast %add3A_442 : i32 to index
        %get3A_444 = arith.constant 80 : index
        %get3A_445 = tpu.vector_load %arg5[%get3A_443, %get3A_444] {strides = array<i32>} : memref<256x128xf32, #tpu.memory_space<vmem>>, vector<16xf32>,
        %max3A_446 = arith.maximumf %get3A_410, %get3A_415 : vector<16xf32>
        %min3A_447 = arith.minimumf %get3A_410, %get3A_415 : vector<16xf32>
        %max3A_448 = arith.maximumf %get3A_420, %get3A_425 : vector<16xf32>
        %min3A_449 = arith.minimumf %get3A_420, %get3A_425 : vector<16xf32>
        %max3A_450 = arith.maximumf %get3A_430, %get3A_435 : vector<16xf32>
        %min3A_451 = arith.minimumf %get3A_430, %get3A_435 : vector<16xf32>
        %max3A_452 = arith.maximumf %get3A_440, %get3A_445 : vector<16xf32>
        %min3A_453 = arith.minimumf %get3A_440, %get3A_445 : vector<16xf32>
        %max3A_454 = arith.maximumf %max3A_446, %max3A_448 : vector<16xf32>
        %min3A_455 = arith.minimumf %max3A_446, %max3A_448 : vector<16xf32>
        %max3A_456 = arith.maximumf %min3A_447, %min3A_449 : vector<16xf32>
        %min3A_457 = arith.minimumf %min3A_447, %min3A_449 : vector<16xf32>
        %max3A_458 = arith.maximumf %max3A_450, %max3A_452 : vector<16xf32>
        %min3A_459 = arith.minimumf %max3A_450, %max3A_452 : vector<16xf32>
        %max3A_460 = arith.maximumf %min3A_451, %min3A_453 : vector<16xf32>
        %min3A_461 = arith.minimumf %min3A_451, %min3A_453 : vector<16xf32>
        %max3A_462 = arith.maximumf %max3A_456, %min3A_455 : vector<16xf32>
        %min3A_463 = arith.minimumf %max3A_456, %min3A_455 : vector<16xf32>
        %max3A_464 = arith.maximumf %max3A_460, %min3A_459 : vector<16xf32>
        %min3A_465 = arith.minimumf %max3A_460, %min3A_459 : vector<16xf32>
        %max3A_466 = arith.maximumf %max3A_454, %max3A_458 : vector<16xf32>
        %min3A_467 = arith.minimumf %max3A_454, %max3A_458 : vector<16xf32>
        %max3A_468 = arith.maximumf %max3A_462, %max3A_464 : vector<16xf32>
        %min3A_469 = arith.minimumf %max3A_462, %max3A_464 : vector<16xf32>
        %max3A_470 = arith.maximumf %min3A_463, %min3A_465 : vector<16xf32>
        %min3A_471 = arith.minimumf %min3A_463, %min3A_465 : vector<16xf32>
        %max3A_472 = arith.maximumf %min3A_457, %min3A_461 : vector<16xf32>
        %min3A_473 = arith.minimumf %min3A_457, %min3A_461 : vector<16xf32>
        %max3A_474 = arith.maximumf %max3A_470, %min3A_467 : vector<16xf32>
        %min3A_475 = arith.minimumf %max3A_470, %min3A_467 : vector<16xf32>
        %max3A_476 = arith.maximumf %max3A_472, %min3A_469 : vector<16xf32>
        %min3A_477 = arith.minimumf %max3A_472, %min3A_469 : vector<16xf32>
        %max3A_478 = arith.maximumf %max3A_468, %max3A_474 : vector<16xf32>
        %min3A_479 = arith.minimumf %max3A_468, %max3A_474 : vector<16xf32>
        %max3A_480 = arith.maximumf %max3A_476, %min3A_475 : vector<16xf32>
        %min3A_481 = arith.minimumf %max3A_476, %min3A_475 : vector<16xf32>
        %max3A_482 = arith.maximumf %min3A_477, %min3A_471 : vector<16xf32>
        %min3A_483 = arith.minimumf %min3A_477, %min3A_471 : vector<16xf32>
        %max3A_484 = arith.maximumf %scan3A_313, %min3A_395 : vector<16xf32>
        %max3A_485 = arith.maximumf %scan3A_314, %min3A_405 : vector<16xf32>
        %max3A_486 = arith.maximumf %scan3A_315, %max3A_404 : vector<16xf32>
        %max3A_487 = arith.maximumf %scan3A_316, %min3A_403 : vector<16xf32>
        %max3A_488 = arith.maximumf %scan3A_317, %max3A_402 : vector<16xf32>
        %max3A_489 = arith.maximumf %scan3A_318, %min3A_401 : vector<16xf32>
        %max3A_490 = arith.maximumf %scan3A_319, %max3A_400 : vector<16xf32>
        %max3A_491 = arith.maximumf %scan3A_320, %max3A_388 : vector<16xf32>
        %max3A_492 = arith.maximumf %max3A_484, %max3A_488 : vector<16xf32>
        %min3A_493 = arith.minimumf %max3A_484, %max3A_488 : vector<16xf32>
        %max3A_494 = arith.maximumf %max3A_485, %max3A_489 : vector<16xf32>
        %min3A_495 = arith.minimumf %max3A_485, %max3A_489 : vector<16xf32>
        %max3A_496 = arith.maximumf %max3A_486, %max3A_490 : vector<16xf32>
        %min3A_497 = arith.minimumf %max3A_486, %max3A_490 : vector<16xf32>
        %max3A_498 = arith.maximumf %max3A_487, %max3A_491 : vector<16xf32>
        %min3A_499 = arith.minimumf %max3A_487, %max3A_491 : vector<16xf32>
        %max3A_500 = arith.maximumf %max3A_492, %max3A_496 : vector<16xf32>
        %min3A_501 = arith.minimumf %max3A_492, %max3A_496 : vector<16xf32>
        %max3A_502 = arith.maximumf %max3A_494, %max3A_498 : vector<16xf32>
        %min3A_503 = arith.minimumf %max3A_494, %max3A_498 : vector<16xf32>
        %max3A_504 = arith.maximumf %min3A_493, %min3A_497 : vector<16xf32>
        %min3A_505 = arith.minimumf %min3A_493, %min3A_497 : vector<16xf32>
        %max3A_506 = arith.maximumf %min3A_495, %min3A_499 : vector<16xf32>
        %min3A_507 = arith.minimumf %min3A_495, %min3A_499 : vector<16xf32>
        %max3A_508 = arith.maximumf %max3A_500, %max3A_502 : vector<16xf32>
        %min3A_509 = arith.minimumf %max3A_500, %max3A_502 : vector<16xf32>
        %max3A_510 = arith.maximumf %min3A_501, %min3A_503 : vector<16xf32>
        %min3A_511 = arith.minimumf %min3A_501, %min3A_503 : vector<16xf32>
        %max3A_512 = arith.maximumf %max3A_504, %max3A_506 : vector<16xf32>
        %min3A_513 = arith.minimumf %max3A_504, %max3A_506 : vector<16xf32>
        %max3A_514 = arith.maximumf %min3A_505, %min3A_507 : vector<16xf32>
        %min3A_515 = arith.minimumf %min3A_505, %min3A_507 : vector<16xf32>
        %max3A_516 = arith.maximumf %scan3A_321, %min3A_473 : vector<16xf32>
        %max3A_517 = arith.maximumf %scan3A_322, %min3A_483 : vector<16xf32>
        %max3A_518 = arith.maximumf %scan3A_323, %max3A_482 : vector<16xf32>
        %max3A_519 = arith.maximumf %scan3A_324, %min3A_481 : vector<16xf32>
        %max3A_520 = arith.maximumf %scan3A_325, %max3A_480 : vector<16xf32>
        %max3A_521 = arith.maximumf %scan3A_326, %min3A_479 : vector<16xf32>
        %max3A_522 = arith.maximumf %scan3A_327, %max3A_478 : vector<16xf32>
        %max3A_523 = arith.maximumf %scan3A_328, %max3A_466 : vector<16xf32>
        %max3A_524 = arith.maximumf %max3A_516, %max3A_520 : vector<16xf32>
        %min3A_525 = arith.minimumf %max3A_516, %max3A_520 : vector<16xf32>
        %max3A_526 = arith.maximumf %max3A_517, %max3A_521 : vector<16xf32>
        %min3A_527 = arith.minimumf %max3A_517, %max3A_521 : vector<16xf32>
        %max3A_528 = arith.maximumf %max3A_518, %max3A_522 : vector<16xf32>
        %min3A_529 = arith.minimumf %max3A_518, %max3A_522 : vector<16xf32>
        %max3A_530 = arith.maximumf %max3A_519, %max3A_523 : vector<16xf32>
        %min3A_531 = arith.minimumf %max3A_519, %max3A_523 : vector<16xf32>
        %max3A_532 = arith.maximumf %max3A_524, %max3A_528 : vector<16xf32>
        %min3A_533 = arith.minimumf %max3A_524, %max3A_528 : vector<16xf32>
        %max3A_534 = arith.maximumf %max3A_526, %max3A_530 : vector<16xf32>
        %min3A_535 = arith.minimumf %max3A_526, %max3A_530 : vector<16xf32>
        %max3A_536 = arith.maximumf %min3A_525, %min3A_529 : vector<16xf32>
        %min3A_537 = arith.minimumf %min3A_525, %min3A_529 : vector<16xf32>
        %max3A_538 = arith.maximumf %min3A_527, %min3A_531 : vector<16xf32>
        %min3A_539 = arith.minimumf %min3A_527, %min3A_531 : vector<16xf32>
        %max3A_540 = arith.maximumf %max3A_532, %max3A_534 : vector<16xf32>
        %min3A_541 = arith.minimumf %max3A_532, %max3A_534 : vector<16xf32>
        %max3A_542 = arith.maximumf %min3A_533, %min3A_535 : vector<16xf32>
        %min3A_543 = arith.minimumf %min3A_533, %min3A_535 : vector<16xf32>
        %max3A_544 = arith.maximumf %max3A_536, %max3A_538 : vector<16xf32>
        %min3A_545 = arith.minimumf %max3A_536, %max3A_538 : vector<16xf32>
        %max3A_546 = arith.maximumf %min3A_537, %min3A_539 : vector<16xf32>
        %min3A_547 = arith.minimumf %min3A_537, %min3A_539 : vector<16xf32>
        scf.yield %max3A_508, %min3A_509, %max3A_510, %min3A_511, %max3A_512, %min3A_513, %max3A_514, %min3A_515, %max3A_540, %min3A_541, %max3A_542, %min3A_543, %max3A_544, %min3A_545, %max3A_546, %min3A_547 : vector<16xf32>, vector<16xf32>, vector<16xf32>, vector<16xf32>, vector<16xf32>, vector<16xf32>, vector<16xf32>, vector<16xf32>, vector<16xf32>, vector<16xf32>, vector<16xf32>, vector<16xf32>, vector<16xf32>, vector<16xf32>, vector<16xf32>, vector<16xf32>
      }
      %scan3A_305 = arith.constant 32 : i32
      %scan3A_306 = arith.constant 0 : i32
      %scan3A_307 = arith.constant 32 : i32
      %scan3A_308 = arith.addi %scan3A_306, %scan3A_307 : i32
      %scan3A_309 = arith.constant 1 : i32
      %scan3A_310:16 = scf.for %scan3A_312 = %scan3A_306 to %scan3A_308 step %scan3A_309 iter_args(%scan3A_313 = %scan3A_273#0, %scan3A_314 = %scan3A_273#1, %scan3A_315 = %scan3A_273#2, %scan3A_316 = %scan3A_273#3, %scan3A_317 = %scan3A_273#4, %scan3A_318 = %scan3A_273#5, %scan3A_319 = %scan3A_273#6, %scan3A_320 = %scan3A_273#7, %scan3A_321 = %scan3A_273#8, %scan3A_322 = %scan3A_273#9, %scan3A_323 = %scan3A_273#10, %scan3A_324 = %scan3A_273#11, %scan3A_325 = %scan3A_273#12, %scan3A_326 = %scan3A_273#13, %scan3A_327 = %scan3A_273#14, %scan3A_328 = %scan3A_273#15) -> (vector<16xf32>, vector<16xf32>, vector<16xf32>, vector<16xf32>, vector<16xf32>, vector<16xf32>, vector<16xf32>, vector<16xf32>, vector<16xf32>, vector<16xf32>, vector<16xf32>, vector<16xf32>, vector<16xf32>, vector<16xf32>, vector<16xf32>, vector<16xf32>)  : i32 {
        %mul3A_329 = arith.constant 8 : i32
        %mul3A_330 = arith.muli %scan3A_312, %mul3A_329 : i32
        %add3A_331 = arith.constant 0 : i32
        %add3A_332 = arith.addi %mul3A_330, %add3A_331 : i32
        %get3A = arith.index_cast %add3A_332 : i32 to index
        %get3A_333 = arith.constant 96 : index
        %get3A_334 = tpu.vector_load %arg5[%get3A, %get3A_333] {strides = array<i32>} : memref<256x128xf32, #tpu.memory_space<vmem>>, vector<16xf32>,
        %add3A_335 = arith.constant 1 : i32
        %add3A_336 = arith.addi %mul3A_330, %add3A_335 : i32
        %get3A_337 = arith.index_cast %add3A_336 : i32 to index
        %get3A_338 = arith.constant 96 : index
        %get3A_339 = tpu.vector_load %arg5[%get3A_337, %get3A_338] {strides = array<i32>} : memref<256x128xf32, #tpu.memory_space<vmem>>, vector<16xf32>,
        %add3A_340 = arith.constant 2 : i32
        %add3A_341 = arith.addi %mul3A_330, %add3A_340 : i32
        %get3A_342 = arith.index_cast %add3A_341 : i32 to index
        %get3A_343 = arith.constant 96 : index
        %get3A_344 = tpu.vector_load %arg5[%get3A_342, %get3A_343] {strides = array<i32>} : memref<256x128xf32, #tpu.memory_space<vmem>>, vector<16xf32>,
        %add3A_345 = arith.constant 3 : i32
        %add3A_346 = arith.addi %mul3A_330, %add3A_345 : i32
        %get3A_347 = arith.index_cast %add3A_346 : i32 to index
        %get3A_348 = arith.constant 96 : index
        %get3A_349 = tpu.vector_load %arg5[%get3A_347, %get3A_348] {strides = array<i32>} : memref<256x128xf32, #tpu.memory_space<vmem>>, vector<16xf32>,
        %add3A_350 = arith.constant 4 : i32
        %add3A_351 = arith.addi %mul3A_330, %add3A_350 : i32
        %get3A_352 = arith.index_cast %add3A_351 : i32 to index
        %get3A_353 = arith.constant 96 : index
        %get3A_354 = tpu.vector_load %arg5[%get3A_352, %get3A_353] {strides = array<i32>} : memref<256x128xf32, #tpu.memory_space<vmem>>, vector<16xf32>,
        %add3A_355 = arith.constant 5 : i32
        %add3A_356 = arith.addi %mul3A_330, %add3A_355 : i32
        %get3A_357 = arith.index_cast %add3A_356 : i32 to index
        %get3A_358 = arith.constant 96 : index
        %get3A_359 = tpu.vector_load %arg5[%get3A_357, %get3A_358] {strides = array<i32>} : memref<256x128xf32, #tpu.memory_space<vmem>>, vector<16xf32>,
        %add3A_360 = arith.constant 6 : i32
        %add3A_361 = arith.addi %mul3A_330, %add3A_360 : i32
        %get3A_362 = arith.index_cast %add3A_361 : i32 to index
        %get3A_363 = arith.constant 96 : index
        %get3A_364 = tpu.vector_load %arg5[%get3A_362, %get3A_363] {strides = array<i32>} : memref<256x128xf32, #tpu.memory_space<vmem>>, vector<16xf32>,
        %add3A_365 = arith.constant 7 : i32
        %add3A_366 = arith.addi %mul3A_330, %add3A_365 : i32
        %get3A_367 = arith.index_cast %add3A_366 : i32 to index
        %get3A_368 = arith.constant 96 : index
        %get3A_369 = tpu.vector_load %arg5[%get3A_367, %get3A_368] {strides = array<i32>} : memref<256x128xf32, #tpu.memory_space<vmem>>, vector<16xf32>,
        %max3A = arith.maximumf %get3A_334, %get3A_339 : vector<16xf32>
        %min3A = arith.minimumf %get3A_334, %get3A_339 : vector<16xf32>
        %max3A_370 = arith.maximumf %get3A_344, %get3A_349 : vector<16xf32>
        %min3A_371 = arith.minimumf %get3A_344, %get3A_349 : vector<16xf32>
        %max3A_372 = arith.maximumf %get3A_354, %get3A_359 : vector<16xf32>
        %min3A_373 = arith.minimumf %get3A_354, %get3A_359 : vector<16xf32>
        %max3A_374 = arith.maximumf %get3A_364, %get3A_369 : vector<16xf32>
        %min3A_375 = arith.minimumf %get3A_364, %get3A_369 : vector<16xf32>
        %max3A_376 = arith.maximumf %max3A, %max3A_370 : vector<16xf32>
        %min3A_377 = arith.minimumf %max3A, %max3A_370 : vector<16xf32>
        %max3A_378 = arith.maximumf %min3A, %min3A_371 : vector<16xf32>
        %min3A_379 = arith.minimumf %min3A, %min3A_371 : vector<16xf32>
        %max3A_380 = arith.maximumf %max3A_372, %max3A_374 : vector<16xf32>
        %min3A_381 = arith.minimumf %max3A_372, %max3A_374 : vector<16xf32>
        %max3A_382 = arith.maximumf %min3A_373, %min3A_375 : vector<16xf32>
        %min3A_383 = arith.minimumf %min3A_373, %min3A_375 : vector<16xf32>
        %max3A_384 = arith.maximumf %max3A_378, %min3A_377 : vector<16xf32>
        %min3A_385 = arith.minimumf %max3A_378, %min3A_377 : vector<16xf32>
        %max3A_386 = arith.maximumf %max3A_382, %min3A_381 : vector<16xf32>
        %min3A_387 = arith.minimumf %max3A_382, %min3A_381 : vector<16xf32>
        %max3A_388 = arith.maximumf %max3A_376, %max3A_380 : vector<16xf32>
        %min3A_389 = arith.minimumf %max3A_376, %max3A_380 : vector<16xf32>
        %max3A_390 = arith.maximumf %max3A_384, %max3A_386 : vector<16xf32>
        %min3A_391 = arith.minimumf %max3A_384, %max3A_386 : vector<16xf32>
        %max3A_392 = arith.maximumf %min3A_385, %min3A_387 : vector<16xf32>
        %min3A_393 = arith.minimumf %min3A_385, %min3A_387 : vector<16xf32>
        %max3A_394 = arith.maximumf %min3A_379, %min3A_383 : vector<16xf32>
        %min3A_395 = arith.minimumf %min3A_379, %min3A_383 : vector<16xf32>
        %max3A_396 = arith.maximumf %max3A_392, %min3A_389 : vector<16xf32>
        %min3A_397 = arith.minimumf %max3A_392, %min3A_389 : vector<16xf32>
        %max3A_398 = arith.maximumf %max3A_394, %min3A_391 : vector<16xf32>
        %min3A_399 = arith.minimumf %max3A_394, %min3A_391 : vector<16xf32>
        %max3A_400 = arith.maximumf %max3A_390, %max3A_396 : vector<16xf32>
        %min3A_401 = arith.minimumf %max3A_390, %max3A_396 : vector<16xf32>
        %max3A_402 = arith.maximumf %max3A_398, %min3A_397 : vector<16xf32>
        %min3A_403 = arith.minimumf %max3A_398, %min3A_397 : vector<16xf32>
        %max3A_404 = arith.maximumf %min3A_399, %min3A_393 : vector<16xf32>
        %min3A_405 = arith.minimumf %min3A_399, %min3A_393 : vector<16xf32>
        %add3A_406 = arith.constant 0 : i32
        %add3A_407 = arith.addi %mul3A_330, %add3A_406 : i32
        %get3A_408 = arith.index_cast %add3A_407 : i32 to index
        %get3A_409 = arith.constant 112 : index
        %get3A_410 = tpu.vector_load %arg5[%get3A_408, %get3A_409] {strides = array<i32>} : memref<256x128xf32, #tpu.memory_space<vmem>>, vector<16xf32>,
        %add3A_411 = arith.constant 1 : i32
        %add3A_412 = arith.addi %mul3A_330, %add3A_411 : i32
        %get3A_413 = arith.index_cast %add3A_412 : i32 to index
        %get3A_414 = arith.constant 112 : index
        %get3A_415 = tpu.vector_load %arg5[%get3A_413, %get3A_414] {strides = array<i32>} : memref<256x128xf32, #tpu.memory_space<vmem>>, vector<16xf32>,
        %add3A_416 = arith.constant 2 : i32
        %add3A_417 = arith.addi %mul3A_330, %add3A_416 : i32
        %get3A_418 = arith.index_cast %add3A_417 : i32 to index
        %get3A_419 = arith.constant 112 : index
        %get3A_420 = tpu.vector_load %arg5[%get3A_418, %get3A_419] {strides = array<i32>} : memref<256x128xf32, #tpu.memory_space<vmem>>, vector<16xf32>,
        %add3A_421 = arith.constant 3 : i32
        %add3A_422 = arith.addi %mul3A_330, %add3A_421 : i32
        %get3A_423 = arith.index_cast %add3A_422 : i32 to index
        %get3A_424 = arith.constant 112 : index
        %get3A_425 = tpu.vector_load %arg5[%get3A_423, %get3A_424] {strides = array<i32>} : memref<256x128xf32, #tpu.memory_space<vmem>>, vector<16xf32>,
        %add3A_426 = arith.constant 4 : i32
        %add3A_427 = arith.addi %mul3A_330, %add3A_426 : i32
        %get3A_428 = arith.index_cast %add3A_427 : i32 to index
        %get3A_429 = arith.constant 112 : index
        %get3A_430 = tpu.vector_load %arg5[%get3A_428, %get3A_429] {strides = array<i32>} : memref<256x128xf32, #tpu.memory_space<vmem>>, vector<16xf32>,
        %add3A_431 = arith.constant 5 : i32
        %add3A_432 = arith.addi %mul3A_330, %add3A_431 : i32
        %get3A_433 = arith.index_cast %add3A_432 : i32 to index
        %get3A_434 = arith.constant 112 : index
        %get3A_435 = tpu.vector_load %arg5[%get3A_433, %get3A_434] {strides = array<i32>} : memref<256x128xf32, #tpu.memory_space<vmem>>, vector<16xf32>,
        %add3A_436 = arith.constant 6 : i32
        %add3A_437 = arith.addi %mul3A_330, %add3A_436 : i32
        %get3A_438 = arith.index_cast %add3A_437 : i32 to index
        %get3A_439 = arith.constant 112 : index
        %get3A_440 = tpu.vector_load %arg5[%get3A_438, %get3A_439] {strides = array<i32>} : memref<256x128xf32, #tpu.memory_space<vmem>>, vector<16xf32>,
        %add3A_441 = arith.constant 7 : i32
        %add3A_442 = arith.addi %mul3A_330, %add3A_441 : i32
        %get3A_443 = arith.index_cast %add3A_442 : i32 to index
        %get3A_444 = arith.constant 112 : index
        %get3A_445 = tpu.vector_load %arg5[%get3A_443, %get3A_444] {strides = array<i32>} : memref<256x128xf32, #tpu.memory_space<vmem>>, vector<16xf32>,
        %max3A_446 = arith.maximumf %get3A_410, %get3A_415 : vector<16xf32>
        %min3A_447 = arith.minimumf %get3A_410, %get3A_415 : vector<16xf32>
        %max3A_448 = arith.maximumf %get3A_420, %get3A_425 : vector<16xf32>
        %min3A_449 = arith.minimumf %get3A_420, %get3A_425 : vector<16xf32>
        %max3A_450 = arith.maximumf %get3A_430, %get3A_435 : vector<16xf32>
        %min3A_451 = arith.minimumf %get3A_430, %get3A_435 : vector<16xf32>
        %max3A_452 = arith.maximumf %get3A_440, %get3A_445 : vector<16xf32>
        %min3A_453 = arith.minimumf %get3A_440, %get3A_445 : vector<16xf32>
        %max3A_454 = arith.maximumf %max3A_446, %max3A_448 : vector<16xf32>
        %min3A_455 = arith.minimumf %max3A_446, %max3A_448 : vector<16xf32>
        %max3A_456 = arith.maximumf %min3A_447, %min3A_449 : vector<16xf32>
        %min3A_457 = arith.minimumf %min3A_447, %min3A_449 : vector<16xf32>
        %max3A_458 = arith.maximumf %max3A_450, %max3A_452 : vector<16xf32>
        %min3A_459 = arith.minimumf %max3A_450, %max3A_452 : vector<16xf32>
        %max3A_460 = arith.maximumf %min3A_451, %min3A_453 : vector<16xf32>
        %min3A_461 = arith.minimumf %min3A_451, %min3A_453 : vector<16xf32>
        %max3A_462 = arith.maximumf %max3A_456, %min3A_455 : vector<16xf32>
        %min3A_463 = arith.minimumf %max3A_456, %min3A_455 : vector<16xf32>
        %max3A_464 = arith.maximumf %max3A_460, %min3A_459 : vector<16xf32>
        %min3A_465 = arith.minimumf %max3A_460, %min3A_459 : vector<16xf32>
        %max3A_466 = arith.maximumf %max3A_454, %max3A_458 : vector<16xf32>
        %min3A_467 = arith.minimumf %max3A_454, %max3A_458 : vector<16xf32>
        %max3A_468 = arith.maximumf %max3A_462, %max3A_464 : vector<16xf32>
        %min3A_469 = arith.minimumf %max3A_462, %max3A_464 : vector<16xf32>
        %max3A_470 = arith.maximumf %min3A_463, %min3A_465 : vector<16xf32>
        %min3A_471 = arith.minimumf %min3A_463, %min3A_465 : vector<16xf32>
        %max3A_472 = arith.maximumf %min3A_457, %min3A_461 : vector<16xf32>
        %min3A_473 = arith.minimumf %min3A_457, %min3A_461 : vector<16xf32>
        %max3A_474 = arith.maximumf %max3A_470, %min3A_467 : vector<16xf32>
        %min3A_475 = arith.minimumf %max3A_470, %min3A_467 : vector<16xf32>
        %max3A_476 = arith.maximumf %max3A_472, %min3A_469 : vector<16xf32>
        %min3A_477 = arith.minimumf %max3A_472, %min3A_469 : vector<16xf32>
        %max3A_478 = arith.maximumf %max3A_468, %max3A_474 : vector<16xf32>
        %min3A_479 = arith.minimumf %max3A_468, %max3A_474 : vector<16xf32>
        %max3A_480 = arith.maximumf %max3A_476, %min3A_475 : vector<16xf32>
        %min3A_481 = arith.minimumf %max3A_476, %min3A_475 : vector<16xf32>
        %max3A_482 = arith.maximumf %min3A_477, %min3A_471 : vector<16xf32>
        %min3A_483 = arith.minimumf %min3A_477, %min3A_471 : vector<16xf32>
        %max3A_484 = arith.maximumf %scan3A_313, %min3A_395 : vector<16xf32>
        %max3A_485 = arith.maximumf %scan3A_314, %min3A_405 : vector<16xf32>
        %max3A_486 = arith.maximumf %scan3A_315, %max3A_404 : vector<16xf32>
        %max3A_487 = arith.maximumf %scan3A_316, %min3A_403 : vector<16xf32>
        %max3A_488 = arith.maximumf %scan3A_317, %max3A_402 : vector<16xf32>
        %max3A_489 = arith.maximumf %scan3A_318, %min3A_401 : vector<16xf32>
        %max3A_490 = arith.maximumf %scan3A_319, %max3A_400 : vector<16xf32>
        %max3A_491 = arith.maximumf %scan3A_320, %max3A_388 : vector<16xf32>
        %max3A_492 = arith.maximumf %max3A_484, %max3A_488 : vector<16xf32>
        %min3A_493 = arith.minimumf %max3A_484, %max3A_488 : vector<16xf32>
        %max3A_494 = arith.maximumf %max3A_485, %max3A_489 : vector<16xf32>
        %min3A_495 = arith.minimumf %max3A_485, %max3A_489 : vector<16xf32>
        %max3A_496 = arith.maximumf %max3A_486, %max3A_490 : vector<16xf32>
        %min3A_497 = arith.minimumf %max3A_486, %max3A_490 : vector<16xf32>
        %max3A_498 = arith.maximumf %max3A_487, %max3A_491 : vector<16xf32>
        %min3A_499 = arith.minimumf %max3A_487, %max3A_491 : vector<16xf32>
        %max3A_500 = arith.maximumf %max3A_492, %max3A_496 : vector<16xf32>
        %min3A_501 = arith.minimumf %max3A_492, %max3A_496 : vector<16xf32>
        %max3A_502 = arith.maximumf %max3A_494, %max3A_498 : vector<16xf32>
        %min3A_503 = arith.minimumf %max3A_494, %max3A_498 : vector<16xf32>
        %max3A_504 = arith.maximumf %min3A_493, %min3A_497 : vector<16xf32>
        %min3A_505 = arith.minimumf %min3A_493, %min3A_497 : vector<16xf32>
        %max3A_506 = arith.maximumf %min3A_495, %min3A_499 : vector<16xf32>
        %min3A_507 = arith.minimumf %min3A_495, %min3A_499 : vector<16xf32>
        %max3A_508 = arith.maximumf %max3A_500, %max3A_502 : vector<16xf32>
        %min3A_509 = arith.minimumf %max3A_500, %max3A_502 : vector<16xf32>
        %max3A_510 = arith.maximumf %min3A_501, %min3A_503 : vector<16xf32>
        %min3A_511 = arith.minimumf %min3A_501, %min3A_503 : vector<16xf32>
        %max3A_512 = arith.maximumf %max3A_504, %max3A_506 : vector<16xf32>
        %min3A_513 = arith.minimumf %max3A_504, %max3A_506 : vector<16xf32>
        %max3A_514 = arith.maximumf %min3A_505, %min3A_507 : vector<16xf32>
        %min3A_515 = arith.minimumf %min3A_505, %min3A_507 : vector<16xf32>
        %max3A_516 = arith.maximumf %scan3A_321, %min3A_473 : vector<16xf32>
        %max3A_517 = arith.maximumf %scan3A_322, %min3A_483 : vector<16xf32>
        %max3A_518 = arith.maximumf %scan3A_323, %max3A_482 : vector<16xf32>
        %max3A_519 = arith.maximumf %scan3A_324, %min3A_481 : vector<16xf32>
        %max3A_520 = arith.maximumf %scan3A_325, %max3A_480 : vector<16xf32>
        %max3A_521 = arith.maximumf %scan3A_326, %min3A_479 : vector<16xf32>
        %max3A_522 = arith.maximumf %scan3A_327, %max3A_478 : vector<16xf32>
        %max3A_523 = arith.maximumf %scan3A_328, %max3A_466 : vector<16xf32>
        %max3A_524 = arith.maximumf %max3A_516, %max3A_520 : vector<16xf32>
        %min3A_525 = arith.minimumf %max3A_516, %max3A_520 : vector<16xf32>
        %max3A_526 = arith.maximumf %max3A_517, %max3A_521 : vector<16xf32>
        %min3A_527 = arith.minimumf %max3A_517, %max3A_521 : vector<16xf32>
        %max3A_528 = arith.maximumf %max3A_518, %max3A_522 : vector<16xf32>
        %min3A_529 = arith.minimumf %max3A_518, %max3A_522 : vector<16xf32>
        %max3A_530 = arith.maximumf %max3A_519, %max3A_523 : vector<16xf32>
        %min3A_531 = arith.minimumf %max3A_519, %max3A_523 : vector<16xf32>
        %max3A_532 = arith.maximumf %max3A_524, %max3A_528 : vector<16xf32>
        %min3A_533 = arith.minimumf %max3A_524, %max3A_528 : vector<16xf32>
        %max3A_534 = arith.maximumf %max3A_526, %max3A_530 : vector<16xf32>
        %min3A_535 = arith.minimumf %max3A_526, %max3A_530 : vector<16xf32>
        %max3A_536 = arith.maximumf %min3A_525, %min3A_529 : vector<16xf32>
        %min3A_537 = arith.minimumf %min3A_525, %min3A_529 : vector<16xf32>
        %max3A_538 = arith.maximumf %min3A_527, %min3A_531 : vector<16xf32>
        %min3A_539 = arith.minimumf %min3A_527, %min3A_531 : vector<16xf32>
        %max3A_540 = arith.maximumf %max3A_532, %max3A_534 : vector<16xf32>
        %min3A_541 = arith.minimumf %max3A_532, %max3A_534 : vector<16xf32>
        %max3A_542 = arith.maximumf %min3A_533, %min3A_535 : vector<16xf32>
        %min3A_543 = arith.minimumf %min3A_533, %min3A_535 : vector<16xf32>
        %max3A_544 = arith.maximumf %max3A_536, %max3A_538 : vector<16xf32>
        %min3A_545 = arith.minimumf %max3A_536, %max3A_538 : vector<16xf32>
        %max3A_546 = arith.maximumf %min3A_537, %min3A_539 : vector<16xf32>
        %min3A_547 = arith.minimumf %min3A_537, %min3A_539 : vector<16xf32>
        scf.yield %max3A_508, %min3A_509, %max3A_510, %min3A_511, %max3A_512, %min3A_513, %max3A_514, %min3A_515, %max3A_540, %min3A_541, %max3A_542, %min3A_543, %max3A_544, %min3A_545, %max3A_546, %min3A_547 : vector<16xf32>, vector<16xf32>, vector<16xf32>, vector<16xf32>, vector<16xf32>, vector<16xf32>, vector<16xf32>, vector<16xf32>, vector<16xf32>, vector<16xf32>, vector<16xf32>, vector<16xf32>, vector<16xf32>, vector<16xf32>, vector<16xf32>, vector<16xf32>
      }
      %scan3A_311 = arith.constant 32 : i32
      scf.yield %scan3A_292#0, %scan3A_292#1, %scan3A_292#2, %scan3A_292#3, %scan3A_292#4, %scan3A_292#5, %scan3A_292#6, %scan3A_292#7, %scan3A_292#8, %scan3A_292#9, %scan3A_292#10, %scan3A_292#11, %scan3A_292#12, %scan3A_292#13, %scan3A_292#14, %scan3A_292#15, %scan3A_298#0, %scan3A_298#1, %scan3A_298#2, %scan3A_298#3, %scan3A_298#4, %scan3A_298#5, %scan3A_298#6, %scan3A_298#7, %scan3A_298#8, %scan3A_298#9, %scan3A_298#10, %scan3A_298#11, %scan3A_298#12, %scan3A_298#13, %scan3A_298#14, %scan3A_298#15, %scan3A_304#0, %scan3A_304#1, %scan3A_304#2, %scan3A_304#3, %scan3A_304#4, %scan3A_304#5, %scan3A_304#6, %scan3A_304#7, %scan3A_304#8, %scan3A_304#9, %scan3A_304#10, %scan3A_304#11, %scan3A_304#12, %scan3A_304#13, %scan3A_304#14, %scan3A_304#15, %scan3A_310#0, %scan3A_310#1, %scan3A_310#2, %scan3A_310#3, %scan3A_310#4, %scan3A_310#5, %scan3A_310#6, %scan3A_310#7, %scan3A_310#8, %scan3A_310#9, %scan3A_310#10, %scan3A_310#11, %scan3A_310#12, %scan3A_310#13, %scan3A_310#14, %scan3A_310#15 : vector<16xf32>, vector<16xf32>, vector<16xf32>, vector<16xf32>, vector<16xf32>, vector<16xf32>, vector<16xf32>, vector<16xf32>, vector<16xf32>, vector<16xf32>, vector<16xf32>, vector<16xf32>, vector<16xf32>, vector<16xf32>, vector<16xf32>, vector<16xf32>, vector<16xf32>, vector<16xf32>, vector<16xf32>, vector<16xf32>, vector<16xf32>, vector<16xf32>, vector<16xf32>, vector<16xf32>, vector<16xf32>, vector<16xf32>, vector<16xf32>, vector<16xf32>, vector<16xf32>, vector<16xf32>, vector<16xf32>, vector<16xf32>, vector<16xf32>, vector<16xf32>, vector<16xf32>, vector<16xf32>, vector<16xf32>, vector<16xf32>, vector<16xf32>, vector<16xf32>, vector<16xf32>, vector<16xf32>, vector<16xf32>, vector<16xf32>, vector<16xf32>, vector<16xf32>, vector<16xf32>, vector<16xf32>, vector<16xf32>, vector<16xf32>, vector<16xf32>, vector<16xf32>, vector<16xf32>, vector<16xf32>, vector<16xf32>, vector<16xf32>, vector<16xf32>, vector<16xf32>, vector<16xf32>, vector<16xf32>, vector<16xf32>, vector<16xf32>, vector<16xf32>, vector<16xf32>
    }
    %scan3A_43 = arith.constant 16 : i32
    %swap3A = arith.constant 0 : index
    %swap3A_44 = tpu.vector_load %arg6[%swap3A] {strides = array<i32>} : memref<1024xf32, #tpu.memory_space<vmem>>, vector<16xf32>,
    tpu.vector_store %arg6[%swap3A], %scan3A_42#0 {strides = array<i32>} : memref<1024xf32, #tpu.memory_space<vmem>>, vector<16xf32>,
    %swap3A_45 = arith.constant 128 : index
    %swap3A_46 = tpu.vector_load %arg6[%swap3A_45] {strides = array<i32>} : memref<1024xf32, #tpu.memory_space<vmem>>, vector<16xf32>,
    tpu.vector_store %arg6[%swap3A_45], %scan3A_42#1 {strides = array<i32>} : memref<1024xf32, #tpu.memory_space<vmem>>, vector<16xf32>,
    %swap3A_47 = arith.constant 256 : index
    %swap3A_48 = tpu.vector_load %arg6[%swap3A_47] {strides = array<i32>} : memref<1024xf32, #tpu.memory_space<vmem>>, vector<16xf32>,
    tpu.vector_store %arg6[%swap3A_47], %scan3A_42#2 {strides = array<i32>} : memref<1024xf32, #tpu.memory_space<vmem>>, vector<16xf32>,
    %swap3A_49 = arith.constant 384 : index
    %swap3A_50 = tpu.vector_load %arg6[%swap3A_49] {strides = array<i32>} : memref<1024xf32, #tpu.memory_space<vmem>>, vector<16xf32>,
    tpu.vector_store %arg6[%swap3A_49], %scan3A_42#3 {strides = array<i32>} : memref<1024xf32, #tpu.memory_space<vmem>>, vector<16xf32>,
    %swap3A_51 = arith.constant 512 : index
    %swap3A_52 = tpu.vector_load %arg6[%swap3A_51] {strides = array<i32>} : memref<1024xf32, #tpu.memory_space<vmem>>, vector<16xf32>,
    tpu.vector_store %arg6[%swap3A_51], %scan3A_42#4 {strides = array<i32>} : memref<1024xf32, #tpu.memory_space<vmem>>, vector<16xf32>,
    %swap3A_53 = arith.constant 640 : index
    %swap3A_54 = tpu.vector_load %arg6[%swap3A_53] {strides = array<i32>} : memref<1024xf32, #tpu.memory_space<vmem>>, vector<16xf32>,
    tpu.vector_store %arg6[%swap3A_53], %scan3A_42#5 {strides = array<i32>} : memref<1024xf32, #tpu.memory_space<vmem>>, vector<16xf32>,
    %swap3A_55 = arith.constant 768 : index
    %swap3A_56 = tpu.vector_load %arg6[%swap3A_55] {strides = array<i32>} : memref<1024xf32, #tpu.memory_space<vmem>>, vector<16xf32>,
    tpu.vector_store %arg6[%swap3A_55], %scan3A_42#6 {strides = array<i32>} : memref<1024xf32, #tpu.memory_space<vmem>>, vector<16xf32>,
    %swap3A_57 = arith.constant 896 : index
    %swap3A_58 = tpu.vector_load %arg6[%swap3A_57] {strides = array<i32>} : memref<1024xf32, #tpu.memory_space<vmem>>, vector<16xf32>,
    tpu.vector_store %arg6[%swap3A_57], %scan3A_42#7 {strides = array<i32>} : memref<1024xf32, #tpu.memory_space<vmem>>, vector<16xf32>,
    %swap3A_59 = arith.constant 16 : index
    %swap3A_60 = tpu.vector_load %arg6[%swap3A_59] {strides = array<i32>} : memref<1024xf32, #tpu.memory_space<vmem>>, vector<16xf32>,
    tpu.vector_store %arg6[%swap3A_59], %scan3A_42#8 {strides = array<i32>} : memref<1024xf32, #tpu.memory_space<vmem>>, vector<16xf32>,
    %swap3A_61 = arith.constant 144 : index
    %swap3A_62 = tpu.vector_load %arg6[%swap3A_61] {strides = array<i32>} : memref<1024xf32, #tpu.memory_space<vmem>>, vector<16xf32>,
    tpu.vector_store %arg6[%swap3A_61], %scan3A_42#9 {strides = array<i32>} : memref<1024xf32, #tpu.memory_space<vmem>>, vector<16xf32>,
    %swap3A_63 = arith.constant 272 : index
    %swap3A_64 = tpu.vector_load %arg6[%swap3A_63] {strides = array<i32>} : memref<1024xf32, #tpu.memory_space<vmem>>, vector<16xf32>,
    tpu.vector_store %arg6[%swap3A_63], %scan3A_42#10 {strides = array<i32>} : memref<1024xf32, #tpu.memory_space<vmem>>, vector<16xf32>,
    %swap3A_65 = arith.constant 400 : index
    %swap3A_66 = tpu.vector_load %arg6[%swap3A_65] {strides = array<i32>} : memref<1024xf32, #tpu.memory_space<vmem>>, vector<16xf32>,
    tpu.vector_store %arg6[%swap3A_65], %scan3A_42#11 {strides = array<i32>} : memref<1024xf32, #tpu.memory_space<vmem>>, vector<16xf32>,
    %swap3A_67 = arith.constant 528 : index
    %swap3A_68 = tpu.vector_load %arg6[%swap3A_67] {strides = array<i32>} : memref<1024xf32, #tpu.memory_space<vmem>>, vector<16xf32>,
    tpu.vector_store %arg6[%swap3A_67], %scan3A_42#12 {strides = array<i32>} : memref<1024xf32, #tpu.memory_space<vmem>>, vector<16xf32>,
    %swap3A_69 = arith.constant 656 : index
    %swap3A_70 = tpu.vector_load %arg6[%swap3A_69] {strides = array<i32>} : memref<1024xf32, #tpu.memory_space<vmem>>, vector<16xf32>,
    tpu.vector_store %arg6[%swap3A_69], %scan3A_42#13 {strides = array<i32>} : memref<1024xf32, #tpu.memory_space<vmem>>, vector<16xf32>,
    %swap3A_71 = arith.constant 784 : index
    %swap3A_72 = tpu.vector_load %arg6[%swap3A_71] {strides = array<i32>} : memref<1024xf32, #tpu.memory_space<vmem>>, vector<16xf32>,
    tpu.vector_store %arg6[%swap3A_71], %scan3A_42#14 {strides = array<i32>} : memref<1024xf32, #tpu.memory_space<vmem>>, vector<16xf32>,
    %swap3A_73 = arith.constant 912 : index
    %swap3A_74 = tpu.vector_load %arg6[%swap3A_73] {strides = array<i32>} : memref<1024xf32, #tpu.memory_space<vmem>>, vector<16xf32>,
    tpu.vector_store %arg6[%swap3A_73], %scan3A_42#15 {strides = array<i32>} : memref<1024xf32, #tpu.memory_space<vmem>>, vector<16xf32>,
    %swap3A_75 = arith.constant 32 : index
    %swap3A_76 = tpu.vector_load %arg6[%swap3A_75] {strides = array<i32>} : memref<1024xf32, #tpu.memory_space<vmem>>, vector<16xf32>,
    tpu.vector_store %arg6[%swap3A_75], %scan3A_42#16 {strides = array<i32>} : memref<1024xf32, #tpu.memory_space<vmem>>, vector<16xf32>,
    %swap3A_77 = arith.constant 160 : index
    %swap3A_78 = tpu.vector_load %arg6[%swap3A_77] {strides = array<i32>} : memref<1024xf32, #tpu.memory_space<vmem>>, vector<16xf32>,
    tpu.vector_store %arg6[%swap3A_77], %scan3A_42#17 {strides = array<i32>} : memref<1024xf32, #tpu.memory_space<vmem>>, vector<16xf32>,
    %swap3A_79 = arith.constant 288 : index
    %swap3A_80 = tpu.vector_load %arg6[%swap3A_79] {strides = array<i32>} : memref<1024xf32, #tpu.memory_space<vmem>>, vector<16xf32>,
    tpu.vector_store %arg6[%swap3A_79], %scan3A_42#18 {strides = array<i32>} : memref<1024xf32, #tpu.memory_space<vmem>>, vector<16xf32>,
    %swap3A_81 = arith.constant 416 : index
    %swap3A_82 = tpu.vector_load %arg6[%swap3A_81] {strides = array<i32>} : memref<1024xf32, #tpu.memory_space<vmem>>, vector<16xf32>,
    tpu.vector_store %arg6[%swap3A_81], %scan3A_42#19 {strides = array<i32>} : memref<1024xf32, #tpu.memory_space<vmem>>, vector<16xf32>,
    %swap3A_83 = arith.constant 544 : index
    %swap3A_84 = tpu.vector_load %arg6[%swap3A_83] {strides = array<i32>} : memref<1024xf32, #tpu.memory_space<vmem>>, vector<16xf32>,
    tpu.vector_store %arg6[%swap3A_83], %scan3A_42#20 {strides = array<i32>} : memref<1024xf32, #tpu.memory_space<vmem>>, vector<16xf32>,
    %swap3A_85 = arith.constant 672 : index
    %swap3A_86 = tpu.vector_load %arg6[%swap3A_85] {strides = array<i32>} : memref<1024xf32, #tpu.memory_space<vmem>>, vector<16xf32>,
    tpu.vector_store %arg6[%swap3A_85], %scan3A_42#21 {strides = array<i32>} : memref<1024xf32, #tpu.memory_space<vmem>>, vector<16xf32>,
    %swap3A_87 = arith.constant 800 : index
    %swap3A_88 = tpu.vector_load %arg6[%swap3A_87] {strides = array<i32>} : memref<1024xf32, #tpu.memory_space<vmem>>, vector<16xf32>,
    tpu.vector_store %arg6[%swap3A_87], %scan3A_42#22 {strides = array<i32>} : memref<1024xf32, #tpu.memory_space<vmem>>, vector<16xf32>,
    %swap3A_89 = arith.constant 928 : index
    %swap3A_90 = tpu.vector_load %arg6[%swap3A_89] {strides = array<i32>} : memref<1024xf32, #tpu.memory_space<vmem>>, vector<16xf32>,
    tpu.vector_store %arg6[%swap3A_89], %scan3A_42#23 {strides = array<i32>} : memref<1024xf32, #tpu.memory_space<vmem>>, vector<16xf32>,
    %swap3A_91 = arith.constant 48 : index
    %swap3A_92 = tpu.vector_load %arg6[%swap3A_91] {strides = array<i32>} : memref<1024xf32, #tpu.memory_space<vmem>>, vector<16xf32>,
    tpu.vector_store %arg6[%swap3A_91], %scan3A_42#24 {strides = array<i32>} : memref<1024xf32, #tpu.memory_space<vmem>>, vector<16xf32>,
    %swap3A_93 = arith.constant 176 : index
    %swap3A_94 = tpu.vector_load %arg6[%swap3A_93] {strides = array<i32>} : memref<1024xf32, #tpu.memory_space<vmem>>, vector<16xf32>,
    tpu.vector_store %arg6[%swap3A_93], %scan3A_42#25 {strides = array<i32>} : memref<1024xf32, #tpu.memory_space<vmem>>, vector<16xf32>,
    %swap3A_95 = arith.constant 304 : index
    %swap3A_96 = tpu.vector_load %arg6[%swap3A_95] {strides = array<i32>} : memref<1024xf32, #tpu.memory_space<vmem>>, vector<16xf32>,
    tpu.vector_store %arg6[%swap3A_95], %scan3A_42#26 {strides = array<i32>} : memref<1024xf32, #tpu.memory_space<vmem>>, vector<16xf32>,
    %swap3A_97 = arith.constant 432 : index
    %swap3A_98 = tpu.vector_load %arg6[%swap3A_97] {strides = array<i32>} : memref<1024xf32, #tpu.memory_space<vmem>>, vector<16xf32>,
    tpu.vector_store %arg6[%swap3A_97], %scan3A_42#27 {strides = array<i32>} : memref<1024xf32, #tpu.memory_space<vmem>>, vector<16xf32>,
    %swap3A_99 = arith.constant 560 : index
    %swap3A_100 = tpu.vector_load %arg6[%swap3A_99] {strides = array<i32>} : memref<1024xf32, #tpu.memory_space<vmem>>, vector<16xf32>,
    tpu.vector_store %arg6[%swap3A_99], %scan3A_42#28 {strides = array<i32>} : memref<1024xf32, #tpu.memory_space<vmem>>, vector<16xf32>,
    %swap3A_101 = arith.constant 688 : index
    %swap3A_102 = tpu.vector_load %arg6[%swap3A_101] {strides = array<i32>} : memref<1024xf32, #tpu.memory_space<vmem>>, vector<16xf32>,
    tpu.vector_store %arg6[%swap3A_101], %scan3A_42#29 {strides = array<i32>} : memref<1024xf32, #tpu.memory_space<vmem>>, vector<16xf32>,
    %swap3A_103 = arith.constant 816 : index
    %swap3A_104 = tpu.vector_load %arg6[%swap3A_103] {strides = array<i32>} : memref<1024xf32, #tpu.memory_space<vmem>>, vector<16xf32>,
    tpu.vector_store %arg6[%swap3A_103], %scan3A_42#30 {strides = array<i32>} : memref<1024xf32, #tpu.memory_space<vmem>>, vector<16xf32>,
    %swap3A_105 = arith.constant 944 : index
    %swap3A_106 = tpu.vector_load %arg6[%swap3A_105] {strides = array<i32>} : memref<1024xf32, #tpu.memory_space<vmem>>, vector<16xf32>,
    tpu.vector_store %arg6[%swap3A_105], %scan3A_42#31 {strides = array<i32>} : memref<1024xf32, #tpu.memory_space<vmem>>, vector<16xf32>,
    %swap3A_107 = arith.constant 64 : index
    %swap3A_108 = tpu.vector_load %arg6[%swap3A_107] {strides = array<i32>} : memref<1024xf32, #tpu.memory_space<vmem>>, vector<16xf32>,
    tpu.vector_store %arg6[%swap3A_107], %scan3A_42#32 {strides = array<i32>} : memref<1024xf32, #tpu.memory_space<vmem>>, vector<16xf32>,
    %swap3A_109 = arith.constant 192 : index
    %swap3A_110 = tpu.vector_load %arg6[%swap3A_109] {strides = array<i32>} : memref<1024xf32, #tpu.memory_space<vmem>>, vector<16xf32>,
    tpu.vector_store %arg6[%swap3A_109], %scan3A_42#33 {strides = array<i32>} : memref<1024xf32, #tpu.memory_space<vmem>>, vector<16xf32>,
    %swap3A_111 = arith.constant 320 : index
    %swap3A_112 = tpu.vector_load %arg6[%swap3A_111] {strides = array<i32>} : memref<1024xf32, #tpu.memory_space<vmem>>, vector<16xf32>,
    tpu.vector_store %arg6[%swap3A_111], %scan3A_42#34 {strides = array<i32>} : memref<1024xf32, #tpu.memory_space<vmem>>, vector<16xf32>,
    %swap3A_113 = arith.constant 448 : index
    %swap3A_114 = tpu.vector_load %arg6[%swap3A_113] {strides = array<i32>} : memref<1024xf32, #tpu.memory_space<vmem>>, vector<16xf32>,
    tpu.vector_store %arg6[%swap3A_113], %scan3A_42#35 {strides = array<i32>} : memref<1024xf32, #tpu.memory_space<vmem>>, vector<16xf32>,
    %swap3A_115 = arith.constant 576 : index
    %swap3A_116 = tpu.vector_load %arg6[%swap3A_115] {strides = array<i32>} : memref<1024xf32, #tpu.memory_space<vmem>>, vector<16xf32>,
    tpu.vector_store %arg6[%swap3A_115], %scan3A_42#36 {strides = array<i32>} : memref<1024xf32, #tpu.memory_space<vmem>>, vector<16xf32>,
    %swap3A_117 = arith.constant 704 : index
    %swap3A_118 = tpu.vector_load %arg6[%swap3A_117] {strides = array<i32>} : memref<1024xf32, #tpu.memory_space<vmem>>, vector<16xf32>,
    tpu.vector_store %arg6[%swap3A_117], %scan3A_42#37 {strides = array<i32>} : memref<1024xf32, #tpu.memory_space<vmem>>, vector<16xf32>,
    %swap3A_119 = arith.constant 832 : index
    %swap3A_120 = tpu.vector_load %arg6[%swap3A_119] {strides = array<i32>} : memref<1024xf32, #tpu.memory_space<vmem>>, vector<16xf32>,
    tpu.vector_store %arg6[%swap3A_119], %scan3A_42#38 {strides = array<i32>} : memref<1024xf32, #tpu.memory_space<vmem>>, vector<16xf32>,
    %swap3A_121 = arith.constant 960 : index
    %swap3A_122 = tpu.vector_load %arg6[%swap3A_121] {strides = array<i32>} : memref<1024xf32, #tpu.memory_space<vmem>>, vector<16xf32>,
    tpu.vector_store %arg6[%swap3A_121], %scan3A_42#39 {strides = array<i32>} : memref<1024xf32, #tpu.memory_space<vmem>>, vector<16xf32>,
    %swap3A_123 = arith.constant 80 : index
    %swap3A_124 = tpu.vector_load %arg6[%swap3A_123] {strides = array<i32>} : memref<1024xf32, #tpu.memory_space<vmem>>, vector<16xf32>,
    tpu.vector_store %arg6[%swap3A_123], %scan3A_42#40 {strides = array<i32>} : memref<1024xf32, #tpu.memory_space<vmem>>, vector<16xf32>,
    %swap3A_125 = arith.constant 208 : index
    %swap3A_126 = tpu.vector_load %arg6[%swap3A_125] {strides = array<i32>} : memref<1024xf32, #tpu.memory_space<vmem>>, vector<16xf32>,
    tpu.vector_store %arg6[%swap3A_125], %scan3A_42#41 {strides = array<i32>} : memref<1024xf32, #tpu.memory_space<vmem>>, vector<16xf32>,
    %swap3A_127 = arith.constant 336 : index
    %swap3A_128 = tpu.vector_load %arg6[%swap3A_127] {strides = array<i32>} : memref<1024xf32, #tpu.memory_space<vmem>>, vector<16xf32>,
    tpu.vector_store %arg6[%swap3A_127], %scan3A_42#42 {strides = array<i32>} : memref<1024xf32, #tpu.memory_space<vmem>>, vector<16xf32>,
    %swap3A_129 = arith.constant 464 : index
    %swap3A_130 = tpu.vector_load %arg6[%swap3A_129] {strides = array<i32>} : memref<1024xf32, #tpu.memory_space<vmem>>, vector<16xf32>,
    tpu.vector_store %arg6[%swap3A_129], %scan3A_42#43 {strides = array<i32>} : memref<1024xf32, #tpu.memory_space<vmem>>, vector<16xf32>,
    %swap3A_131 = arith.constant 592 : index
    %swap3A_132 = tpu.vector_load %arg6[%swap3A_131] {strides = array<i32>} : memref<1024xf32, #tpu.memory_space<vmem>>, vector<16xf32>,
    tpu.vector_store %arg6[%swap3A_131], %scan3A_42#44 {strides = array<i32>} : memref<1024xf32, #tpu.memory_space<vmem>>, vector<16xf32>,
    %swap3A_133 = arith.constant 720 : index
    %swap3A_134 = tpu.vector_load %arg6[%swap3A_133] {strides = array<i32>} : memref<1024xf32, #tpu.memory_space<vmem>>, vector<16xf32>,
    tpu.vector_store %arg6[%swap3A_133], %scan3A_42#45 {strides = array<i32>} : memref<1024xf32, #tpu.memory_space<vmem>>, vector<16xf32>,
    %swap3A_135 = arith.constant 848 : index
    %swap3A_136 = tpu.vector_load %arg6[%swap3A_135] {strides = array<i32>} : memref<1024xf32, #tpu.memory_space<vmem>>, vector<16xf32>,
    tpu.vector_store %arg6[%swap3A_135], %scan3A_42#46 {strides = array<i32>} : memref<1024xf32, #tpu.memory_space<vmem>>, vector<16xf32>,
    %swap3A_137 = arith.constant 976 : index
    %swap3A_138 = tpu.vector_load %arg6[%swap3A_137] {strides = array<i32>} : memref<1024xf32, #tpu.memory_space<vmem>>, vector<16xf32>,
    tpu.vector_store %arg6[%swap3A_137], %scan3A_42#47 {strides = array<i32>} : memref<1024xf32, #tpu.memory_space<vmem>>, vector<16xf32>,
    %swap3A_139 = arith.constant 96 : index
    %swap3A_140 = tpu.vector_load %arg6[%swap3A_139] {strides = array<i32>} : memref<1024xf32, #tpu.memory_space<vmem>>, vector<16xf32>,
    tpu.vector_store %arg6[%swap3A_139], %scan3A_42#48 {strides = array<i32>} : memref<1024xf32, #tpu.memory_space<vmem>>, vector<16xf32>,
    %swap3A_141 = arith.constant 224 : index
    %swap3A_142 = tpu.vector_load %arg6[%swap3A_141] {strides = array<i32>} : memref<1024xf32, #tpu.memory_space<vmem>>, vector<16xf32>,
    tpu.vector_store %arg6[%swap3A_141], %scan3A_42#49 {strides = array<i32>} : memref<1024xf32, #tpu.memory_space<vmem>>, vector<16xf32>,
    %swap3A_143 = arith.constant 352 : index
    %swap3A_144 = tpu.vector_load %arg6[%swap3A_143] {strides = array<i32>} : memref<1024xf32, #tpu.memory_space<vmem>>, vector<16xf32>,
    tpu.vector_store %arg6[%swap3A_143], %scan3A_42#50 {strides = array<i32>} : memref<1024xf32, #tpu.memory_space<vmem>>, vector<16xf32>,
    %swap3A_145 = arith.constant 480 : index
    %swap3A_146 = tpu.vector_load %arg6[%swap3A_145] {strides = array<i32>} : memref<1024xf32, #tpu.memory_space<vmem>>, vector<16xf32>,
    tpu.vector_store %arg6[%swap3A_145], %scan3A_42#51 {strides = array<i32>} : memref<1024xf32, #tpu.memory_space<vmem>>, vector<16xf32>,
    %swap3A_147 = arith.constant 608 : index
    %swap3A_148 = tpu.vector_load %arg6[%swap3A_147] {strides = array<i32>} : memref<1024xf32, #tpu.memory_space<vmem>>, vector<16xf32>,
    tpu.vector_store %arg6[%swap3A_147], %scan3A_42#52 {strides = array<i32>} : memref<1024xf32, #tpu.memory_space<vmem>>, vector<16xf32>,
    %swap3A_149 = arith.constant 736 : index
    %swap3A_150 = tpu.vector_load %arg6[%swap3A_149] {strides = array<i32>} : memref<1024xf32, #tpu.memory_space<vmem>>, vector<16xf32>,
    tpu.vector_store %arg6[%swap3A_149], %scan3A_42#53 {strides = array<i32>} : memref<1024xf32, #tpu.memory_space<vmem>>, vector<16xf32>,
    %swap3A_151 = arith.constant 864 : index
    %swap3A_152 = tpu.vector_load %arg6[%swap3A_151] {strides = array<i32>} : memref<1024xf32, #tpu.memory_space<vmem>>, vector<16xf32>,
    tpu.vector_store %arg6[%swap3A_151], %scan3A_42#54 {strides = array<i32>} : memref<1024xf32, #tpu.memory_space<vmem>>, vector<16xf32>,
    %swap3A_153 = arith.constant 992 : index
    %swap3A_154 = tpu.vector_load %arg6[%swap3A_153] {strides = array<i32>} : memref<1024xf32, #tpu.memory_space<vmem>>, vector<16xf32>,
    tpu.vector_store %arg6[%swap3A_153], %scan3A_42#55 {strides = array<i32>} : memref<1024xf32, #tpu.memory_space<vmem>>, vector<16xf32>,
    %swap3A_155 = arith.constant 112 : index
    %swap3A_156 = tpu.vector_load %arg6[%swap3A_155] {strides = array<i32>} : memref<1024xf32, #tpu.memory_space<vmem>>, vector<16xf32>,
    tpu.vector_store %arg6[%swap3A_155], %scan3A_42#56 {strides = array<i32>} : memref<1024xf32, #tpu.memory_space<vmem>>, vector<16xf32>,
    %swap3A_157 = arith.constant 240 : index
    %swap3A_158 = tpu.vector_load %arg6[%swap3A_157] {strides = array<i32>} : memref<1024xf32, #tpu.memory_space<vmem>>, vector<16xf32>,
    tpu.vector_store %arg6[%swap3A_157], %scan3A_42#57 {strides = array<i32>} : memref<1024xf32, #tpu.memory_space<vmem>>, vector<16xf32>,
    %swap3A_159 = arith.constant 368 : index
    %swap3A_160 = tpu.vector_load %arg6[%swap3A_159] {strides = array<i32>} : memref<1024xf32, #tpu.memory_space<vmem>>, vector<16xf32>,
    tpu.vector_store %arg6[%swap3A_159], %scan3A_42#58 {strides = array<i32>} : memref<1024xf32, #tpu.memory_space<vmem>>, vector<16xf32>,
    %swap3A_161 = arith.constant 496 : index
    %swap3A_162 = tpu.vector_load %arg6[%swap3A_161] {strides = array<i32>} : memref<1024xf32, #tpu.memory_space<vmem>>, vector<16xf32>,
    tpu.vector_store %arg6[%swap3A_161], %scan3A_42#59 {strides = array<i32>} : memref<1024xf32, #tpu.memory_space<vmem>>, vector<16xf32>,
    %swap3A_163 = arith.constant 624 : index
    %swap3A_164 = tpu.vector_load %arg6[%swap3A_163] {strides = array<i32>} : memref<1024xf32, #tpu.memory_space<vmem>>, vector<16xf32>,
    tpu.vector_store %arg6[%swap3A_163], %scan3A_42#60 {strides = array<i32>} : memref<1024xf32, #tpu.memory_space<vmem>>, vector<16xf32>,
    %swap3A_165 = arith.constant 752 : index
    %swap3A_166 = tpu.vector_load %arg6[%swap3A_165] {strides = array<i32>} : memref<1024xf32, #tpu.memory_space<vmem>>, vector<16xf32>,
    tpu.vector_store %arg6[%swap3A_165], %scan3A_42#61 {strides = array<i32>} : memref<1024xf32, #tpu.memory_space<vmem>>, vector<16xf32>,
    %swap3A_167 = arith.constant 880 : index
    %swap3A_168 = tpu.vector_load %arg6[%swap3A_167] {strides = array<i32>} : memref<1024xf32, #tpu.memory_space<vmem>>, vector<16xf32>,
    tpu.vector_store %arg6[%swap3A_167], %scan3A_42#62 {strides = array<i32>} : memref<1024xf32, #tpu.memory_space<vmem>>, vector<16xf32>,
    %swap3A_169 = arith.constant 1008 : index
    %swap3A_170 = tpu.vector_load %arg6[%swap3A_169] {strides = array<i32>} : memref<1024xf32, #tpu.memory_space<vmem>>, vector<16xf32>,
    tpu.vector_store %arg6[%swap3A_169], %scan3A_42#63 {strides = array<i32>} : memref<1024xf32, #tpu.memory_space<vmem>>, vector<16xf32>,
    "tpu.region"() ({
      %run_scoped3A = tpu.sem_alloc : memref<!tpu.dma_semaphore, #tpu.memory_space<semaphore_mem>>
      %dma_start3A_171 = arith.constant 0 : i32
      %dma_start3A_172 = tpu.memref_slice %arg3[%add3A, %dma_start3A_171] : memref<32x1024xf32, #tpu.memory_space<hbm>> -> memref<1x1024xf32, #tpu.memory_space<hbm>>
      %dma_start3A_173 = tpu.memref_squeeze %dma_start3A_172 : memref<1x1024xf32, #tpu.memory_space<hbm>> -> memref<1024xf32, #tpu.memory_space<hbm>>
      %dma_start3A_174 = arith.constant 0 : i32
      %dma_start3A_175 = tpu.memref_slice %arg3[%add3A, %dma_start3A_174] : memref<32x1024xf32, #tpu.memory_space<hbm>> -> memref<1x1024xf32, #tpu.memory_space<hbm>>
      %dma_start3A_176 = tpu.memref_squeeze %dma_start3A_175 : memref<1x1024xf32, #tpu.memory_space<hbm>> -> memref<1024xf32, #tpu.memory_space<hbm>>
      tpu.enqueue_dma source(%arg6 : memref<1024xf32, #tpu.memory_space<vmem>>) target(%dma_start3A_176 : memref<1024xf32, #tpu.memory_space<hbm>>) target_semaphore(%run_scoped3A : memref<!tpu.dma_semaphore, #tpu.memory_space<semaphore_mem>>)
      %dma_wait3A = arith.constant 0 : i32
      %dma_wait3A_177 = tpu.memref_slice %arg3[%add3A, %dma_wait3A] : memref<32x1024xf32, #tpu.memory_space<hbm>> -> memref<1x1024xf32, #tpu.memory_space<hbm>>
      %dma_wait3A_178 = tpu.memref_squeeze %dma_wait3A_177 : memref<1x1024xf32, #tpu.memory_space<hbm>> -> memref<1024xf32, #tpu.memory_space<hbm>>
      %dma_wait3A_179 = arith.constant 0 : i32
      %dma_wait3A_180 = tpu.memref_slice %arg3[%add3A, %dma_wait3A_179] : memref<32x1024xf32, #tpu.memory_space<hbm>> -> memref<1x1024xf32, #tpu.memory_space<hbm>>
      %dma_wait3A_181 = tpu.memref_squeeze %dma_wait3A_180 : memref<1x1024xf32, #tpu.memory_space<hbm>> -> memref<1024xf32, #tpu.memory_space<hbm>>
      tpu.wait_dma2 semaphore(%run_scoped3A : memref<!tpu.dma_semaphore, #tpu.memory_space<semaphore_mem>>) src(%arg6 : memref<1024xf32, #tpu.memory_space<vmem>>) dst(%dma_wait3A_181 : memref<1024xf32, #tpu.memory_space<hbm>>)
      tpu.yield
    }) : () -> ()
    return
  }
}

</mosaic_0001>

<sc_bundles>
// kernel: kernel.3.cloned.1.call-start
scs
__scs_entry_jumppad:
0x0: {  	(pc) =	sbr.rel $0x88, $3  }
0x1: {  	(tag) =	ssettag $0x0;
	lr =	simm.s32 $0x1  }
0x2: {  	[smem:$0x3FA0] =	sst lr;
	_ =	strace $0xD0000000  }
0x3: {  	_ = 	snop  }
0x4: {  	_ = 	snop  }
0x5: {  	_ = 	snop  }
0x6: {  	_ = 	snop  }
0x7: {  	_ = 	snop  }
__scs_overlays_trampoline_lowered:
0x8: {  	[smem:$0x3FAF] =	sst s0  }
0x9: {  	[smem:$0x3FB0] =	sst s1  }
0xa: {  	[smem:$0x3FB1] =	sst s2  }
0xb: {  	[smem:$0x3FB2] =	sst s3  }
0xc: {  	[smem:$0x3FB3] =	sst s4  }
0xd: {  	[smem:$0x3FB4] =	sst s5  }
0xe: {  	[smem:$0x3FB5] =	sst s6  }
0xf: {  	[smem:$0x3FB6] =	sst s7  }
0x10: {  	[smem:$0x3FB7] =	sst s8  }
0x11: {  	[smem:$0x3FB8] =	sst s9;
	s0 =	simm.s32 @!p0 $0x0  }
0x12: {  	s1 =	sld [smem:$0x3F9E];
	s0 =	simm.s32 @p0 $0x1  }
0x13: {  	[smem:$0x3FB9] =	sst s0;
	s0 =	simm.s32 @!p1 $0x0  }
0x14: {  	s2 =	sld [smem:$0x3F9D];
	s0 =	simm.s32 @p1 $0x1  }
0x15: {  	[smem:$0x3FBA] =	sst s0;
	s0 =	simm.s32 @!p2 $0x0  }
0x16: {  	s3 =	sld [smem:$0x3FDB];
	s0 =	simm.s32 @p2 $0x1  }
0x17: {  	s4 =	simm.s32 $0x1BF5;
	[smem:$0x3FBC] =	sst s0  }
0x18: {  	s0 =	sld [smem:$0x3F9F];
	_ =	swait.ge [sflag:s4], $0x0  }
0x19: {  	s7 =	sld [smem:$0x3FA0]  }
0x1a: {  	s8 =	sadd.s32 $0xFFFFE003, lr  }
0x1b: {  	s9 =	sadd.s32 $0xFFFFFEF7, lr;
	s5 =	simm.s32 $0xFFFFFFFF;
	p2 =	slt.u32 s8, $0xFFFFF086  }
0x1c: {  	p1 =	slt.u32 s9, $0xF7A;
	s5 =	simm.s32 @!p2 $0x0  }
0x1d: {  	s5 =	simm.s32 @p1 $0x1;
	p0 =	seq.s32 s7, s2  }
0x1e: {  	s7 =	smul.u32 @!p0 $0xF7A, s2;
	p2 =	seq.s32 @!p0 s5, $0x0  }
0x1f: {  	s9 =	smul.u32 $0xF7A, s1;
	s8 =	simm.s32 @!p0 $0x1BF5;
	p2 =	por !p2, p0  }
0x20: {  	[sflag:s8] =	ssyncset.s32 @!p0 $0xFFFFF086;
	s6 =	sadd.s32 @!p0 s3, s7;
	s7 =	simm.s32 @!p0 $0x108  }
0x21: {  	s3 =	sadd.s32 s3, s9;
	s6 =	sadd.s32 @!p0 $0x88, s6;
	s7 =	simm.s32 @p2 $0x1082  }
0x22: {  	[simem:s7], [sflag:s8] =	dma.local @!p0 [hbm:s6], $0xF7A  }
0x23: {  	s9 =	sor.u32 $0xD0000000, s2;
	s6 =	simm.s32 $0x108;
	_ =	swait.ge @!p0 [sflag:s8], $0x0  }
0x24: {  	s3 =	sadd.s32 $0x88, s3;
	s6 =	simm.s32 @!p1 $0x1082;
	[sflag:s4] =	ssyncset.s32 $0xFFFFF086  }
0x25: {  	[simem:s6], [sflag:s4] =	dma.local [hbm:s3], $0xF7A  }
0x26: {  	[smem:$0x3FA0] =	sst s1;
	(tag) =	ssettag s2;
	_ =	strace s9  }
0x27: {  	s1 =	sld [smem:$0x3FB0]  }
0x28: {  	s2 =	sld [smem:$0x3FB1]  }
0x29: {  	s4 =	sld [smem:$0x3FB3]  }
0x2a: {  	p0 =	seq.s32 s5, $0x0;
	s5 =	sld [smem:$0x3FB4]  }
0x2b: {  	s6 =	sld [smem:$0x3FB5]  }
0x2c: {  	s7 =	sld [smem:$0x3FB6]  }
0x2d: {  	s3 =	simm.s32 $0x108;
	s8 =	sld [smem:$0x3FB7]  }
0x2e: {  	s3 =	simm.s32 @!p0 $0x1082;
	s9 =	sld [smem:$0x3FB8]  }
0x2f: {  	lr =	sadd.s32 s0, s3;
	s0 =	sld [smem:$0x3FAF]  }
0x30: {  	s3 =	sld [smem:$0x3FB2]  }
0x31: {  	[smem:$0x3FBB] =	sst s10  }
0x32: {  	s10 =	sld [smem:$0x3FB9];
	_ =	sdelay $0x3  }
0x33: {  	p0 =	seq.s32 s10, $0x1;
	s10 =	sld [smem:$0x3FBB];
	_ =	sdelay $0x3  }
0x34: {  	[smem:$0x3FBB] =	sst s10  }
0x35: {  	s10 =	sld [smem:$0x3FBA];
	_ =	sdelay $0x3  }
0x36: {  	p1 =	seq.s32 s10, $0x1;
	s10 =	sld [smem:$0x3FBB];
	_ =	sdelay $0x3  }
0x37: {  	[smem:$0x3FBB] =	sst s10  }
0x38: {  	s10 =	sld [smem:$0x3FBC]  }
0x39: {  	_ = 	snop;
	(pc) =	sbr.ind lr, $3  }
0x3a: {  	_ = 	snop  }
0x3b: {  	_ = 	snop  }
0x3c: {  	p2 =	seq.s32 s10, $0x1;
	s10 =	sld [smem:$0x3FBB]  }
0x3d: {  	_ =	shalt  }
0x3e: {  	_ =	shalt  }
0x3f: {  	_ =	shalt  }
0x40: {  	_ =	shalt  }
0x41: {  	_ =	shalt  }
0x42: {  	_ =	shalt  }
0x43: {  	_ =	shalt  }
0x44: {  	_ =	shalt  }
0x45: {  	_ =	shalt  }
0x46: {  	_ =	shalt  }
0x47: {  	_ =	shalt  }
0x48: {  	_ =	shalt  }
0x49: {  	_ =	shalt  }
0x4a: {  	_ =	shalt  }
0x4b: {  	_ =	shalt  }
0x4c: {  	_ =	shalt  }
0x4d: {  	_ =	shalt  }
0x4e: {  	_ =	shalt  }
0x4f: {  	_ =	shalt  }
0x50: {  	_ =	shalt  }
0x51: {  	_ =	shalt  }
0x52: {  	_ =	shalt  }
0x53: {  	_ =	shalt  }
0x54: {  	_ =	shalt  }
0x55: {  	_ =	shalt  }
0x56: {  	_ =	shalt  }
0x57: {  	_ =	shalt  }
0x58: {  	_ =	shalt  }
0x59: {  	_ =	shalt  }
0x5a: {  	_ =	shalt  }
0x5b: {  	_ =	shalt  }
0x5c: {  	_ =	shalt  }
0x5d: {  	_ =	shalt  }
0x5e: {  	_ =	shalt  }
0x5f: {  	_ =	shalt  }
0x60: {  	_ =	shalt  }
0x61: {  	_ =	shalt  }
0x62: {  	_ =	shalt  }
0x63: {  	_ =	shalt  }
0x64: {  	_ =	shalt  }
0x65: {  	_ =	shalt  }
0x66: {  	_ =	shalt  }
0x67: {  	_ =	shalt  }
0x68: {  	_ =	shalt  }
0x69: {  	_ =	shalt  }
0x6a: {  	_ =	shalt  }
0x6b: {  	_ =	shalt  }
0x6c: {  	_ =	shalt  }
0x6d: {  	_ =	shalt  }
0x6e: {  	_ =	shalt  }
0x6f: {  	_ =	shalt  }
0x70: {  	_ =	shalt  }
0x71: {  	_ =	shalt  }
0x72: {  	_ =	shalt  }
0x73: {  	_ =	shalt  }
0x74: {  	_ =	shalt  }
0x75: {  	_ =	shalt  }
0x76: {  	_ =	shalt  }
0x77: {  	_ =	shalt  }
0x78: {  	_ =	shalt  }
0x79: {  	_ =	shalt  }
0x7a: {  	_ =	shalt  }
0x7b: {  	_ =	shalt  }
0x7c: {  	_ =	shalt  }
0x7d: {  	_ =	shalt  }
0x7e: {  	_ =	shalt  }
0x7f: {  	_ =	shalt  }
0x80: {  	_ =	shalt  }
0x81: {  	_ =	shalt  }
0x82: {  	_ =	shalt  }
0x83: {  	_ =	shalt  }
0x84: {  	_ =	shalt  }
0x85: {  	_ =	shalt  }
0x86: {  	_ =	shalt  }
0x87: {  	_ =	shalt  }
.Lfunc_end0:
.L_simem_size_0:
called_computation_lowered:
.L_overlay_start_0:
0x88: {  	s2 =	sld [smem:$0x3FD9]  }
0x89: {  	s3 =	sld [smem:$0x3FFE];
	_ =	sdelay $0x1  }
0x8a: {  	s1 =	srdreg.scid  }
0x8b: {  	s0 =	sand.u32 $0x1, s1  }
0x8c: {  	s18 =	sshll.u32 s0, $0xA;
	s2 =	sadd.s32 s3, s2  }
0x8d: {  	s2 =	sadd.s32 s2, s18  }
0x8e: {  	[smem:$0x3FC7] =	sst s2  }
0x8f: {  	_ = 	snop  }
0x90: {  	s2 =	sld [smem:$0x3FC9]  }
0x91: {  	s19 =	sld [smem:$0x3FD0];
	(tm) =	ssettm $0x1  }
0x92: {  	s4 =	sld [smem:$0x3FFB];
	_ =	sdelay $0x3  }
0x93: {  	_ =	strace s4  }
0x94: {  	s4 =	sld [smem:$0x3FFC];
	_ =	sdelay $0x3  }
0x95: {  	_ =	strace s4  }
0x96: {  	s4 =	sld [smem:$0x3FFD];
	_ =	sdelay $0x3  }
0x97: {  	_ =	strace s4  }
0x98: {  	_ =	strace $0x8FFFFFFF  }
0x99: {  	s20 =	sld [smem:$0x3FDB];
	_ =	sdelay $0x1  }
0x9a: {  	s5 =	simm.s32 $_scs_section_size  }
0x9b: {  	s6 =	simm.s32 $_size__tile_overlayer_lowered;
	s7 =	simm.s32 $_tile_overlayer_lowered  }
0x9c: {  	s23 =	simm.s32 $0x1BFF;
	s22 =	sshll.u32 s7, $0x1;
	s4 =	sadd.s32 s5, s20  }
0x9d: {  	s8 =	simm.s32 $0x0;
	s21 =	sshll.u32 s6, $0x1;
	s6 =	sadd.s32 s22, s4  }
0x9e: {  	[timem:s8], [sflag:s23] =	dma.local [hbm:s6], s21  }
0x9f: {  	_ =	swait.ge [sflag:s23], s21  }
0xa0: {  	s5 =	ssub.s32 $0x0, s21;
	[sflag:s23] =	ssyncset.done $0x0  }
0xa1: {  	[sflag:s23] =	ssyncadd.s32 s5;
	_ =	sdelay $0x1  }
0xa2: {  	s24 =	simm.s32 $0x1B8B  }
0xa3: {  	_ =	swait.ge [sflag:s24], $0x1  }
0xa4: {  	[sflag:s24] =	ssyncset.done $0x0  }
0xa5: {  	s25 =	simm.s32 $0x1B8E;
	[sflag:s24] =	ssyncadd.s32 $0xFFFFFFFF  }
0xa6: {  	s26 =	simm.s32 $execute0_lowered;
	[smem:$0x3FD2] =	sst s25  }
0xa7: {  	s5 =	sshll.u32 s26, $0x1;
	_ =	strace $0x80000046;
	[dreg:$0x1] =	wrdreg $0xFFFFFFFF  }
0xa8: {  	s28 =	simm.s32 $_size_execute0_lowered;
	s4 =	sadd.s32 s4, s5;
	[dreg:$0x0] =	wrdreg $0x0  }
0xa9: {  	s5 =	sshll.u32 s28, $0x1;
	[dreg:$0x2] =	wrdreg s4  }
0xaa: {  	[dreg:$0x3] =	wrdreg s5  }
0xab: {  	[dreg:$0x4] =	wrdreg $0xC0  }
0xac: {  	_ =	task [dreg:s8], $0x5FFFF  }
0xad: {  	[dreg:$0x1] =	wrdreg $0xFFFFFFFF  }
0xae: {  	[dreg:$0x0] =	wrdreg $0x60  }
0xaf: {  	[dreg:$0x2] =	wrdreg s2  }
0xb0: {  	[dreg:$0x3] =	wrdreg s19  }
0xb1: {  	[dreg:$0x4] =	wrdreg $0x9  }
0xb2: {  	_ =	task.clear_ibuf [dreg:s8], $0x5FFFF;
	_ =	strace $0x90000046  }
0xb3: {  	s29 =	simm.s32 $0x9;
	_ =	strace $0x80000048  }
0xb4: {  	_ =	swait.ge [sflag:s29], $0x1  }
0xb5: {  	[sflag:s29] =	ssyncadd.s32 $0xFFFFFFFF  }
0xb6: {  	_ =	strace $0x90000048  }
0xb7: {  	_ =	sfence  }
0xb8: {  	s30 =	sld [smem:$0x0];
	_ =	sdelay $0x2  }
0xb9: {  	s31 =	sshll.u32 s1, $0xD;
	s1 =	sshrl.u32 s1, $0x2  }
0xba: {  	s3 =	sand.u32 $0x4000, s31;
	s1 =	sadd.s32 s1, s30  }
0xbb: {  	s0 =	sor.u32 s3, s0;
	s1 =	sshll.u32 s1, $0x11  }
0xbc: {  	s0 =	sor.u32 s1, s0  }
0xbd: {  	s0 =	sadd.s32 $0x8F2B, s0  }
0xbe: {  	[sflag:s0] =	ssyncadd.remote.s32 $0x1  }
0xbf: {  	_ =	sfence.sel $0xFFFF  }
0xc0: {  	[dreg:$0x0] =	wrdreg $0xFFFFFFFF;
	(pc) =	sbr.abs _section_cstart, $3  }
0xc1: {  	[dreg:$0x1] =	wrdreg $0xFFFFFFFF  }
0xc2: {  	_ =	task.clear_ibuf [dreg:s8], $0x2FFFF;
	_ =	strace $0x9FFFFFFF  }
0xc3: {  	(tm) =	ssettm $0x7FFFFFFF  }
tec
execute0_lowered:
.L_overlay_start_1:
0x0: {  	(tag) =	ssettag $0x1  }
0x1: {  	s2 =	rddreg [dreg:$0x0]  }
0x2: {  	s1 =	srdreg.scid;
	s0 =	stileid.u32  }
0x3: {  	s7 =	rddreg [dreg:$0x1];
	s3 =	simm.s32 $0x0;
	s11 =	simm.s32 $0x8000  }
0x4: {  	s12 =	simm.s32 $0x1;
	s13 =	simm.s32 $0x2;
	s14 =	simm.s32 $0x80  }
0x5: {  	s15 =	simm.s32 $0x10000;
	s16 =	simm.s32 $0x3;
	s17 =	simm.s32 $0x0  }
0x6: {  	s4 =	sand.u32 $0x1, s1;
	s5 =	sshll.u32 s0, $0x1;
	s1 =	rddreg [dreg:$0x2]  }
0x7: {  	[smem:$0x7FF] =	sst s3;
	s6 =	sshll.u32 s0, $0x15;
	s5 =	sor.u32 s4, s5  }
0x8: {  	_ =	strace $0x80000047;
	s9 =	ssub.s32 $0x2, s4;
	s8 =	sshll.u32 s5, $0xA  }
0x9: {  	s5 =	sshll.u32 s5, $0x7;
	s29 =	sshrl.u32 s9, $0x1;
	s6 =	sor.u32 s6, s8  }
0xa: {  	s5 =	sor.u32 s5, s8;
	s9 =	ssub.s32 s9, s29;
	s4 =	sand.u32 $0x1801C00, s6  }
0xb: {  	s10 =	sand.u32 $0x6380, s5;
	s8 =	smax.u32 s9, $0x1;
	s9 =	simm.s32 $0x400  }
0xc: {  	s30 =	sshrl.u32 s4, $0x3;
	s31 =	sshrl.u32 s10, $0x3;
	s6 =	sor.u32 $0x80000, s4  }
0xd: {  	s10 =	simm.s32 $0x2000;
	s5 =	sadd.s32 s2, s30;
	s7 =	sadd.s32 s7, s31  }
.LBB2_1:
0xe: {  	v21 =	vimm.f32 $-Inf  }
0xf: {  	v6 =	vimm.f32 $-Inf;
	v7 =	vimm.f32 $-Inf;
	v10 =	vimm.f32 $-Inf  }
0x10: {  	v11 =	vimm.f32 $-Inf;
	v14 =	vimm.f32 $-Inf;
	v16 =	vimm.f32 $-Inf  }
0x11: {  	v18 =	vimm.f32 $-Inf;
	v30 =	vimm.f32 $-Inf;
	v0 =	vimm.f32 $-Inf  }
0x12: {  	v4 =	vimm.f32 $-Inf;
	v8 =	vimm.f32 $-Inf;
	v9 =	vimm.f32 $-Inf  }
0x13: {  	v32 =	vimm.f32 $-Inf;
	v1 =	vimm.f32 $-Inf;
	v19 =	vimm.f32 $-Inf  }
0x14: {  	v2 =	vimm.f32 $-Inf;
	v3 =	vimm.f32 $-Inf;
	v33 =	vimm.f32 $-Inf  }
0x15: {  	v44 =	vimm.f32 $-Inf;
	v43 =	vimm.f32 $-Inf;
	v45 =	vimm.f32 $-Inf  }
0x16: {  	v46 =	vimm.f32 $-Inf;
	v47 =	vimm.f32 $-Inf;
	v48 =	vimm.f32 $-Inf;
	[tilespmem:s3], [sflag:$0x1] =	stream.strided.gather [hbm4b:s5+s9], $0x8000, s10, s9, $0x38;
	[tilespmem:$0x10400] =	vst v63  }
0x17: {  	v49 =	vimm.f32 $-Inf;
	v24 =	vimm.f32 $-Inf;
	[tilespmem:$0x1FF30] =	vst v0;
	v0 =	vimm.f32 $-Inf  }
0x18: {  	v27 =	vimm.f32 $-Inf;
	v34 =	vimm.f32 $-Inf;
	[tilespmem:$0x1FF40] =	vst v0;
	v0 =	vimm.f32 $-Inf  }
0x19: {  	v38 =	vimm.f32 $-Inf;
	v28 =	vimm.f32 $-Inf;
	[tilespmem:$0x1FF50] =	vst v0;
	v0 =	vimm.f32 $-Inf  }
0x1a: {  	v31 =	vimm.f32 $-Inf;
	v51 =	vimm.f32 $-Inf;
	[tilespmem:$0x1FF60] =	vst v0;
	v0 =	vimm.f32 $-Inf  }
0x1b: {  	v50 =	vimm.f32 $-Inf;
	v52 =	vimm.f32 $-Inf;
	[tilespmem:$0x1FF70] =	vst v0;
	v0 =	vimm.f32 $-Inf  }
0x1c: {  	v53 =	vimm.f32 $-Inf;
	v54 =	vimm.f32 $-Inf;
	[tilespmem:$0x1FF80] =	vst v0;
	v0 =	vimm.f32 $-Inf  }
0x1d: {  	v55 =	vimm.f32 $-Inf;
	v56 =	vimm.f32 $-Inf;
	[tilespmem:$0x1FF90] =	vst v0;
	v0 =	vimm.f32 $-Inf  }
0x1e: {  	v25 =	vimm.f32 $-Inf;
	v39 =	vimm.f32 $-Inf;
	[tilespmem:$0x1FFA0] =	vst v0;
	v0 =	vimm.f32 $-Inf  }
0x1f: {  	v40 =	vimm.f32 $-Inf;
	v41 =	vimm.f32 $-Inf;
	[tilespmem:$0x1FFB0] =	vst v0;
	v0 =	vimm.f32 $-Inf  }
0x20: {  	v42 =	vimm.f32 $-Inf;
	v29 =	vimm.f32 $-Inf;
	[tilespmem:$0x1FFC0] =	vst v0;
	v0 =	vimm.f32 $-Inf  }
0x21: {  	v58 =	vimm.f32 $-Inf;
	v57 =	vimm.f32 $-Inf;
	[tilespmem:$0x1FFD0] =	vst v0;
	v0 =	vimm.f32 $-Inf  }
0x22: {  	v59 =	vimm.f32 $-Inf;
	v60 =	vimm.f32 $-Inf;
	[tilespmem:$0x1FFE0] =	vst v0;
	v0 =	vimm.f32 $-Inf  }
0x23: {  	v61 =	vimm.f32 $-Inf;
	v62 =	vimm.f32 $-Inf;
	v63 =	vimm.f32 $-Inf;
	s18 =	simm.s32 $0x0;
	[tilespmem:$0x1FFF0] =	vst v0  }
.LBB2_3:
0x24: {  	[tilespmem:$0x1FD90] =	vst v9  }
0x25: {  	[tilespmem:$0x1FDA0] =	vst v8  }
0x26: {  	[tilespmem:$0x1FDB0] =	vst v4  }
0x27: {  	[tilespmem:$0x1FEA0] =	vst v3  }
0x28: {  	[tilespmem:$0x1FE90] =	vst v2  }
0x29: {  	[tilespmem:$0x1FDC0] =	vst v19  }
0x2a: {  	[tilespmem:$0x1FDD0] =	vst v30  }
0x2b: {  	[tilespmem:$0x1FE70] =	vst v1  }
0x2c: {  	[tilespmem:$0x1FDE0] =	vst v18  }
0x2d: {  	[tilespmem:$0x1FDF0] =	vst v16  }
0x2e: {  	[tilespmem:$0x1FE00] =	vst v14;
	s19 =	sshll.u32 s18, $0x13  }
0x2f: {  	[tilespmem:$0x1FE10] =	vst v11;
	s20 =	sor.u32 s19, s4  }
0x30: {  	[tilespmem:$0x1FE20] =	vst v10;
	s20 =	sshrl.u32 s20, $0x3  }
0x31: {  	[tilespmem:$0x1FE30] =	vst v7;
	s20 =	sadd.s32 s20, s2  }
0x32: {  	[tilespmem:$0x1FE40] =	vst v6;
	s20 =	sadd.s32 $0x8000, s20  }
0x33: {  	[tilespmem:s11], [sflag:$0x2] =	stream.strided.gather [hbm4b:s20+s9], $0x8000, s10, s9, $0x38;
	[tilespmem:$0x10400] =	vst v63  }
0x34: {  	_ =	swait.ge [sflag:s12], $0x8000  }
0x35: {  	[sflag:s12] =	ssyncset.done $0x0  }
0x36: {  	s20 =	simm.s32 $0x0;
	[sflag:s12] =	ssyncadd.s32 $0xFFFF8000  }
0x37: {  	v0 =	vld [tilespmem:s20+$0x0]  }
0x38: {  	v1 =	vld [tilespmem:s20+$0x80]  }
0x39: {  	v2 =	vld [tilespmem:s20+$0x100]  }
0x3a: {  	v3 =	vld [tilespmem:s20+$0x180]  }
0x3b: {  	v4 =	vld [tilespmem:s20+$0x200]  }
0x3c: {  	v9 =	vld [tilespmem:s20+$0x280]  }
0x3d: {  	v10 =	vld [tilespmem:s20+$0x300]  }
0x3e: {  	v11 =	vld [tilespmem:s20+$0x380]  }
0x3f: {  	v12 =	vld [tilespmem:s20+$0x10]  }
0x40: {  	v13 =	vld [tilespmem:s20+$0x90]  }
0x41: {  	v14 =	vld [tilespmem:s20+$0x110]  }
0x42: {  	v17 =	vld [tilespmem:s20+$0x190]  }
0x43: {  	v20 =	vld [tilespmem:s20+$0x210]  }
0x44: {  	v30 =	vmov v21;
	v21 =	vld [tilespmem:s20+$0x290]  }
0x45: {  	v22 =	vld [tilespmem:s20+$0x310]  }
0x46: {  	v26 =	vld [tilespmem:s20+$0x390];
	v6 =	vmax.f32 v0, v1  }
0x47: {  	v5 =	vmin.f32 v0, v1;
	v0 =	vmax.f32 v2, v3;
	v7 =	vmin.f32 v2, v3  }
0x48: {  	v8 =	vmax.f32 v4, v9;
	v9 =	vmin.f32 v4, v9;
	v2 =	vmax.f32 v10, v11  }
0x49: {  	v10 =	vmin.f32 v10, v11;
	v15 =	vmax.f32 v12, v13;
	v12 =	vmin.f32 v12, v13  }
0x4a: {  	v13 =	vmax.f32 v14, v17;
	v14 =	vmin.f32 v14, v17;
	v17 =	vmax.f32 v20, v21  }
0x4b: {  	v16 =	vmin.f32 v20, v21;
	v21 =	vmax.f32 v22, v26;
	v22 =	vmin.f32 v22, v26  }
0x4c: {  	v26 =	vmax.f32 v6, v0;
	v18 =	vmin.f32 v5, v7;
	v36 =	vmax.f32 v8, v2  }
0x4d: {  	v37 =	vmin.f32 v9, v10;
	v23 =	vmax.f32 v15, v13;
	v20 =	vmin.f32 v12, v14  }
0x4e: {  	v35 =	vmin.f32 v6, v0;
	v1 =	vmax.f32 v17, v21;
	v3 =	vmin.f32 v16, v22  }
0x4f: {  	v4 =	vmax.f32 v5, v7;
	v11 =	vmin.f32 v8, v2;
	v9 =	vmax.f32 v9, v10  }
0x50: {  	v13 =	vmin.f32 v15, v13;
	v14 =	vmax.f32 v12, v14;
	v17 =	vmin.f32 v17, v21  }
0x51: {  	v21 =	vmax.f32 v16, v22;
	v10 =	vmax.f32 v26, v36;
	v12 =	vmin.f32 v18, v37  }
0x52: {  	v22 =	vmin.f32 v26, v36;
	v0 =	vmax.f32 v23, v1;
	v2 =	vmin.f32 v20, v3  }
0x53: {  	v26 =	vmax.f32 v18, v37;
	v36 =	vmin.f32 v23, v1;
	v3 =	vmax.f32 v20, v3  }
0x54: {  	v20 =	vmax.f32 v4, v35;
	v4 =	vmin.f32 v4, v35;
	v23 =	vmax.f32 v9, v11  }
0x55: {  	v11 =	vmin.f32 v9, v11;
	v35 =	vmax.f32 v14, v13;
	v13 =	vmin.f32 v14, v13  }
0x56: {  	v14 =	vmax.f32 v21, v17;
	v21 =	vmin.f32 v21, v17;
	v37 =	vmax.f32 v20, v23  }
0x57: {  	v1 =	vmin.f32 v4, v11;
	v17 =	vmax.f32 v35, v14;
	v9 =	vmin.f32 v13, v21  }
0x58: {  	v20 =	vmin.f32 v20, v23;
	v4 =	vmax.f32 v4, v11;
	v11 =	vmin.f32 v35, v14  }
0x59: {  	v35 =	vmax.f32 v4, v22;
	v14 =	vmin.f32 v4, v22;
	v4 =	vmax.f32 v13, v21  }
0x5a: {  	v19 =	vld [tilespmem:$0x1FFE0];
	v23 =	vmax.f32 v26, v20;
	v22 =	vmin.f32 v26, v20;
	v26 =	vmin.f32 v3, v11  }
0x5b: {  	v16 =	vld [tilespmem:$0x1FFF0];
	v20 =	vmax.f32 v4, v36;
	v13 =	vmin.f32 v4, v36;
	v4 =	vmax.f32 v3, v11  }
0x5c: {  	s21 =	simm.s32 $0x1000;
	v18 =	vld [tilespmem:$0x1FFD0];
	v21 =	vmax.f32 v37, v35;
	v3 =	vmin.f32 v37, v35;
	v11 =	vmax.f32 v23, v14  }
.LBB2_4:
0x5d: {  	p0 =	sne.s32 s21, $0x1F000;
	v14 =	vmin.f32 v23, v14;
	v23 =	vmax.f32 v22, v1;
	v1 =	vmin.f32 v22, v1  }
0x5e: {  	v22 =	vmax.f32 v17, v20;
	v17 =	vmin.f32 v17, v20;
	v20 =	vmax.f32 v4, v13  }
0x5f: {  	v4 =	vmin.f32 v4, v13;
	v13 =	vmax.f32 v26, v9;
	v9 =	vmin.f32 v26, v9  }
0x60: {  	v12 =	vmax.f32 v63, v12;
	v10 =	vmax.f32 v16, v10;
	v1 =	vmax.f32 v62, v1  }
0x61: {  	v11 =	vmax.f32 v59, v11;
	v23 =	vmax.f32 v61, v23;
	v14 =	vmax.f32 v60, v14  }
0x62: {  	v3 =	vmax.f32 v57, v3;
	v21 =	vmax.f32 v58, v21;
	v26 =	vmin.f32 v12, v11  }
0x63: {  	v35 =	vmin.f32 v1, v3;
	v36 =	vmin.f32 v23, v21;
	v37 =	vmin.f32 v14, v10  }
0x64: {  	v11 =	vmax.f32 v12, v11;
	v12 =	vmin.f32 v26, v36;
	v58 =	vmin.f32 v35, v37  }
0x65: {  	s22 =	sshra.s32 s21, $0x2;
	v1 =	vmax.f32 v1, v3;
	v3 =	vmax.f32 v23, v21;
	v16 =	vmin.f32 v12, v58  }
0x66: {  	v2 =	vmax.f32 v29, v2;
	v0 =	vmax.f32 v25, v0;
	v9 =	vmax.f32 v19, v9;
	v21 =	vld [tilespmem:s22+$0x0]  }
0x67: {  	v13 =	vmax.f32 v18, v13;
	v4 =	vmax.f32 v42, v4;
	v20 =	vmax.f32 v41, v20;
	v23 =	vld [tilespmem:s22+$0x80]  }
0x68: {  	v17 =	vmax.f32 v40, v17;
	v22 =	vmax.f32 v39, v22;
	v39 =	vmin.f32 v2, v20;
	v5 =	vld [tilespmem:s22+$0x100]  }
0x69: {  	v40 =	vmin.f32 v9, v17;
	v41 =	vmin.f32 v13, v22;
	v42 =	vmin.f32 v4, v0;
	v6 =	vld [tilespmem:s22+$0x180]  }
0x6a: {  	v2 =	vmax.f32 v2, v20;
	v20 =	vmin.f32 v39, v41;
	v57 =	vmin.f32 v40, v42;
	v7 =	vld [tilespmem:s22+$0x200]  }
0x6b: {  	v9 =	vmax.f32 v9, v17;
	v13 =	vmax.f32 v13, v22;
	v25 =	vmin.f32 v20, v57;
	v8 =	vld [tilespmem:s22+$0x280]  }
0x6c: {  	v0 =	vmax.f32 v4, v0;
	v4 =	vmax.f32 v2, v13;
	v2 =	vmin.f32 v2, v13;
	v17 =	vld [tilespmem:s22+$0x300]  }
0x6d: {  	v22 =	vmax.f32 v9, v0;
	v0 =	vmin.f32 v9, v0;
	v9 =	vmax.f32 v39, v41;
	v13 =	vld [tilespmem:s22+$0x380]  }
0x6e: {  	v59 =	vmax.f32 v40, v42;
	v29 =	vmax.f32 v4, v22;
	v19 =	vmin.f32 v4, v22;
	v15 =	vld [tilespmem:s22+$0x10]  }
0x6f: {  	v18 =	vmax.f32 v2, v0;
	v42 =	vmin.f32 v2, v0;
	v41 =	vmax.f32 v9, v59;
	v4 =	vld [tilespmem:s22+$0x90]  }
0x70: {  	v2 =	vmax.f32 v14, v10;
	v40 =	vmin.f32 v9, v59;
	v39 =	vmax.f32 v20, v57;
	v0 =	vld [tilespmem:s22+$0x110]  }
0x71: {  	v10 =	vmax.f32 v11, v3;
	v3 =	vmin.f32 v11, v3;
	v11 =	vmax.f32 v1, v2;
	v9 =	vld [tilespmem:s22+$0x190]  }
0x72: {  	v20 =	vmax.f32 v35, v37;
	v1 =	vmin.f32 v1, v2;
	v2 =	vmax.f32 v26, v36;
	v14 =	vld [tilespmem:s22+$0x210]  }
0x73: {  	v63 =	vmax.f32 v10, v11;
	v62 =	vmin.f32 v10, v11;
	v61 =	vmax.f32 v3, v1;
	v22 =	vld [tilespmem:s22+$0x290]  }
0x74: {  	v60 =	vmin.f32 v3, v1;
	v59 =	vmax.f32 v2, v20;
	v57 =	vmin.f32 v2, v20;
	v10 =	vld [tilespmem:s22+$0x310]  }
0x75: {  	v58 =	vmax.f32 v12, v58;
	v1 =	vmax.f32 v21, v23;
	v2 =	vld [tilespmem:s22+$0x390]  }
0x76: {  	v3 =	vmin.f32 v21, v23;
	v11 =	vmax.f32 v5, v6;
	v5 =	vmin.f32 v5, v6  }
0x77: {  	v6 =	vmax.f32 v7, v8;
	v7 =	vmin.f32 v7, v8;
	v8 =	vmax.f32 v17, v13  }
0x78: {  	v12 =	vmin.f32 v17, v13;
	v13 =	vmax.f32 v15, v4;
	v4 =	vmin.f32 v15, v4  }
0x79: {  	v15 =	vmax.f32 v0, v9;
	v0 =	vmin.f32 v0, v9;
	v9 =	vmax.f32 v14, v22  }
0x7a: {  	v14 =	vmin.f32 v14, v22;
	v17 =	vmax.f32 v10, v2;
	v2 =	vmin.f32 v10, v2  }
0x7b: {  	v20 =	vmax.f32 v1, v11;
	v21 =	vmin.f32 v3, v5;
	v22 =	vmax.f32 v6, v8  }
0x7c: {  	v23 =	vmin.f32 v7, v12;
	v26 =	vmax.f32 v13, v15;
	v35 =	vmin.f32 v4, v0  }
0x7d: {  	v1 =	vmin.f32 v1, v11;
	v11 =	vmax.f32 v9, v17;
	v36 =	vmin.f32 v14, v2  }
0x7e: {  	v3 =	vmax.f32 v3, v5;
	v5 =	vmin.f32 v6, v8;
	v6 =	vmax.f32 v7, v12  }
0x7f: {  	v4 =	vmax.f32 v4, v0;
	v7 =	vmin.f32 v13, v15;
	v8 =	vmin.f32 v9, v17  }
0x80: {  	v12 =	vmin.f32 v21, v23;
	v10 =	vmax.f32 v20, v22;
	v9 =	vmax.f32 v14, v2  }
0x81: {  	v13 =	vmin.f32 v20, v22;
	v0 =	vmax.f32 v26, v11;
	v2 =	vmin.f32 v35, v36  }
0x82: {  	v15 =	vmax.f32 v21, v23;
	v11 =	vmin.f32 v26, v11;
	v21 =	vmax.f32 v35, v36  }
0x83: {  	v20 =	vmax.f32 v6, v5;
	v14 =	vmax.f32 v3, v1;
	v3 =	vmin.f32 v3, v1  }
0x84: {  	v5 =	vmin.f32 v6, v5;
	v6 =	vmax.f32 v4, v7;
	v4 =	vmin.f32 v4, v7  }
0x85: {  	v7 =	vmax.f32 v14, v20;
	v22 =	vmax.f32 v9, v8;
	v8 =	vmin.f32 v9, v8  }
0x86: {  	v1 =	vmin.f32 v3, v5;
	v17 =	vmax.f32 v6, v22;
	v9 =	vmin.f32 v4, v8  }
.Ltmp0:
0x87: {  	v20 =	vmin.f32 v14, v20;
	v3 =	vmax.f32 v3, v5;
	v5 =	vmin.f32 v6, v22;
	(pc) =	sbr.rel @p0 .LBB2_4-.Ltmp0, $4  }
0x88: {  	v6 =	vmax.f32 v3, v13;
	v14 =	vmin.f32 v3, v13;
	v3 =	vmax.f32 v4, v8  }
0x89: {  	v23 =	vmax.f32 v15, v20;
	v22 =	vmin.f32 v15, v20;
	v20 =	vmax.f32 v3, v11  }
0x8a: {  	v13 =	vmin.f32 v3, v11;
	v4 =	vmax.f32 v21, v5;
	v26 =	vmin.f32 v21, v5  }
0x8b: {  	s21 =	sadd.s32 $0x1000, s21;
	v21 =	vmax.f32 v7, v6;
	v3 =	vmin.f32 v7, v6;
	v11 =	vmax.f32 v23, v14  }
0x8c: {  	v5 =	vmin.f32 v23, v14;
	v6 =	vmax.f32 v22, v1  }
0x8d: {  	v1 =	vmin.f32 v22, v1;
	v7 =	vmax.f32 v17, v20;
	v8 =	vmin.f32 v17, v20  }
0x8e: {  	v14 =	vmax.f32 v4, v13;
	v4 =	vmin.f32 v4, v13;
	v13 =	vmax.f32 v26, v9  }
0x8f: {  	v9 =	vmin.f32 v26, v9;
	v12 =	vmax.f32 v63, v12;
	v10 =	vmax.f32 v16, v10  }
0x90: {  	v11 =	vmax.f32 v59, v11;
	v3 =	vmax.f32 v57, v3;
	v15 =	vmax.f32 v58, v21  }
0x91: {  	v0 =	vmax.f32 v25, v0;
	v1 =	vmax.f32 v62, v1;
	v6 =	vmax.f32 v61, v6  }
0x92: {  	v35 =	vmovc v29;
	v5 =	vmax.f32 v60, v5;
	v17 =	vmin.f32 v12, v11;
	v11 =	vmax.f32 v12, v11  }
0x93: {  	v2 =	vmax.f32 v35, v2;
	v13 =	vmax.f32 v18, v13;
	v4 =	vmax.f32 v42, v4  }
0x94: {  	v14 =	vmax.f32 v41, v14;
	v8 =	vmax.f32 v40, v8;
	v7 =	vmax.f32 v39, v7  }
0x95: {  	v57 =	vmin.f32 v1, v3;
	v21 =	vmin.f32 v6, v15;
	v22 =	vmin.f32 v5, v10  }
0x96: {  	v1 =	vmax.f32 v1, v3;
	v3 =	vmax.f32 v6, v15;
	v35 =	vmin.f32 v2, v14  }
0x97: {  	v26 =	vld [tilespmem:s20+$0x120];
	v37 =	vmin.f32 v13, v7;
	v61 =	vmin.f32 v4, v0;
	v2 =	vmax.f32 v2, v14  }
0x98: {  	v20 =	vld [tilespmem:s20+$0x220];
	v7 =	vmax.f32 v13, v7;
	v63 =	vmin.f32 v17, v21;
	v23 =	vmin.f32 v57, v22  }
0x99: {  	v12 =	vld [tilespmem:s20+$0x1A0];
	v0 =	vmax.f32 v4, v0;
	v14 =	vmin.f32 v35, v37;
	v6 =	vmin.f32 v63, v23  }
0x9a: {  	v15 =	vld [tilespmem:s20+$0xA0];
	v4 =	vmax.f32 v2, v7;
	v2 =	vmin.f32 v2, v7;
	[tilespmem:$0x1FD20] =	vst v6;
	v6 =	vmax.f32 v19, v9  }
0x9b: {  	v35 =	vmax.f32 v35, v37;
	v37 =	vld [tilespmem:s20+$0x30];
	v36 =	vmin.f32 v6, v8;
	v6 =	vmax.f32 v6, v8  }
0x9c: {  	v63 =	vmax.f32 v63, v23;
	v9 =	vld [tilespmem:s20+$0x20];
	v62 =	vmin.f32 v36, v61;
	v7 =	vmax.f32 v6, v0  }
0x9d: {  	v8 =	vld [tilespmem:s20+$0x2A0];
	v0 =	vmin.f32 v6, v0;
	v36 =	vmax.f32 v36, v61;
	v13 =	vmin.f32 v14, v62  }
0x9e: {  	v6 =	vld [tilespmem:s20+$0x3A0];
	v16 =	vmax.f32 v4, v7;
	v4 =	vmin.f32 v4, v7;
	v40 =	vmin.f32 v2, v0;
	[tilespmem:$0x1FD30] =	vst v13  }
0x9f: {  	v41 =	vmax.f32 v35, v36;
	v7 =	vld [tilespmem:s20+$0x1B0];
	[tilespmem:$0x1FD50] =	vst v4;
	v4 =	vmax.f32 v2, v0;
	v2 =	vmax.f32 v5, v10  }
0xa0: {  	v13 =	vld [tilespmem:s20+$0x320];
	v5 =	vmax.f32 v14, v62;
	v14 =	vmax.f32 v57, v22;
	[tilespmem:$0x1FD60] =	vst v4;
	v4 =	vmin.f32 v35, v36  }
0xa1: {  	v0 =	vld [tilespmem:s20+$0xB0];
	[tilespmem:$0x1FD80] =	vst v5;
	v5 =	vmax.f32 v11, v3;
	v3 =	vmin.f32 v11, v3;
	v10 =	vmax.f32 v1, v2  }
0xa2: {  	v1 =	vmin.f32 v1, v2;
	v2 =	vmax.f32 v17, v21;
	v11 =	vld [tilespmem:s20+$0x230];
	v58 =	vmax.f32 v5, v10  }
0xa3: {  	[tilespmem:$0x1FD70] =	vst v4;
	v4 =	vld [tilespmem:s20+$0x130];
	v59 =	vmin.f32 v5, v10;
	v57 =	vmax.f32 v3, v1;
	v60 =	vmin.f32 v3, v1  }
0xa4: {  	v5 =	vld [tilespmem:s20+$0x2B0];
	v61 =	vmax.f32 v2, v14;
	v62 =	vmin.f32 v2, v14;
	v2 =	vmax.f32 v9, v15  }
0xa5: {  	v1 =	vld [tilespmem:s20+$0x330];
	v9 =	vmin.f32 v9, v15;
	v10 =	vmax.f32 v26, v12;
	v12 =	vmin.f32 v26, v12  }
0xa6: {  	v3 =	vld [tilespmem:s20+$0x3B0];
	v14 =	vmax.f32 v20, v8;
	v8 =	vmin.f32 v20, v8;
	v20 =	vmin.f32 v9, v12  }
0xa7: {  	v35 =	vmin.f32 v2, v10;
	v9 =	vmax.f32 v9, v12;
	v15 =	vmax.f32 v13, v6  }
0xa8: {  	v6 =	vmin.f32 v13, v6;
	v13 =	vmax.f32 v37, v0;
	v0 =	vmin.f32 v37, v0  }
0xa9: {  	v21 =	vmax.f32 v14, v15;
	v22 =	vmin.f32 v8, v6;
	v14 =	vmin.f32 v14, v15  }
0xaa: {  	v6 =	vmax.f32 v8, v6;
	v17 =	vmax.f32 v4, v7;
	v4 =	vmin.f32 v4, v7  }
0xab: {  	v7 =	vmax.f32 v11, v5;
	v5 =	vmin.f32 v11, v5;
	v11 =	vmax.f32 v1, v3  }
0xac: {  	v1 =	vmin.f32 v1, v3;
	v3 =	vmax.f32 v2, v10;
	v12 =	vmin.f32 v20, v22  }
0xad: {  	v23 =	vmax.f32 v13, v17;
	v26 =	vmin.f32 v0, v4;
	v36 =	vmax.f32 v7, v11  }
0xae: {  	v42 =	vmin.f32 v5, v1;
	v8 =	vmin.f32 v13, v17;
	v4 =	vmax.f32 v0, v4  }
0xaf: {  	v7 =	vmin.f32 v7, v11;
	v10 =	vmax.f32 v3, v21;
	v1 =	vmax.f32 v5, v1  }
0xb0: {  	v3 =	vmin.f32 v3, v21;
	v5 =	vmax.f32 v20, v22;
	v13 =	vmax.f32 v9, v35  }
0xb1: {  	v20 =	vmin.f32 v9, v35;
	v21 =	vmax.f32 v6, v14;
	v6 =	vmin.f32 v6, v14  }
0xb2: {  	v0 =	vmax.f32 v23, v36;
	v2 =	vmin.f32 v26, v42;
	v11 =	vmin.f32 v23, v36  }
0xb3: {  	v15 =	vmax.f32 v26, v42;
	v14 =	vmax.f32 v4, v8;
	v8 =	vmin.f32 v4, v8  }
0xb4: {  	v35 =	vmax.f32 v13, v21;
	v4 =	vmax.f32 v1, v7;
	v7 =	vmin.f32 v1, v7  }
0xb5: {  	v1 =	vmin.f32 v20, v6;
	v13 =	vmin.f32 v13, v21;
	v6 =	vmax.f32 v20, v6  }
0xb6: {  	v17 =	vmax.f32 v14, v4;
	v9 =	vmin.f32 v8, v7;
	v21 =	vmin.f32 v14, v4  }
0xb7: {  	v29 =	vld [tilespmem:$0x1FF90];
	v42 =	vmax.f32 v6, v3;
	v4 =	vmin.f32 v6, v3;
	v3 =	vmax.f32 v8, v7  }
0xb8: {  	v25 =	vld [tilespmem:$0x1FFC0];
	v23 =	vmax.f32 v5, v13;
	v22 =	vmin.f32 v5, v13;
	v14 =	vmax.f32 v3, v11  }
0xb9: {  	v39 =	vld [tilespmem:$0x1FFA0];
	v13 =	vmin.f32 v3, v11;
	v20 =	vmax.f32 v15, v21;
	v26 =	vmin.f32 v15, v21  }
0xba: {  	v19 =	vld [tilespmem:$0x1FFB0];
	[tilespmem:$0x1FD40] =	vst v16;
	s20 =	simm.s32 $0x1000;
	v21 =	vmax.f32 v35, v42;
	v3 =	vmin.f32 v35, v42;
	v11 =	vmax.f32 v23, v4  }
.LBB2_6:
0xbb: {  	p0 =	sne.s32 s20, $0x1F000;
	v4 =	vmin.f32 v23, v4;
	v5 =	vmax.f32 v22, v1;
	v1 =	vmin.f32 v22, v1  }
0xbc: {  	v6 =	vmax.f32 v17, v14;
	v7 =	vmin.f32 v17, v14;
	v8 =	vmax.f32 v20, v13  }
0xbd: {  	v13 =	vmin.f32 v20, v13;
	v14 =	vmax.f32 v26, v9;
	v9 =	vmin.f32 v26, v9  }
0xbe: {  	v12 =	vmax.f32 v56, v12;
	v10 =	vmax.f32 v31, v10;
	v1 =	vmax.f32 v55, v1  }
0xbf: {  	v11 =	vmax.f32 v52, v11;
	v5 =	vmax.f32 v54, v5;
	v4 =	vmax.f32 v53, v4  }
0xc0: {  	v3 =	vmax.f32 v50, v3;
	v15 =	vmax.f32 v51, v21;
	v17 =	vmin.f32 v12, v11  }
0xc1: {  	v20 =	vmin.f32 v1, v3;
	v21 =	vmin.f32 v5, v15;
	v22 =	vmin.f32 v4, v10  }
0xc2: {  	v11 =	vmax.f32 v12, v11;
	v12 =	vmin.f32 v17, v21;
	v23 =	vmin.f32 v20, v22  }
0xc3: {  	s21 =	sshra.s32 s20, $0x2;
	v1 =	vmax.f32 v1, v3;
	v3 =	vmax.f32 v5, v15;
	v31 =	vmin.f32 v12, v23  }
0xc4: {  	v2 =	vmax.f32 v28, v2;
	v0 =	vmax.f32 v39, v0;
	v9 =	vmax.f32 v25, v9;
	v5 =	vld [tilespmem:s21+$0x20]  }
0xc5: {  	v14 =	vmax.f32 v19, v14;
	v13 =	vmax.f32 v38, v13;
	v8 =	vmax.f32 v34, v8;
	v15 =	vld [tilespmem:s21+$0xA0]  }
0xc6: {  	v7 =	vmax.f32 v27, v7;
	v6 =	vmax.f32 v24, v6;
	v24 =	vmin.f32 v2, v8;
	v26 =	vld [tilespmem:s21+$0x120]  }
0xc7: {  	v25 =	vmin.f32 v9, v7;
	v27 =	vmin.f32 v14, v6;
	v28 =	vmin.f32 v13, v0;
	v35 =	vld [tilespmem:s21+$0x1A0]  }
0xc8: {  	v2 =	vmax.f32 v2, v8;
	v8 =	vmin.f32 v24, v27;
	v37 =	vmin.f32 v25, v28;
	v36 =	vld [tilespmem:s21+$0x220]  }
0xc9: {  	v7 =	vmax.f32 v9, v7;
	v6 =	vmax.f32 v14, v6;
	v39 =	vmin.f32 v8, v37;
	v16 =	vld [tilespmem:s21+$0x2A0]  }
0xca: {  	v0 =	vmax.f32 v13, v0;
	v13 =	vmax.f32 v2, v6;
	v2 =	vmin.f32 v2, v6;
	v9 =	vld [tilespmem:s21+$0x320]  }
0xcb: {  	v14 =	vmax.f32 v7, v0;
	v0 =	vmin.f32 v7, v0;
	v7 =	vmax.f32 v24, v27;
	v6 =	vld [tilespmem:s21+$0x3A0]  }
0xcc: {  	v50 =	vmax.f32 v25, v28;
	v28 =	vmax.f32 v13, v14;
	v25 =	vmin.f32 v13, v14;
	v18 =	vld [tilespmem:s21+$0x30]  }
0xcd: {  	v19 =	vmax.f32 v2, v0;
	v38 =	vmin.f32 v2, v0;
	v34 =	vmax.f32 v7, v50;
	v13 =	vld [tilespmem:s21+$0xB0]  }
0xce: {  	v2 =	vmax.f32 v4, v10;
	v27 =	vmin.f32 v7, v50;
	v24 =	vmax.f32 v8, v37;
	v0 =	vld [tilespmem:s21+$0x130]  }
0xcf: {  	v7 =	vmax.f32 v11, v3;
	v3 =	vmin.f32 v11, v3;
	v8 =	vmax.f32 v1, v2;
	v4 =	vld [tilespmem:s21+$0x1B0]  }
0xd0: {  	v11 =	vmax.f32 v20, v22;
	v1 =	vmin.f32 v1, v2;
	v2 =	vmax.f32 v17, v21;
	v10 =	vld [tilespmem:s21+$0x230]  }
0xd1: {  	v56 =	vmax.f32 v7, v8;
	v55 =	vmin.f32 v7, v8;
	v54 =	vmax.f32 v3, v1;
	v14 =	vld [tilespmem:s21+$0x2B0]  }
0xd2: {  	v53 =	vmin.f32 v3, v1;
	v52 =	vmax.f32 v2, v11;
	v50 =	vmin.f32 v2, v11;
	v7 =	vld [tilespmem:s21+$0x330]  }
0xd3: {  	v51 =	vmax.f32 v12, v23;
	v1 =	vmax.f32 v5, v15;
	v2 =	vld [tilespmem:s21+$0x3B0]  }
0xd4: {  	v3 =	vmin.f32 v5, v15;
	v5 =	vmax.f32 v26, v35;
	v8 =	vmin.f32 v26, v35  }
0xd5: {  	v11 =	vmax.f32 v36, v16;
	v12 =	vmin.f32 v36, v16;
	v15 =	vmax.f32 v9, v6  }
0xd6: {  	v6 =	vmin.f32 v9, v6;
	v9 =	vmax.f32 v18, v13;
	v13 =	vmin.f32 v18, v13  }
0xd7: {  	v16 =	vmax.f32 v0, v4;
	v0 =	vmin.f32 v0, v4;
	v4 =	vmax.f32 v10, v14  }
0xd8: {  	v14 =	vmin.f32 v10, v14;
	v10 =	vmax.f32 v7, v2;
	v2 =	vmin.f32 v7, v2  }
0xd9: {  	v17 =	vmin.f32 v3, v8;
	v18 =	vmax.f32 v11, v15;
	v7 =	vmax.f32 v1, v5  }
0xda: {  	v20 =	vmin.f32 v12, v6;
	v21 =	vmax.f32 v9, v16;
	v22 =	vmin.f32 v13, v0  }
0xdb: {  	v1 =	vmin.f32 v1, v5;
	v5 =	vmax.f32 v4, v10;
	v23 =	vmin.f32 v14, v2  }
0xdc: {  	v3 =	vmax.f32 v3, v8;
	v8 =	vmin.f32 v11, v15;
	v6 =	vmax.f32 v12, v6  }
0xdd: {  	v9 =	vmin.f32 v9, v16;
	v11 =	vmax.f32 v13, v0;
	v4 =	vmin.f32 v4, v10  }
0xde: {  	v12 =	vmin.f32 v17, v20;
	v10 =	vmax.f32 v7, v18;
	v13 =	vmax.f32 v14, v2  }
0xdf: {  	v7 =	vmin.f32 v7, v18;
	v0 =	vmax.f32 v21, v5;
	v2 =	vmin.f32 v22, v23  }
0xe0: {  	v14 =	vmax.f32 v17, v20;
	v5 =	vmin.f32 v21, v5;
	v15 =	vmax.f32 v22, v23  }
0xe1: {  	v16 =	vmax.f32 v3, v1;
	v3 =	vmin.f32 v3, v1;
	v18 =	vmax.f32 v6, v8  }
0xe2: {  	v6 =	vmin.f32 v6, v8;
	v8 =	vmax.f32 v11, v9;
	v11 =	vmin.f32 v11, v9  }
0xe3: {  	v35 =	vmax.f32 v16, v18;
	v20 =	vmax.f32 v13, v4;
	v13 =	vmin.f32 v13, v4  }
0xe4: {  	v1 =	vmin.f32 v3, v6;
	v17 =	vmax.f32 v8, v20;
	v9 =	vmin.f32 v11, v13  }
.Ltmp1:
0xe5: {  	v16 =	vmin.f32 v16, v18;
	v3 =	vmax.f32 v3, v6;
	v6 =	vmin.f32 v8, v20;
	(pc) =	sbr.rel @p0 .LBB2_6-.Ltmp1, $4  }
0xe6: {  	v8 =	vmax.f32 v3, v7;
	v4 =	vmin.f32 v3, v7;
	v3 =	vmax.f32 v11, v13  }
0xe7: {  	v23 =	vmax.f32 v14, v16;
	v22 =	vmin.f32 v14, v16;
	v14 =	vmax.f32 v3, v5  }
0xe8: {  	v13 =	vmin.f32 v3, v5;
	v20 =	vmax.f32 v15, v6;
	v26 =	vmin.f32 v15, v6  }
0xe9: {  	s20 =	sadd.s32 $0x1000, s20;
	v21 =	vmax.f32 v35, v8;
	v3 =	vmin.f32 v35, v8;
	v11 =	vmax.f32 v23, v4  }
0xea: {  	v4 =	vmin.f32 v23, v4;
	v5 =	vmax.f32 v22, v1  }
0xeb: {  	v1 =	vmin.f32 v22, v1;
	v6 =	vmax.f32 v17, v14;
	v7 =	vmin.f32 v17, v14  }
0xec: {  	v8 =	vmax.f32 v20, v13;
	v13 =	vmin.f32 v20, v13;
	v14 =	vmax.f32 v26, v9  }
0xed: {  	v9 =	vmin.f32 v26, v9;
	v12 =	vmax.f32 v56, v12;
	v10 =	vmax.f32 v31, v10  }
0xee: {  	v11 =	vmax.f32 v52, v11;
	v3 =	vmax.f32 v50, v3;
	v15 =	vmax.f32 v51, v21  }
0xef: {  	v2 =	vmax.f32 v28, v2;
	v0 =	vmax.f32 v39, v0;
	v1 =	vmax.f32 v55, v1  }
0xf0: {  	v5 =	vmax.f32 v54, v5;
	v4 =	vmax.f32 v53, v4;
	v16 =	vmin.f32 v12, v11  }
0xf1: {  	v11 =	vmax.f32 v12, v11;
	v14 =	vmax.f32 v19, v14;
	v13 =	vmax.f32 v38, v13  }
0xf2: {  	v8 =	vmax.f32 v34, v8;
	v7 =	vmax.f32 v27, v7;
	v6 =	vmax.f32 v24, v6  }
0xf3: {  	s20 =	simm.s32 $0x0;
	v17 =	vmin.f32 v1, v3;
	v18 =	vmin.f32 v5, v15;
	v20 =	vmin.f32 v4, v10  }
0xf4: {  	v22 =	vld [tilespmem:s20+$0x140];
	v1 =	vmax.f32 v1, v3;
	v3 =	vmax.f32 v5, v15;
	v23 =	vmin.f32 v2, v8  }
0xf5: {  	v26 =	vld [tilespmem:s20+$0x1C0];
	v27 =	vmin.f32 v13, v0;
	v12 =	vmin.f32 v16, v18;
	v21 =	vmin.f32 v17, v20  }
0xf6: {  	v2 =	vmax.f32 v2, v8;
	v0 =	vmax.f32 v13, v0;
	v5 =	vmin.f32 v12, v21  }
0xf7: {  	v56 =	vmax.f32 v12, v21;
	[tilespmem:$0x1FCB0] =	vst v5;
	v5 =	vmax.f32 v25, v9;
	v25 =	vmin.f32 v14, v6  }
0xf8: {  	v35 =	vld [tilespmem:s20+$0x240];
	v6 =	vmax.f32 v14, v6;
	v24 =	vmin.f32 v5, v7;
	v8 =	vmin.f32 v23, v25  }
0xf9: {  	v36 =	vld [tilespmem:s20+$0x50];
	v5 =	vmax.f32 v5, v7;
	v13 =	vmax.f32 v2, v6;
	v2 =	vmin.f32 v2, v6  }
0xfa: {  	v15 =	vld [tilespmem:s20+$0xC0];
	v23 =	vmax.f32 v23, v25;
	v12 =	vmin.f32 v22, v26;
	v28 =	vmin.f32 v24, v27  }
0xfb: {  	[tilespmem:$0x1FC90] =	vst v41;
	v9 =	vld [tilespmem:s20+$0x40];
	v6 =	vmax.f32 v5, v0;
	v0 =	vmin.f32 v5, v0;
	v14 =	vmin.f32 v8, v28  }
0xfc: {  	v7 =	vld [tilespmem:s20+$0x2C0];
	v25 =	vmax.f32 v24, v27;
	v19 =	vmax.f32 v13, v6;
	v6 =	vmin.f32 v13, v6;
	[tilespmem:$0x1FCC0] =	vst v14  }
0xfd: {  	v5 =	vld [tilespmem:s20+$0x3C0];
	v41 =	vmax.f32 v2, v0;
	v42 =	vmin.f32 v2, v0;
	v2 =	vmax.f32 v23, v25;
	[tilespmem:$0x1FCE0] =	vst v6  }
0xfe: {  	v0 =	vld [tilespmem:s20+$0xD0];
	v13 =	vmax.f32 v17, v20;
	[tilespmem:$0x1FCF0] =	vst v2;
	v2 =	vmax.f32 v4, v10;
	v6 =	vmax.f32 v8, v28  }
0xff: {  	v14 =	vld [tilespmem:s20+$0x340];
	v4 =	vmin.f32 v23, v25;
	[tilespmem:$0x1FD10] =	vst v6;
	v6 =	vmax.f32 v11, v3;
	v3 =	vmin.f32 v11, v3  }
0x100: {  	v8 =	vld [tilespmem:s20+$0x1D0];
	v10 =	vmax.f32 v1, v2;
	v1 =	vmin.f32 v1, v2;
	v2 =	vmax.f32 v16, v18  }
0x101: {  	[tilespmem:$0x1FD00] =	vst v4;
	v4 =	vld [tilespmem:s20+$0x150];
	v51 =	vmax.f32 v6, v10;
	v52 =	vmin.f32 v6, v10;
	v50 =	vmax.f32 v3, v1  }
0x102: {  	v11 =	vld [tilespmem:s20+$0x250];
	v53 =	vmin.f32 v3, v1;
	v54 =	vmax.f32 v2, v13;
	v55 =	vmin.f32 v2, v13  }
0x103: {  	v6 =	vld [tilespmem:s20+$0x2D0];
	v2 =	vmax.f32 v9, v15;
	v9 =	vmin.f32 v9, v15;
	v10 =	vmax.f32 v22, v26  }
0x104: {  	v1 =	vld [tilespmem:s20+$0x350];
	v13 =	vmax.f32 v35, v7;
	v7 =	vmin.f32 v35, v7;
	v18 =	vmin.f32 v9, v12  }
0x105: {  	v3 =	vld [tilespmem:s20+$0x3D0];
	v26 =	vmin.f32 v2, v10;
	v9 =	vmax.f32 v9, v12;
	v15 =	vmax.f32 v14, v5  }
0x106: {  	v5 =	vmin.f32 v14, v5;
	v14 =	vmax.f32 v36, v0;
	v0 =	vmin.f32 v36, v0  }
0x107: {  	v16 =	vmax.f32 v4, v8;
	v4 =	vmin.f32 v4, v8;
	v20 =	vmax.f32 v13, v15  }
0x108: {  	v21 =	vmin.f32 v7, v5;
	v12 =	vmin.f32 v13, v15;
	v5 =	vmax.f32 v7, v5  }
0x109: {  	v13 =	vmax.f32 v9, v26;
	v8 =	vmax.f32 v11, v6;
	v6 =	vmin.f32 v11, v6  }
0x10a: {  	v11 =	vmax.f32 v1, v3;
	v1 =	vmin.f32 v1, v3;
	v3 =	vmax.f32 v2, v10  }
0x10b: {  	v22 =	vmax.f32 v14, v16;
	v23 =	vmin.f32 v0, v4;
	v7 =	vmin.f32 v14, v16  }
0x10c: {  	v4 =	vmax.f32 v0, v4;
	v17 =	vmin.f32 v18, v21;
	v14 =	vmin.f32 v9, v26  }
0x10d: {  	[tilespmem:$0x1FCA0] =	vst v40;
	v16 =	vmax.f32 v5, v12;
	v5 =	vmin.f32 v5, v12;
	v40 =	vmax.f32 v8, v11  }
0x10e: {  	v34 =	vmin.f32 v6, v1;
	v8 =	vmin.f32 v8, v11;
	v10 =	vmax.f32 v3, v20  }
0x10f: {  	v1 =	vmax.f32 v6, v1;
	v3 =	vmin.f32 v3, v20;
	v6 =	vmax.f32 v18, v21  }
0x110: {  	v39 =	vld [tilespmem:$0x1FE10];
	v18 =	vmax.f32 v4, v7;
	v7 =	vmin.f32 v4, v7;
	v0 =	vmax.f32 v22, v40  }
0x111: {  	v38 =	vld [tilespmem:$0x1FE90];
	v2 =	vmin.f32 v23, v34;
	v11 =	vmin.f32 v22, v40;
	v15 =	vmax.f32 v23, v34  }
0x112: {  	v27 =	vld [tilespmem:$0x1FEA0];
	v40 =	vmax.f32 v13, v16;
	v4 =	vmax.f32 v1, v8;
	v8 =	vmin.f32 v1, v8  }
0x113: {  	v25 =	vld [tilespmem:$0x1FDD0];
	v1 =	vmin.f32 v14, v5;
	v13 =	vmin.f32 v13, v16;
	v5 =	vmax.f32 v14, v5  }
0x114: {  	v24 =	vmovc v30;
	v30 =	vld [tilespmem:$0x1FF70];
	v12 =	vmax.f32 v18, v4;
	v9 =	vmin.f32 v7, v8;
	v16 =	vmin.f32 v18, v4  }
0x115: {  	[tilespmem:$0x1FCD0] =	vst v19;
	v19 =	vld [tilespmem:$0x1FE70];
	v18 =	vmax.f32 v5, v3;
	v4 =	vmin.f32 v5, v3;
	v3 =	vmax.f32 v7, v8  }
0x116: {  	v36 =	vld [tilespmem:$0x1FF80];
	v26 =	vmax.f32 v6, v13;
	v23 =	vmin.f32 v6, v13;
	v14 =	vmax.f32 v3, v11  }
0x117: {  	v34 =	vld [tilespmem:$0x1FDC0];
	v13 =	vmin.f32 v3, v11;
	v22 =	vmax.f32 v15, v16;
	v20 =	vmin.f32 v15, v16  }
0x118: {  	s21 =	simm.s32 $0x1000;
	v31 =	vmovc v29;
	v21 =	vmax.f32 v40, v18;
	v3 =	vmin.f32 v40, v18;
	v11 =	vmax.f32 v26, v4;
	v40 =	vld [tilespmem:$0x1FE00]  }
.LBB2_8:
0x119: {  	p0 =	sne.s32 s21, $0x1F000;
	v4 =	vmin.f32 v26, v4;
	v5 =	vmax.f32 v23, v1;
	v1 =	vmin.f32 v23, v1  }
0x11a: {  	v6 =	vmax.f32 v12, v14;
	v7 =	vmin.f32 v12, v14;
	v8 =	vmax.f32 v22, v13  }
0x11b: {  	v12 =	vmin.f32 v22, v13;
	v13 =	vmax.f32 v20, v9;
	v9 =	vmin.f32 v20, v9  }
0x11c: {  	v14 =	vmax.f32 v49, v17;
	v10 =	vmax.f32 v33, v10;
	v1 =	vmax.f32 v48, v1  }
0x11d: {  	v11 =	vmax.f32 v45, v11;
	v5 =	vmax.f32 v47, v5;
	v4 =	vmax.f32 v46, v4  }
0x11e: {  	v3 =	vmax.f32 v43, v3;
	v15 =	vmax.f32 v44, v21;
	v16 =	vmin.f32 v14, v11  }
0x11f: {  	v17 =	vmin.f32 v1, v3;
	v18 =	vmin.f32 v5, v15;
	v20 =	vmin.f32 v4, v10  }
0x120: {  	v11 =	vmax.f32 v14, v11;
	v14 =	vmin.f32 v16, v18;
	v21 =	vmin.f32 v17, v20  }
0x121: {  	s22 =	sshra.s32 s21, $0x2;
	v1 =	vmax.f32 v1, v3;
	v3 =	vmax.f32 v5, v15;
	v33 =	vmin.f32 v14, v21  }
0x122: {  	v2 =	vmax.f32 v27, v2;
	v0 =	vmax.f32 v32, v0;
	v9 =	vmax.f32 v38, v9;
	v5 =	vld [tilespmem:s22+$0x40]  }
0x123: {  	v13 =	vmax.f32 v34, v13;
	v12 =	vmax.f32 v31, v12;
	v8 =	vmax.f32 v19, v8;
	v15 =	vld [tilespmem:s22+$0xC0]  }
0x124: {  	v7 =	vmax.f32 v36, v7;
	v6 =	vmax.f32 v30, v6;
	v19 =	vmin.f32 v2, v8;
	v22 =	vld [tilespmem:s22+$0x140]  }
0x125: {  	v26 =	vmin.f32 v9, v7;
	v35 =	vmin.f32 v13, v6;
	v36 =	vmin.f32 v12, v0;
	v23 =	vld [tilespmem:s22+$0x1C0]  }
0x126: {  	v2 =	vmax.f32 v2, v8;
	v8 =	vmin.f32 v19, v35;
	v43 =	vmin.f32 v26, v36;
	v37 =	vld [tilespmem:s22+$0x240]  }
0x127: {  	v7 =	vmax.f32 v9, v7;
	v6 =	vmax.f32 v13, v6;
	v32 =	vmin.f32 v8, v43;
	v29 =	vld [tilespmem:s22+$0x2C0]  }
0x128: {  	v0 =	vmax.f32 v12, v0;
	v12 =	vmax.f32 v2, v6;
	v2 =	vmin.f32 v2, v6;
	v9 =	vld [tilespmem:s22+$0x340]  }
0x129: {  	v13 =	vmax.f32 v7, v0;
	v0 =	vmin.f32 v7, v0;
	v7 =	vmax.f32 v19, v35;
	v6 =	vld [tilespmem:s22+$0x3C0]  }
0x12a: {  	v26 =	vmax.f32 v26, v36;
	v27 =	vmax.f32 v12, v13;
	v38 =	vmin.f32 v12, v13;
	v35 =	vld [tilespmem:s22+$0x50]  }
0x12b: {  	v34 =	vmax.f32 v2, v0;
	v31 =	vmin.f32 v2, v0;
	v19 =	vmax.f32 v7, v26;
	v12 =	vld [tilespmem:s22+$0xD0]  }
0x12c: {  	v2 =	vmax.f32 v4, v10;
	v36 =	vmin.f32 v7, v26;
	v30 =	vmax.f32 v8, v43;
	v0 =	vld [tilespmem:s22+$0x150]  }
0x12d: {  	v7 =	vmax.f32 v11, v3;
	v3 =	vmin.f32 v11, v3;
	v8 =	vmax.f32 v1, v2;
	v4 =	vld [tilespmem:s22+$0x1D0]  }
0x12e: {  	v11 =	vmax.f32 v17, v20;
	v1 =	vmin.f32 v1, v2;
	v2 =	vmax.f32 v16, v18;
	v10 =	vld [tilespmem:s22+$0x250]  }
0x12f: {  	v49 =	vmax.f32 v7, v8;
	v48 =	vmin.f32 v7, v8;
	v47 =	vmax.f32 v3, v1;
	v13 =	vld [tilespmem:s22+$0x2D0]  }
0x130: {  	v46 =	vmin.f32 v3, v1;
	v45 =	vmax.f32 v2, v11;
	v43 =	vmin.f32 v2, v11;
	v7 =	vld [tilespmem:s22+$0x350]  }
0x131: {  	v44 =	vmax.f32 v14, v21;
	v1 =	vmax.f32 v5, v15;
	v2 =	vld [tilespmem:s22+$0x3D0]  }
0x132: {  	v3 =	vmin.f32 v5, v15;
	v5 =	vmax.f32 v22, v23;
	v8 =	vmin.f32 v22, v23  }
0x133: {  	v11 =	vmax.f32 v37, v29;
	v14 =	vmin.f32 v37, v29;
	v15 =	vmax.f32 v9, v6  }
0x134: {  	v6 =	vmin.f32 v9, v6;
	v9 =	vmax.f32 v35, v12;
	v12 =	vmin.f32 v35, v12  }
0x135: {  	v16 =	vmax.f32 v0, v4;
	v0 =	vmin.f32 v0, v4;
	v4 =	vmax.f32 v10, v13  }
0x136: {  	v13 =	vmin.f32 v10, v13;
	v10 =	vmax.f32 v7, v2;
	v2 =	vmin.f32 v7, v2  }
0x137: {  	v18 =	vmin.f32 v3, v8;
	v20 =	vmax.f32 v11, v15;
	v7 =	vmax.f32 v1, v5  }
0x138: {  	v21 =	vmin.f32 v14, v6;
	v22 =	vmax.f32 v9, v16;
	v23 =	vmin.f32 v12, v0  }
0x139: {  	v1 =	vmin.f32 v1, v5;
	v5 =	vmax.f32 v4, v10;
	v26 =	vmin.f32 v13, v2  }
0x13a: {  	v3 =	vmax.f32 v3, v8;
	v8 =	vmin.f32 v11, v15;
	v6 =	vmax.f32 v14, v6  }
0x13b: {  	v9 =	vmin.f32 v9, v16;
	v11 =	vmax.f32 v12, v0;
	v4 =	vmin.f32 v4, v10  }
0x13c: {  	v17 =	vmin.f32 v18, v21;
	v10 =	vmax.f32 v7, v20;
	v12 =	vmax.f32 v13, v2  }
0x13d: {  	v7 =	vmin.f32 v7, v20;
	v0 =	vmax.f32 v22, v5;
	v2 =	vmin.f32 v23, v26  }
0x13e: {  	v13 =	vmax.f32 v18, v21;
	v5 =	vmin.f32 v22, v5;
	v15 =	vmax.f32 v23, v26  }
0x13f: {  	v16 =	vmax.f32 v6, v8;
	v14 =	vmax.f32 v3, v1;
	v3 =	vmin.f32 v3, v1  }
0x140: {  	v6 =	vmin.f32 v6, v8;
	v8 =	vmax.f32 v11, v9;
	v11 =	vmin.f32 v11, v9  }
0x141: {  	v18 =	vmax.f32 v14, v16;
	v20 =	vmax.f32 v12, v4;
	v21 =	vmin.f32 v12, v4  }
0x142: {  	v1 =	vmin.f32 v3, v6;
	v12 =	vmax.f32 v8, v20;
	v9 =	vmin.f32 v11, v21  }
.Ltmp2:
0x143: {  	v14 =	vmin.f32 v14, v16;
	v3 =	vmax.f32 v3, v6;
	v6 =	vmin.f32 v8, v20;
	(pc) =	sbr.rel @p0 .LBB2_8-.Ltmp2, $4  }
0x144: {  	v8 =	vmax.f32 v3, v7;
	v4 =	vmin.f32 v3, v7;
	v3 =	vmax.f32 v11, v21  }
0x145: {  	v26 =	vmax.f32 v13, v14;
	v23 =	vmin.f32 v13, v14;
	v14 =	vmax.f32 v3, v5  }
0x146: {  	v13 =	vmin.f32 v3, v5;
	v22 =	vmax.f32 v15, v6;
	v20 =	vmin.f32 v15, v6  }
0x147: {  	s21 =	sadd.s32 $0x1000, s21;
	v21 =	vmax.f32 v18, v8;
	v3 =	vmin.f32 v18, v8;
	v11 =	vmax.f32 v26, v4  }
0x148: {  	v4 =	vmin.f32 v26, v4;
	v5 =	vmax.f32 v23, v1;
	v1 =	vmin.f32 v23, v1  }
0x149: {  	v6 =	vmax.f32 v12, v14;
	v7 =	vmin.f32 v12, v14;
	v8 =	vmax.f32 v22, v13  }
0x14a: {  	v12 =	vmin.f32 v22, v13;
	v13 =	vmax.f32 v20, v9;
	v9 =	vmin.f32 v20, v9  }
0x14b: {  	v14 =	vmax.f32 v49, v17;
	v10 =	vmax.f32 v33, v10;
	v11 =	vmax.f32 v45, v11  }
0x14c: {  	v3 =	vmax.f32 v43, v3;
	v15 =	vmax.f32 v44, v21;
	v2 =	vmax.f32 v27, v2  }
0x14d: {  	v0 =	vmax.f32 v32, v0;
	v1 =	vmax.f32 v48, v1;
	v5 =	vmax.f32 v47, v5  }
0x14e: {  	v4 =	vmax.f32 v46, v4;
	v17 =	vmin.f32 v14, v11;
	v13 =	vmax.f32 v34, v13  }
0x14f: {  	v12 =	vmax.f32 v31, v12;
	v8 =	vmax.f32 v19, v8;
	v7 =	vmax.f32 v36, v7  }
0x150: {  	v6 =	vmax.f32 v30, v6;
	v20 =	vmin.f32 v1, v3;
	v21 =	vmin.f32 v5, v15  }
0x151: {  	v22 =	vmin.f32 v4, v10;
	v1 =	vmax.f32 v1, v3;
	v3 =	vmax.f32 v5, v15  }
0x152: {  	v15 =	vmin.f32 v2, v8;
	v49 =	vmin.f32 v17, v21;
	v23 =	vmin.f32 v20, v22  }
0x153: {  	v18 =	vmin.f32 v13, v6;
	v19 =	vmin.f32 v12, v0;
	v5 =	vmin.f32 v49, v23  }
0x154: {  	v2 =	vmax.f32 v2, v8;
	v6 =	vmax.f32 v13, v6;
	[tilespmem:$0x1FC00] =	vst v5;
	v5 =	vmax.f32 v38, v9  }
0x155: {  	v26 =	vld [tilespmem:s20+$0xE0];
	v0 =	vmax.f32 v12, v0;
	v8 =	vmin.f32 v15, v18;
	v16 =	vmin.f32 v5, v7  }
0x156: {  	v29 =	vld [tilespmem:s20+$0x160];
	v12 =	vmax.f32 v2, v6;
	v5 =	vmax.f32 v5, v7;
	v37 =	vmin.f32 v16, v19  }
0x157: {  	v35 =	vld [tilespmem:s20+$0x1E0];
	v2 =	vmin.f32 v2, v6;
	v6 =	vmax.f32 v5, v0;
	v13 =	vmin.f32 v8, v37  }
0x158: {  	v11 =	vmax.f32 v14, v11;
	v34 =	vld [tilespmem:s20+$0x260];
	v14 =	vmax.f32 v12, v6;
	[tilespmem:$0x1FC10] =	vst v13  }
0x159: {  	v9 =	vld [tilespmem:s20+$0x60];
	v0 =	vmin.f32 v5, v0;
	v6 =	vmin.f32 v12, v6;
	[tilespmem:$0x1FC20] =	vst v14  }
0x15a: {  	v38 =	vmax.f32 v15, v18;
	v7 =	vld [tilespmem:s20+$0x2E0];
	v16 =	vmax.f32 v16, v19;
	[tilespmem:$0x1FC30] =	vst v6;
	v6 =	vmax.f32 v2, v0  }
0x15b: {  	v5 =	vld [tilespmem:s20+$0x3E0];
	v0 =	vmin.f32 v2, v0;
	v2 =	vmax.f32 v38, v16;
	[tilespmem:$0x1FC40] =	vst v6  }
0x15c: {  	v49 =	vmax.f32 v49, v23;
	v12 =	vmax.f32 v20, v22;
	v13 =	vld [tilespmem:s20+$0x360];
	[tilespmem:$0x1FC60] =	vst v2;
	v6 =	vmax.f32 v8, v37  }
0x15d: {  	v14 =	vld [tilespmem:s20+$0x70];
	v2 =	vmax.f32 v4, v10;
	v4 =	vmin.f32 v38, v16;
	[tilespmem:$0x1FC80] =	vst v6;
	v6 =	vmax.f32 v11, v3  }
0x15e: {  	[tilespmem:$0x1FC50] =	vst v0;
	v0 =	vld [tilespmem:s20+$0xF0];
	v3 =	vmin.f32 v11, v3;
	v10 =	vmax.f32 v1, v2;
	v1 =	vmin.f32 v1, v2  }
0x15f: {  	v8 =	vld [tilespmem:s20+$0x1F0];
	v2 =	vmax.f32 v17, v21;
	v17 =	vmax.f32 v34, v7;
	v7 =	vmin.f32 v34, v7  }
0x160: {  	[tilespmem:$0x1FC70] =	vst v4;
	v4 =	vld [tilespmem:s20+$0x170];
	v44 =	vmax.f32 v6, v10;
	v45 =	vmin.f32 v6, v10;
	v43 =	vmax.f32 v3, v1  }
0x161: {  	v11 =	vld [tilespmem:s20+$0x270];
	v47 =	vmax.f32 v2, v12;
	v48 =	vmin.f32 v2, v12;
	v2 =	vmax.f32 v9, v26  }
0x162: {  	v6 =	vld [tilespmem:s20+$0x2F0];
	v9 =	vmin.f32 v9, v26;
	v10 =	vmax.f32 v29, v35;
	v12 =	vmin.f32 v29, v35  }
0x163: {  	[tilespmem:$0x1FBE0] =	vst v42;
	v46 =	vmin.f32 v3, v1;
	v1 =	vld [tilespmem:s20+$0x370];
	v21 =	vmin.f32 v9, v12;
	v42 =	vmin.f32 v2, v10  }
0x164: {  	v3 =	vld [tilespmem:s20+$0x3F0];
	v9 =	vmax.f32 v9, v12;
	v20 =	vmax.f32 v13, v5;
	v5 =	vmin.f32 v13, v5  }
0x165: {  	v13 =	vmax.f32 v14, v0;
	v0 =	vmin.f32 v14, v0;
	v22 =	vmax.f32 v17, v20  }
0x166: {  	v23 =	vmin.f32 v7, v5;
	v12 =	vmin.f32 v17, v20;
	v5 =	vmax.f32 v7, v5  }
0x167: {  	v14 =	vmax.f32 v4, v8;
	v4 =	vmin.f32 v4, v8;
	v17 =	vmin.f32 v21, v23  }
0x168: {  	v20 =	vmax.f32 v5, v12;
	v5 =	vmin.f32 v5, v12;
	v8 =	vmax.f32 v11, v6  }
0x169: {  	v6 =	vmin.f32 v11, v6;
	v11 =	vmax.f32 v1, v3;
	v1 =	vmin.f32 v1, v3  }
0x16a: {  	v3 =	vmax.f32 v2, v10;
	v26 =	vmax.f32 v13, v14;
	v29 =	vmin.f32 v0, v4  }
0x16b: {  	v7 =	vmin.f32 v13, v14;
	v4 =	vmax.f32 v0, v4;
	v13 =	vmax.f32 v9, v42  }
0x16c: {  	v32 =	vld [tilespmem:$0x1FDF0];
	v14 =	vmin.f32 v9, v42;
	v33 =	vmax.f32 v8, v11;
	v34 =	vmin.f32 v6, v1  }
0x16d: {  	v27 =	vld [tilespmem:$0x1FF40];
	v8 =	vmin.f32 v8, v11;
	v10 =	vmax.f32 v3, v22;
	v1 =	vmax.f32 v6, v1  }
0x16e: {  	v28 =	vld [tilespmem:$0x1FDA0];
	v3 =	vmin.f32 v3, v22;
	v6 =	vmax.f32 v21, v23;
	v12 =	vmax.f32 v4, v7  }
0x16f: {  	[tilespmem:$0x1FBF0] =	vst v41;
	v31 =	vld [tilespmem:$0x1FF30];
	v7 =	vmin.f32 v4, v7;
	v41 =	vmax.f32 v13, v20;
	v21 =	vmin.f32 v14, v5  }
0x170: {  	v15 =	vld [tilespmem:$0x1FE40];
	v5 =	vmax.f32 v14, v5;
	v0 =	vmax.f32 v26, v33;
	v2 =	vmin.f32 v29, v34  }
0x171: {  	v18 =	vld [tilespmem:$0x1FE20];
	v11 =	vmin.f32 v26, v33;
	v29 =	vmax.f32 v29, v34;
	v4 =	vmax.f32 v1, v8  }
0x172: {  	v19 =	vld [tilespmem:$0x1FDB0];
	v1 =	vmin.f32 v1, v8;
	v8 =	vmin.f32 v13, v20;
	v42 =	vmax.f32 v5, v3  }
0x173: {  	v16 =	vld [tilespmem:$0x1FE30];
	v26 =	vmax.f32 v12, v4;
	v9 =	vmin.f32 v7, v1;
	v12 =	vmin.f32 v12, v4  }
0x174: {  	v38 =	vld [tilespmem:$0x1FF60];
	v4 =	vmin.f32 v5, v3;
	v1 =	vmax.f32 v7, v1;
	v23 =	vmax.f32 v6, v8  }
0x175: {  	v33 =	vld [tilespmem:$0x1FDE0];
	v20 =	vmax.f32 v1, v11;
	v13 =	vmin.f32 v1, v11;
	v14 =	vmax.f32 v29, v12  }
0x176: {  	v11 =	vmin.f32 v29, v12;
	v12 =	vmax.f32 v41, v42;
	v1 =	vmin.f32 v41, v42;
	v41 =	vld [tilespmem:$0x1FD90]  }
0x177: {  	s20 =	simm.s32 $0x1000;
	v34 =	vld [tilespmem:$0x1FF50];
	v22 =	vmin.f32 v6, v8;
	v3 =	vmax.f32 v23, v4  }
.LBB2_10:
0x178: {  	p0 =	sne.s32 s20, $0x1F000;
	v4 =	vmin.f32 v23, v4;
	v5 =	vmax.f32 v22, v21;
	v6 =	vmin.f32 v22, v21  }
0x179: {  	v7 =	vmax.f32 v26, v20;
	v8 =	vmin.f32 v26, v20;
	v20 =	vmax.f32 v14, v13  }
0x17a: {  	v13 =	vmin.f32 v14, v13;
	v14 =	vmax.f32 v11, v9;
	v9 =	vmin.f32 v11, v9  }
0x17b: {  	v11 =	vmax.f32 v41, v17;
	v10 =	vmax.f32 v25, v10;
	v6 =	vmax.f32 v28, v6  }
0x17c: {  	v3 =	vmax.f32 v34, v3;
	v5 =	vmax.f32 v19, v5;
	v4 =	vmax.f32 v38, v4  }
0x17d: {  	v1 =	vmax.f32 v27, v1;
	v12 =	vmax.f32 v31, v12;
	v17 =	vmin.f32 v11, v3  }
0x17e: {  	v21 =	vmin.f32 v6, v1;
	v22 =	vmin.f32 v5, v12;
	v23 =	vmin.f32 v4, v10  }
0x17f: {  	v3 =	vmax.f32 v11, v3;
	v11 =	vmin.f32 v17, v22;
	v26 =	vmin.f32 v21, v23  }
0x180: {  	s21 =	sshra.s32 s20, $0x2;
	v1 =	vmax.f32 v6, v1;
	v5 =	vmax.f32 v5, v12;
	v25 =	vmin.f32 v11, v26  }
0x181: {  	v2 =	vmax.f32 v33, v2;
	v0 =	vmax.f32 v24, v0;
	v9 =	vmax.f32 v32, v9;
	v6 =	vld [tilespmem:s21+$0x60]  }
0x182: {  	v14 =	vmax.f32 v40, v14;
	v13 =	vmax.f32 v39, v13;
	v20 =	vmax.f32 v18, v20;
	v12 =	vld [tilespmem:s21+$0xE0]  }
0x183: {  	v8 =	vmax.f32 v16, v8;
	v7 =	vmax.f32 v15, v7;
	v30 =	vmin.f32 v2, v20;
	v29 =	vld [tilespmem:s21+$0x160]  }
0x184: {  	v31 =	vmin.f32 v9, v8;
	v32 =	vmin.f32 v14, v7;
	v33 =	vmin.f32 v13, v0;
	v35 =	vld [tilespmem:s21+$0x1E0]  }
0x185: {  	v2 =	vmax.f32 v2, v20;
	v20 =	vmin.f32 v30, v32;
	v34 =	vmin.f32 v31, v33;
	v36 =	vld [tilespmem:s21+$0x260]  }
0x186: {  	v8 =	vmax.f32 v9, v8;
	v7 =	vmax.f32 v14, v7;
	v24 =	vmin.f32 v20, v34;
	v37 =	vld [tilespmem:s21+$0x2E0]  }
0x187: {  	v0 =	vmax.f32 v13, v0;
	v13 =	vmax.f32 v2, v7;
	v2 =	vmin.f32 v2, v7;
	v9 =	vld [tilespmem:s21+$0x360]  }
0x188: {  	v14 =	vmax.f32 v8, v0;
	v0 =	vmin.f32 v8, v0;
	v8 =	vmax.f32 v30, v32;
	v7 =	vld [tilespmem:s21+$0x3E0]  }
0x189: {  	v31 =	vmax.f32 v31, v33;
	v33 =	vmax.f32 v13, v14;
	v32 =	vmin.f32 v13, v14;
	v30 =	vld [tilespmem:s21+$0x70]  }
0x18a: {  	v40 =	vmax.f32 v2, v0;
	v39 =	vmin.f32 v2, v0;
	v18 =	vmax.f32 v8, v31;
	v13 =	vld [tilespmem:s21+$0xF0]  }
0x18b: {  	v2 =	vmax.f32 v4, v10;
	v16 =	vmin.f32 v8, v31;
	v15 =	vmax.f32 v20, v34;
	v0 =	vld [tilespmem:s21+$0x170]  }
0x18c: {  	v8 =	vmax.f32 v3, v5;
	v3 =	vmin.f32 v3, v5;
	v5 =	vmax.f32 v1, v2;
	v4 =	vld [tilespmem:s21+$0x1F0]  }
0x18d: {  	v14 =	vmax.f32 v21, v23;
	v1 =	vmin.f32 v1, v2;
	v2 =	vmax.f32 v17, v22;
	v10 =	vld [tilespmem:s21+$0x270]  }
0x18e: {  	v41 =	vmax.f32 v8, v5;
	v28 =	vmin.f32 v8, v5;
	v19 =	vmax.f32 v3, v1;
	v17 =	vld [tilespmem:s21+$0x2F0]  }
0x18f: {  	v38 =	vmin.f32 v3, v1;
	v34 =	vmax.f32 v2, v14;
	v27 =	vmin.f32 v2, v14;
	v5 =	vld [tilespmem:s21+$0x370]  }
0x190: {  	v31 =	vmax.f32 v11, v26;
	v1 =	vmax.f32 v6, v12;
	v2 =	vld [tilespmem:s21+$0x3F0]  }
0x191: {  	v3 =	vmin.f32 v6, v12;
	v6 =	vmax.f32 v29, v35;
	v8 =	vmin.f32 v29, v35  }
0x192: {  	v11 =	vmax.f32 v36, v37;
	v12 =	vmin.f32 v36, v37;
	v14 =	vmax.f32 v9, v7  }
0x193: {  	v7 =	vmin.f32 v9, v7;
	v9 =	vmax.f32 v30, v13;
	v13 =	vmin.f32 v30, v13  }
0x194: {  	v20 =	vmax.f32 v0, v4;
	v0 =	vmin.f32 v0, v4;
	v4 =	vmax.f32 v10, v17  }
0x195: {  	v21 =	vmin.f32 v10, v17;
	v10 =	vmax.f32 v5, v2;
	v2 =	vmin.f32 v5, v2  }
0x196: {  	v22 =	vmin.f32 v3, v8;
	v23 =	vmax.f32 v11, v14;
	v5 =	vmax.f32 v1, v6  }
0x197: {  	v26 =	vmin.f32 v12, v7;
	v29 =	vmax.f32 v9, v20;
	v30 =	vmin.f32 v13, v0  }
0x198: {  	v1 =	vmin.f32 v1, v6;
	v6 =	vmax.f32 v4, v10;
	v35 =	vmin.f32 v21, v2  }
0x199: {  	v3 =	vmax.f32 v3, v8;
	v8 =	vmin.f32 v11, v14;
	v7 =	vmax.f32 v12, v7  }
0x19a: {  	v9 =	vmin.f32 v9, v20;
	v11 =	vmax.f32 v13, v0;
	v4 =	vmin.f32 v4, v10  }
0x19b: {  	v17 =	vmin.f32 v22, v26;
	v10 =	vmax.f32 v5, v23;
	v12 =	vmax.f32 v21, v2  }
0x19c: {  	v5 =	vmin.f32 v5, v23;
	v0 =	vmax.f32 v29, v6;
	v2 =	vmin.f32 v30, v35  }
0x19d: {  	v13 =	vmax.f32 v22, v26;
	v6 =	vmin.f32 v29, v6;
	v29 =	vmax.f32 v30, v35  }
0x19e: {  	v14 =	vmax.f32 v3, v1;
	v1 =	vmin.f32 v3, v1;
	v3 =	vmax.f32 v7, v8  }
0x19f: {  	v7 =	vmin.f32 v7, v8;
	v8 =	vmax.f32 v11, v9;
	v11 =	vmin.f32 v11, v9  }
0x1a0: {  	v30 =	vmax.f32 v14, v3;
	v20 =	vmax.f32 v12, v4;
	v12 =	vmin.f32 v12, v4  }
0x1a1: {  	v21 =	vmin.f32 v1, v7;
	v26 =	vmax.f32 v8, v20;
	v9 =	vmin.f32 v11, v12  }
.Ltmp3:
0x1a2: {  	v3 =	vmin.f32 v14, v3;
	v1 =	vmax.f32 v1, v7;
	v7 =	vmin.f32 v8, v20;
	(pc) =	sbr.rel @p0 .LBB2_10-.Ltmp3, $4  }
0x1a3: {  	v8 =	vmax.f32 v1, v5;
	v4 =	vmin.f32 v1, v5;
	v1 =	vmax.f32 v11, v12  }
0x1a4: {  	v23 =	vmax.f32 v13, v3;
	v22 =	vmin.f32 v13, v3;
	v20 =	vmax.f32 v1, v6  }
0x1a5: {  	v13 =	vmin.f32 v1, v6;
	v14 =	vmax.f32 v29, v7;
	v11 =	vmin.f32 v29, v7  }
0x1a6: {  	s20 =	sadd.s32 $0x1000, s20;
	v12 =	vmax.f32 v30, v8;
	v1 =	vmin.f32 v30, v8;
	v3 =	vmax.f32 v23, v4  }
0x1a7: {  	v4 =	vmin.f32 v23, v4  }
0x1a8: {  	v5 =	vmax.f32 v22, v21;
	v6 =	vmin.f32 v22, v21;
	v7 =	vmax.f32 v26, v20  }
0x1a9: {  	v8 =	vmin.f32 v26, v20;
	v20 =	vmax.f32 v14, v13;
	v30 =	vmin.f32 v14, v13  }
0x1aa: {  	v14 =	vmax.f32 v11, v9;
	v26 =	vmin.f32 v11, v9;
	v11 =	vmax.f32 v41, v17  }
0x1ab: {  	p0 =	seq.s32 s18, $0xF;
	v3 =	vmax.f32 v34, v3;
	v1 =	vmax.f32 v27, v1;
	v2 =	vmax.f32 v33, v2  }
0x1ac: {  	v0 =	vmax.f32 v24, v0;
	s19 =	sadd.s32 @!p0 s19, s6;
	v6 =	vmax.f32 v28, v6;
	v28 =	vmax.f32 v25, v10  }
0x1ad: {  	v5 =	vmax.f32 v19, v5;
	v21 =	vmax.f32 v38, v4;
	s20 =	simm.s32 @!p0 $0x400;
	v4 =	vmax.f32 v31, v12;
	s19 =	sshrl.u32 @!p0 s19, $0x3  }
0x1ae: {  	s21 =	simm.s32 @!p0 $0x2000;
	s22 =	simm.s32 @!p0 $0x0;
	v38 =	vmin.f32 v11, v3;
	v12 =	vmax.f32 v11, v3;
	v3 =	vmax.f32 v32, v26;
	s19 =	sadd.s32 @!p0 s2, s19  }
0x1af: {  	v8 =	vmax.f32 v16, v8;
	v7 =	vmax.f32 v15, v7;
	v27 =	vmin.f32 v6, v1;
	[tilespmem:s22], [sflag:$0x1] =	stream.strided.gather @!p0 [hbm4b:s19+s20], $0x8000, s21, s20, $0x38;
	[tilespmem:$0x10400] =	vst v63  }
0x1b0: {  	v22 =	vmin.f32 v5, v4;
	v23 =	vmin.f32 v21, v28;
	v13 =	vmax.f32 v6, v1;
	_ =	swait.ge [sflag:s13], $0x8000  }
0x1b1: {  	v29 =	vmax.f32 v5, v4;
	v4 =	vmax.f32 v40, v14;
	v5 =	vmax.f32 v39, v30;
	[sflag:s13] =	ssyncset.done $0x0  }
0x1b2: {  	v6 =	vmax.f32 v18, v20;
	v30 =	vmin.f32 v3, v8;
	v3 =	vmax.f32 v3, v8;
	s19 =	simm.s32 $0x0;
	[sflag:s13] =	ssyncadd.s32 $0xFFFF8000  }
0x1b3: {  	v21 =	vmax.f32 v21, v28;
	v19 =	vmin.f32 v38, v22;
	v25 =	vmin.f32 v27, v23;
	v41 =	vld [tilespmem:s19+$0x8000]  }
0x1b4: {  	v20 =	vmin.f32 v2, v6;
	v31 =	vmin.f32 v4, v7;
	v32 =	vmin.f32 v5, v0;
	v35 =	vld [tilespmem:s19+$0x8080]  }
0x1b5: {  	v2 =	vmax.f32 v2, v6;
	v4 =	vmax.f32 v4, v7;
	v0 =	vmax.f32 v5, v0;
	v17 =	vld [tilespmem:s19+$0x8100]  }
0x1b6: {  	v23 =	vmax.f32 v27, v23;
	v1 =	vmin.f32 v19, v25;
	v42 =	vmin.f32 v20, v31;
	v36 =	vld [tilespmem:s19+$0x8180]  }
0x1b7: {  	v40 =	vmin.f32 v30, v32;
	v5 =	vmax.f32 v2, v4;
	v7 =	vmin.f32 v2, v4;
	v37 =	vld [tilespmem:s19+$0x8200]  }
0x1b8: {  	v2 =	vmax.f32 v3, v0;
	v0 =	vmin.f32 v3, v0;
	v8 =	vmax.f32 v20, v31;
	v26 =	vld [tilespmem:s19+$0x8280]  }
0x1b9: {  	v20 =	vmax.f32 v30, v32;
	v31 =	vmax.f32 v12, v29;
	v12 =	vmin.f32 v12, v29;
	v14 =	vld [tilespmem:s19+$0x8300]  }
0x1ba: {  	v29 =	vmax.f32 v13, v21;
	v13 =	vmin.f32 v13, v21;
	[tilespmem:$0x1FB60] =	vst v1;
	v1 =	vmin.f32 v42, v40;
	v11 =	vld [tilespmem:s19+$0x8380]  }
0x1bb: {  	v21 =	vmax.f32 v38, v22;
	v30 =	vmax.f32 v31, v29;
	[tilespmem:$0x1FB70] =	vst v1;
	v1 =	vmax.f32 v5, v2;
	v10 =	vld [tilespmem:s19+$0x8010]  }
0x1bc: {  	v31 =	vmin.f32 v31, v29;
	v29 =	vmax.f32 v12, v13;
	[tilespmem:$0x1FB80] =	vst v1;
	v1 =	vmin.f32 v5, v2;
	v9 =	vld [tilespmem:s19+$0x8090]  }
0x1bd: {  	v32 =	vmin.f32 v12, v13;
	v12 =	vld [tilespmem:s19+$0x8310];
	[tilespmem:$0x1FB90] =	vst v1;
	v1 =	vmax.f32 v7, v0;
	v0 =	vmin.f32 v7, v0  }
0x1be: {  	v33 =	vmax.f32 v21, v23;
	v34 =	vmin.f32 v21, v23;
	v21 =	vld [tilespmem:s19+$0x8390];
	[tilespmem:$0x1FBB0] =	vst v0;
	v0 =	vmax.f32 v8, v20  }
0x1bf: {  	v38 =	vmax.f32 v19, v25;
	v22 =	vld [tilespmem:s19+$0x8210];
	[tilespmem:$0x1FBC0] =	vst v0;
	v0 =	vmin.f32 v8, v20  }
0x1c0: {  	[tilespmem:$0x1FBA0] =	vst v1;
	v1 =	vld [tilespmem:s19+$0x8190];
	v8 =	vmax.f32 v42, v40;
	v3 =	vmax.f32 v41, v35;
	v2 =	vmin.f32 v41, v35  }
0x1c1: {  	v20 =	vld [tilespmem:s19+$0x8110];
	v13 =	vmax.f32 v17, v36;
	v4 =	vmin.f32 v17, v36;
	v5 =	vmax.f32 v37, v26  }
0x1c2: {  	[tilespmem:$0x1FBD0] =	vst v0;
	v0 =	vld [tilespmem:s19+$0x8290];
	v6 =	vmin.f32 v37, v26;
	v41 =	vmax.f32 v14, v11;
	v7 =	vmin.f32 v14, v11  }
0x1c3: {  	v14 =	vmax.f32 v10, v9;
	v15 =	vmin.f32 v10, v9;
	v26 =	vmin.f32 v12, v21  }
0x1c4: {  	v18 =	vmin.f32 v2, v4;
	v10 =	vmax.f32 v5, v41;
	v23 =	vmin.f32 v6, v7  }
0x1c5: {  	v19 =	vmin.f32 v3, v13;
	v11 =	vmax.f32 v2, v4;
	v37 =	vmin.f32 v5, v41  }
0x1c6: {  	v5 =	vmax.f32 v18, v23;
	v41 =	vmax.f32 v11, v19;
	v11 =	vmin.f32 v11, v19  }
0x1c7: {  	v17 =	vmax.f32 v20, v1;
	v9 =	vmin.f32 v20, v1;
	v20 =	vmax.f32 v22, v0  }
0x1c8: {  	v16 =	vmin.f32 v22, v0;
	v22 =	vmax.f32 v12, v21;
	v21 =	vmax.f32 v3, v13  }
0x1c9: {  	v42 =	vmax.f32 v14, v17;
	v40 =	vmin.f32 v15, v9;
	v12 =	vmax.f32 v6, v7  }
0x1ca: {  	v14 =	vmin.f32 v14, v17;
	v13 =	vmax.f32 v15, v9;
	v9 =	vmin.f32 v18, v23  }
0x1cb: {  	v0 =	vmax.f32 v20, v22;
	v1 =	vmin.f32 v16, v26;
	v20 =	vmin.f32 v20, v22  }
0x1cc: {  	v17 =	vmax.f32 v21, v10;
	v22 =	vmax.f32 v16, v26;
	v4 =	vmin.f32 v21, v10  }
0x1cd: {  	v23 =	vmin.f32 v13, v14;
	v10 =	vmax.f32 v42, v0;
	v26 =	vmin.f32 v40, v1  }
0x1ce: {  	v3 =	vmin.f32 v42, v0;
	v2 =	vmax.f32 v40, v1;
	v42 =	vmax.f32 v12, v37  }
0x1cf: {  	v27 =	vld [tilespmem:$0x1FD30];
	v37 =	vmin.f32 v12, v37;
	v0 =	vmax.f32 v13, v14;
	v14 =	vmax.f32 v22, v20  }
0x1d0: {  	v28 =	vld [tilespmem:$0x1FD60];
	v20 =	vmin.f32 v22, v20;
	v6 =	vmax.f32 v41, v42;
	v1 =	vmin.f32 v11, v37  }
0x1d1: {  	v19 =	vld [tilespmem:$0x1FD20];
	v21 =	vmax.f32 v0, v14;
	v12 =	vmin.f32 v23, v20;
	v11 =	vmax.f32 v11, v37  }
0x1d2: {  	v35 =	vmin.f32 v41, v42;
	v0 =	vmin.f32 v0, v14;
	v41 =	vld [tilespmem:$0x1FCA0];
	v13 =	vmax.f32 v11, v4  }
0x1d3: {  	v42 =	vld [tilespmem:$0x1FC90];
	v22 =	vmin.f32 v11, v4;
	v11 =	vmax.f32 v23, v20;
	v37 =	vmax.f32 v5, v35  }
0x1d4: {  	v36 =	vmin.f32 v5, v35;
	v35 =	vmax.f32 v2, v0;
	v20 =	vmin.f32 v2, v0;
	v2 =	vld [tilespmem:$0x1FD40]  }
0x1d5: {  	v4 =	vld [tilespmem:$0x1FD50]  }
0x1d6: {  	v5 =	vld [tilespmem:$0x1FD80];
	v23 =	vmax.f32 v11, v3;
	v14 =	vmin.f32 v11, v3  }
0x1d7: {  	s18 =	sadd.s32 $0x1, s18;
	s20 =	simm.s32 $0x1000;
	v0 =	vmax.f32 v6, v13;
	v11 =	vmin.f32 v6, v13;
	v13 =	vmax.f32 v37, v22;
	v3 =	vld [tilespmem:$0x1FD70]  }
.LBB2_12:
0x1d8: {  	p0 =	sne.s32 s20, $0x1F000;
	v22 =	vmin.f32 v37, v22;
	v37 =	vmax.f32 v36, v1;
	v1 =	vmin.f32 v36, v1  }
0x1d9: {  	v36 =	vmax.f32 v21, v23;
	v21 =	vmin.f32 v21, v23;
	v23 =	vmax.f32 v35, v14  }
0x1da: {  	v14 =	vmin.f32 v35, v14;
	v35 =	vmax.f32 v20, v12;
	v12 =	vmin.f32 v20, v12  }
0x1db: {  	v9 =	vmax.f32 v58, v9;
	v17 =	vmax.f32 v19, v17;
	v1 =	vmax.f32 v59, v1  }
0x1dc: {  	v13 =	vmax.f32 v61, v13;
	v20 =	vmax.f32 v57, v37;
	v22 =	vmax.f32 v60, v22  }
0x1dd: {  	v11 =	vmax.f32 v62, v11;
	v0 =	vmax.f32 v63, v0;
	v37 =	vmin.f32 v9, v13  }
0x1de: {  	v57 =	vmin.f32 v1, v11;
	v58 =	vmin.f32 v20, v0;
	v59 =	vmin.f32 v22, v17  }
0x1df: {  	v9 =	vmax.f32 v9, v13;
	v13 =	vmin.f32 v37, v58;
	v63 =	vmin.f32 v57, v59  }
0x1e0: {  	s21 =	sshra.s32 s20, $0x2;
	v1 =	vmax.f32 v1, v11;
	v0 =	vmax.f32 v20, v0;
	v19 =	vmin.f32 v13, v63  }
0x1e1: {  	v10 =	vmax.f32 v27, v10;
	v12 =	vmax.f32 v4, v12;
	v20 =	vmax.f32 v2, v26;
	v11 =	vld [tilespmem:s21+$0x8000]  }
0x1e2: {  	v35 =	vmax.f32 v28, v35;
	v14 =	vmax.f32 v41, v14;
	v23 =	vmax.f32 v42, v23;
	v26 =	vld [tilespmem:s21+$0x8080]  }
0x1e3: {  	v21 =	vmax.f32 v3, v21;
	v36 =	vmax.f32 v5, v36;
	v39 =	vmin.f32 v20, v23;
	v15 =	vld [tilespmem:s21+$0x8100]  }
0x1e4: {  	v40 =	vmin.f32 v12, v21;
	v41 =	vmin.f32 v35, v36;
	v42 =	vmin.f32 v14, v10;
	v16 =	vld [tilespmem:s21+$0x8180]  }
0x1e5: {  	v20 =	vmax.f32 v20, v23;
	v60 =	vmin.f32 v40, v42;
	v23 =	vmin.f32 v39, v41;
	v24 =	vld [tilespmem:s21+$0x8200]  }
0x1e6: {  	v12 =	vmax.f32 v12, v21;
	v21 =	vmax.f32 v35, v36;
	v27 =	vmin.f32 v23, v60;
	v25 =	vld [tilespmem:s21+$0x8280]  }
0x1e7: {  	v10 =	vmax.f32 v14, v10;
	v14 =	vmax.f32 v20, v21;
	v20 =	vmin.f32 v20, v21;
	v35 =	vld [tilespmem:s21+$0x8300]  }
0x1e8: {  	v36 =	vmax.f32 v12, v10;
	v10 =	vmin.f32 v12, v10;
	v12 =	vmax.f32 v39, v41;
	v21 =	vld [tilespmem:s21+$0x8380]  }
0x1e9: {  	v40 =	vmax.f32 v40, v42;
	v2 =	vmax.f32 v14, v36;
	v4 =	vmin.f32 v14, v36;
	v39 =	vld [tilespmem:s21+$0x8010]  }
0x1ea: {  	v28 =	vmax.f32 v20, v10;
	v41 =	vmin.f32 v20, v10;
	v42 =	vmax.f32 v12, v40;
	v14 =	vld [tilespmem:s21+$0x8090]  }
0x1eb: {  	v17 =	vmax.f32 v22, v17;
	v3 =	vmin.f32 v12, v40;
	v5 =	vmax.f32 v23, v60;
	v10 =	vld [tilespmem:s21+$0x8110]  }
0x1ec: {  	v20 =	vmax.f32 v9, v0;
	v0 =	vmin.f32 v9, v0;
	v9 =	vmax.f32 v1, v17;
	v12 =	vld [tilespmem:s21+$0x8190]  }
0x1ed: {  	v1 =	vmin.f32 v1, v17;
	v17 =	vmax.f32 v37, v58;
	v23 =	vmax.f32 v57, v59;
	v22 =	vld [tilespmem:s21+$0x8210]  }
0x1ee: {  	v58 =	vmax.f32 v20, v9;
	v59 =	vmin.f32 v20, v9;
	v57 =	vmax.f32 v0, v1;
	v36 =	vld [tilespmem:s21+$0x8290]  }
0x1ef: {  	v60 =	vmin.f32 v0, v1;
	v61 =	vmax.f32 v17, v23;
	v62 =	vmin.f32 v17, v23;
	v9 =	vld [tilespmem:s21+$0x8310]  }
0x1f0: {  	v63 =	vmax.f32 v13, v63;
	v0 =	vmax.f32 v11, v26;
	v1 =	vld [tilespmem:s21+$0x8390]  }
0x1f1: {  	v11 =	vmin.f32 v11, v26;
	v13 =	vmax.f32 v15, v16;
	v15 =	vmin.f32 v15, v16  }
0x1f2: {  	v16 =	vmax.f32 v24, v25;
	v17 =	vmin.f32 v24, v25;
	v20 =	vmax.f32 v35, v21  }
0x1f3: {  	v21 =	vmin.f32 v35, v21;
	v23 =	vmax.f32 v39, v14;
	v14 =	vmin.f32 v39, v14  }
0x1f4: {  	v24 =	vmax.f32 v10, v12;
	v10 =	vmin.f32 v10, v12;
	v12 =	vmax.f32 v22, v36  }
0x1f5: {  	v22 =	vmin.f32 v22, v36;
	v25 =	vmax.f32 v9, v1;
	v1 =	vmin.f32 v9, v1  }
0x1f6: {  	v26 =	vmax.f32 v0, v13;
	v35 =	vmin.f32 v11, v15;
	v36 =	vmax.f32 v16, v20  }
0x1f7: {  	v37 =	vmin.f32 v17, v21;
	v39 =	vmax.f32 v23, v24;
	v40 =	vmin.f32 v14, v10  }
0x1f8: {  	v0 =	vmin.f32 v0, v13;
	v13 =	vmax.f32 v12, v25;
	v18 =	vmin.f32 v22, v1  }
0x1f9: {  	v11 =	vmax.f32 v11, v15;
	v15 =	vmin.f32 v16, v20;
	v16 =	vmax.f32 v17, v21  }
0x1fa: {  	v14 =	vmax.f32 v14, v10;
	v20 =	vmin.f32 v23, v24;
	v12 =	vmin.f32 v12, v25  }
0x1fb: {  	v17 =	vmax.f32 v26, v36;
	v9 =	vmin.f32 v35, v37;
	v1 =	vmax.f32 v22, v1  }
0x1fc: {  	v22 =	vmin.f32 v26, v36;
	v10 =	vmax.f32 v39, v13;
	v26 =	vmin.f32 v40, v18  }
0x1fd: {  	v23 =	vmax.f32 v35, v37;
	v13 =	vmin.f32 v39, v13;
	v18 =	vmax.f32 v40, v18  }
0x1fe: {  	v24 =	vmax.f32 v11, v0;
	v0 =	vmin.f32 v11, v0;
	v11 =	vmax.f32 v16, v15  }
0x1ff: {  	v15 =	vmin.f32 v16, v15;
	v16 =	vmax.f32 v14, v20;
	v14 =	vmin.f32 v14, v20  }
0x200: {  	v25 =	vmax.f32 v24, v11;
	v20 =	vmax.f32 v1, v12;
	v35 =	vmin.f32 v1, v12  }
0x201: {  	v1 =	vmin.f32 v0, v15;
	v21 =	vmax.f32 v16, v20;
	v12 =	vmin.f32 v14, v35  }
.Ltmp4:
0x202: {  	v11 =	vmin.f32 v24, v11;
	v0 =	vmax.f32 v0, v15;
	v15 =	vmin.f32 v16, v20;
	(pc) =	sbr.rel @p0 .LBB2_12-.Ltmp4, $4  }
0x203: {  	v16 =	vmax.f32 v0, v22;
	v22 =	vmin.f32 v0, v22;
	v0 =	vmax.f32 v14, v35  }
0x204: {  	v37 =	vmax.f32 v23, v11;
	v36 =	vmin.f32 v23, v11;
	v23 =	vmax.f32 v0, v13  }
0x205: {  	v14 =	vmin.f32 v0, v13;
	v35 =	vmax.f32 v18, v15;
	v20 =	vmin.f32 v18, v15  }
0x206: {  	s20 =	sadd.s32 $0x1000, s20;
	v0 =	vmax.f32 v25, v16;
	v11 =	vmin.f32 v25, v16;
	v13 =	vmax.f32 v37, v22  }
0x207: {  	v15 =	vmin.f32 v37, v22  }
0x208: {  	v16 =	vmax.f32 v36, v1;
	v1 =	vmin.f32 v36, v1;
	v18 =	vmax.f32 v21, v23  }
0x209: {  	v21 =	vmin.f32 v21, v23;
	v22 =	vmax.f32 v35, v14;
	v14 =	vmin.f32 v35, v14  }
0x20a: {  	v23 =	vmax.f32 v20, v12;
	v12 =	vmin.f32 v20, v12;
	v9 =	vmax.f32 v58, v9  }
0x20b: {  	v17 =	vmax.f32 v19, v17;
	v13 =	vmax.f32 v61, v13;
	v11 =	vmax.f32 v62, v11  }
0x20c: {  	v0 =	vmax.f32 v63, v0;
	v10 =	vmax.f32 v27, v10;
	v1 =	vmax.f32 v59, v1  }
0x20d: {  	v16 =	vmax.f32 v57, v16;
	v15 =	vmax.f32 v60, v15;
	v62 =	vmin.f32 v9, v13  }
0x20e: {  	v9 =	vmax.f32 v9, v13;
	v12 =	vmax.f32 v4, v12;
	v23 =	vmax.f32 v28, v23  }
0x20f: {  	v14 =	vmax.f32 v41, v14;
	v22 =	vmax.f32 v42, v22;
	v21 =	vmax.f32 v3, v21  }
0x210: {  	v18 =	vmax.f32 v5, v18;
	v57 =	vmin.f32 v1, v11;
	v25 =	vmin.f32 v16, v0  }
0x211: {  	v35 =	vmin.f32 v15, v17;
	v1 =	vmax.f32 v1, v11;
	v0 =	vmax.f32 v16, v0  }
0x212: {  	v36 =	vld [tilespmem:s19+$0x8020];
	v40 =	vmin.f32 v12, v21;
	v6 =	vmin.f32 v62, v25;
	v58 =	vmin.f32 v57, v35  }
0x213: {  	v37 =	vld [tilespmem:s19+$0x8120];
	v63 =	vmin.f32 v23, v18;
	v42 =	vmin.f32 v14, v10;
	v11 =	vmin.f32 v6, v58  }
0x214: {  	v24 =	vld [tilespmem:s19+$0x8220];
	v12 =	vmax.f32 v12, v21;
	v18 =	vmax.f32 v23, v18;
	[tilespmem:$0x1FFF0] =	vst v11;
	v11 =	vmax.f32 v2, v26  }
0x215: {  	v13 =	vld [tilespmem:s19+$0x81A0];
	v10 =	vmax.f32 v14, v10;
	v39 =	vmin.f32 v11, v22;
	v11 =	vmax.f32 v11, v22  }
0x216: {  	v21 =	vld [tilespmem:s19+$0x82A0];
	v59 =	vmin.f32 v40, v42;
	v22 =	vmin.f32 v39, v63;
	v14 =	vmax.f32 v11, v18  }
0x217: {  	v26 =	vld [tilespmem:s19+$0x80A0];
	v11 =	vmin.f32 v11, v18;
	v18 =	vmax.f32 v12, v10;
	v16 =	vmin.f32 v22, v59  }
0x218: {  	[tilespmem:$0x1FEC0] =	vst v16;
	v16 =	vmax.f32 v14, v18  }
0x219: {  	v41 =	vmax.f32 v40, v42;
	v10 =	vmin.f32 v12, v10;
	v14 =	vmin.f32 v14, v18;
	[tilespmem:$0x1FF20] =	vst v16  }
0x21a: {  	v20 =	vld [tilespmem:s19+$0x8030];
	v58 =	vmax.f32 v6, v58;
	v3 =	vmin.f32 v37, v13;
	[tilespmem:$0x1FFE0] =	vst v14;
	v14 =	vmax.f32 v11, v10  }
0x21b: {  	v23 =	vld [tilespmem:s19+$0x8320];
	v39 =	vmax.f32 v39, v63;
	v4 =	vmin.f32 v24, v21;
	v10 =	vmin.f32 v11, v10;
	[tilespmem:$0x1FFD0] =	vst v14  }
0x21c: {  	v12 =	vld [tilespmem:s19+$0x83A0];
	v11 =	vmax.f32 v39, v41;
	v16 =	vmax.f32 v36, v26;
	v2 =	vmin.f32 v36, v26;
	[tilespmem:$0x1FB40] =	vst v10  }
0x21d: {  	v18 =	vld [tilespmem:s19+$0x8230];
	[tilespmem:$0x1FB50] =	vst v11;
	v11 =	vmax.f32 v15, v17;
	v14 =	vmin.f32 v39, v41;
	v15 =	vmax.f32 v22, v59  }
0x21e: {  	v10 =	vld [tilespmem:s19+$0x80B0];
	v22 =	vmax.f32 v57, v35;
	[tilespmem:$0x1FF00] =	vst v15;
	v15 =	vmax.f32 v9, v0;
	v0 =	vmin.f32 v9, v0  }
0x21f: {  	[tilespmem:$0x1FF10] =	vst v14;
	v14 =	vld [tilespmem:s19+$0x8130];
	v17 =	vmax.f32 v1, v11;
	v1 =	vmin.f32 v1, v11;
	v11 =	vmax.f32 v62, v25  }
0x220: {  	v9 =	vld [tilespmem:s19+$0x81B0];
	v25 =	vmin.f32 v2, v3;
	v63 =	vmax.f32 v15, v17;
	v62 =	vmin.f32 v15, v17  }
0x221: {  	v15 =	vld [tilespmem:s19+$0x82B0];
	v61 =	vmax.f32 v0, v1;
	v60 =	vmin.f32 v0, v1;
	v59 =	vmax.f32 v11, v22  }
0x222: {  	v0 =	vld [tilespmem:s19+$0x8330];
	v57 =	vmin.f32 v11, v22;
	v17 =	vmax.f32 v37, v13;
	v22 =	vmax.f32 v24, v21  }
0x223: {  	v11 =	vld [tilespmem:s19+$0x83B0];
	v24 =	vmax.f32 v23, v12;
	v21 =	vmin.f32 v23, v12;
	v12 =	vmax.f32 v16, v17  }
0x224: {  	v26 =	vmax.f32 v22, v24;
	v42 =	vmin.f32 v4, v21;
	v16 =	vmin.f32 v16, v17  }
0x225: {  	v22 =	vmin.f32 v22, v24;
	v21 =	vmax.f32 v4, v21;
	v17 =	vmax.f32 v12, v26  }
0x226: {  	v24 =	vmin.f32 v12, v26;
	v23 =	vmax.f32 v20, v10;
	v13 =	vmin.f32 v20, v10  }
0x227: {  	v20 =	vmax.f32 v14, v9;
	v9 =	vmin.f32 v14, v9;
	v14 =	vmax.f32 v18, v15  }
0x228: {  	v15 =	vmin.f32 v18, v15;
	v18 =	vmax.f32 v0, v11;
	v10 =	vmin.f32 v0, v11  }
0x229: {  	v40 =	vmax.f32 v23, v20;
	v41 =	vmin.f32 v13, v9;
	v11 =	vmax.f32 v2, v3  }
0x22a: {  	v20 =	vmin.f32 v23, v20;
	v13 =	vmax.f32 v13, v9;
	v9 =	vmin.f32 v25, v42  }
0x22b: {  	v23 =	vmax.f32 v25, v42;
	v0 =	vmax.f32 v14, v18;
	v1 =	vmin.f32 v15, v10  }
0x22c: {  	v14 =	vmin.f32 v14, v18;
	v15 =	vmax.f32 v15, v10;
	v25 =	vmax.f32 v11, v16  }
0x22d: {  	v11 =	vmin.f32 v11, v16;
	v16 =	vmax.f32 v21, v22;
	v22 =	vmin.f32 v21, v22  }
0x22e: {  	v19 =	vld [tilespmem:$0x1FCB0];
	v42 =	vmax.f32 v13, v20;
	v13 =	vmin.f32 v13, v20;
	v10 =	vmax.f32 v40, v0  }
0x22f: {  	v27 =	vld [tilespmem:$0x1FCC0];
	v26 =	vmin.f32 v41, v1;
	v0 =	vmin.f32 v40, v0;
	v2 =	vmax.f32 v41, v1  }
0x230: {  	v7 =	vld [tilespmem:$0x1FD10];
	v18 =	vmax.f32 v25, v16;
	v20 =	vmax.f32 v15, v14;
	v14 =	vmin.f32 v15, v14  }
0x231: {  	v5 =	vld [tilespmem:$0x1FCD0];
	v1 =	vmin.f32 v11, v22;
	v15 =	vmin.f32 v25, v16;
	v11 =	vmax.f32 v11, v22  }
0x232: {  	v28 =	vld [tilespmem:$0x1FD00];
	v21 =	vmax.f32 v42, v20;
	v12 =	vmin.f32 v13, v14;
	v16 =	vmin.f32 v42, v20  }
0x233: {  	v6 =	vld [tilespmem:$0x1FCE0];
	v25 =	vmax.f32 v11, v24;
	v22 =	vmin.f32 v11, v24;
	v11 =	vmax.f32 v13, v14  }
0x234: {  	v4 =	vld [tilespmem:$0x1FCF0];
	v37 =	vmax.f32 v23, v15;
	v36 =	vmin.f32 v23, v15;
	v23 =	vmax.f32 v11, v0  }
0x235: {  	v3 =	vld [tilespmem:$0x1FBE0];
	v14 =	vmin.f32 v11, v0;
	v35 =	vmax.f32 v2, v16;
	v20 =	vmin.f32 v2, v16  }
0x236: {  	s19 =	simm.s32 $0x1000;
	v0 =	vmax.f32 v18, v25;
	v11 =	vmin.f32 v18, v25;
	v13 =	vmax.f32 v37, v22;
	v2 =	vld [tilespmem:$0x1FBF0]  }
.LBB2_14:
0x237: {  	p0 =	sne.s32 s19, $0x1F000;
	v15 =	vmin.f32 v37, v22;
	v16 =	vmax.f32 v36, v1;
	v1 =	vmin.f32 v36, v1  }
0x238: {  	v18 =	vmax.f32 v21, v23;
	v21 =	vmin.f32 v21, v23;
	v22 =	vmax.f32 v35, v14  }
0x239: {  	v14 =	vmin.f32 v35, v14;
	v23 =	vmax.f32 v20, v12;
	v12 =	vmin.f32 v20, v12  }
0x23a: {  	v9 =	vmax.f32 v51, v9;
	v17 =	vmax.f32 v19, v17;
	v1 =	vmax.f32 v52, v1  }
0x23b: {  	v13 =	vmax.f32 v54, v13;
	v16 =	vmax.f32 v50, v16;
	v15 =	vmax.f32 v53, v15  }
0x23c: {  	v11 =	vmax.f32 v55, v11;
	v0 =	vmax.f32 v56, v0;
	v20 =	vmin.f32 v9, v13  }
0x23d: {  	v24 =	vmin.f32 v1, v11;
	v25 =	vmin.f32 v16, v0;
	v35 =	vmin.f32 v15, v17  }
0x23e: {  	v9 =	vmax.f32 v9, v13;
	v13 =	vmin.f32 v20, v25;
	v36 =	vmin.f32 v24, v35  }
0x23f: {  	s20 =	sshra.s32 s19, $0x2;
	v1 =	vmax.f32 v1, v11;
	v0 =	vmax.f32 v16, v0;
	v19 =	vmin.f32 v13, v36  }
0x240: {  	v10 =	vmax.f32 v27, v10;
	v12 =	vmax.f32 v6, v12;
	v16 =	vmax.f32 v5, v26;
	v11 =	vld [tilespmem:s20+$0x8020]  }
0x241: {  	v23 =	vmax.f32 v2, v23;
	v14 =	vmax.f32 v3, v14;
	v22 =	vmax.f32 v4, v22;
	v26 =	vld [tilespmem:s20+$0x80A0]  }
0x242: {  	v21 =	vmax.f32 v28, v21;
	v18 =	vmax.f32 v7, v18;
	v27 =	vmin.f32 v16, v22;
	v37 =	vld [tilespmem:s20+$0x8120]  }
0x243: {  	v28 =	vmin.f32 v12, v21;
	v50 =	vmin.f32 v23, v18;
	v51 =	vmin.f32 v14, v10;
	v39 =	vld [tilespmem:s20+$0x81A0]  }
0x244: {  	v16 =	vmax.f32 v16, v22;
	v52 =	vmin.f32 v28, v51;
	v22 =	vmin.f32 v27, v50;
	v40 =	vld [tilespmem:s20+$0x8220]  }
0x245: {  	v12 =	vmax.f32 v12, v21;
	v18 =	vmax.f32 v23, v18;
	v53 =	vmin.f32 v22, v52;
	v41 =	vld [tilespmem:s20+$0x82A0]  }
0x246: {  	v10 =	vmax.f32 v14, v10;
	v14 =	vmax.f32 v16, v18;
	v16 =	vmin.f32 v16, v18;
	v21 =	vld [tilespmem:s20+$0x8320]  }
0x247: {  	v23 =	vmax.f32 v12, v10;
	v10 =	vmin.f32 v12, v10;
	v12 =	vmax.f32 v27, v50;
	v18 =	vld [tilespmem:s20+$0x83A0]  }
0x248: {  	v28 =	vmax.f32 v28, v51;
	v5 =	vmax.f32 v14, v23;
	v6 =	vmin.f32 v14, v23;
	v42 =	vld [tilespmem:s20+$0x8030]  }
0x249: {  	v2 =	vmax.f32 v16, v10;
	v3 =	vmin.f32 v16, v10;
	v4 =	vmax.f32 v12, v28;
	v14 =	vld [tilespmem:s20+$0x80B0]  }
0x24a: {  	v15 =	vmax.f32 v15, v17;
	v28 =	vmin.f32 v12, v28;
	v7 =	vmax.f32 v22, v52;
	v27 =	vmovc v53;
	v10 =	vld [tilespmem:s20+$0x8130]  }
0x24b: {  	v16 =	vmax.f32 v9, v0;
	v0 =	vmin.f32 v9, v0;
	v9 =	vmax.f32 v1, v15;
	v12 =	vld [tilespmem:s20+$0x81B0]  }
0x24c: {  	v1 =	vmin.f32 v1, v15;
	v15 =	vmax.f32 v20, v25;
	v20 =	vmax.f32 v24, v35;
	v17 =	vld [tilespmem:s20+$0x8230]  }
0x24d: {  	v51 =	vmax.f32 v16, v9;
	v52 =	vmin.f32 v16, v9;
	v50 =	vmax.f32 v0, v1;
	v22 =	vld [tilespmem:s20+$0x82B0]  }
0x24e: {  	v53 =	vmin.f32 v0, v1;
	v54 =	vmax.f32 v15, v20;
	v55 =	vmin.f32 v15, v20;
	v9 =	vld [tilespmem:s20+$0x8330]  }
0x24f: {  	v56 =	vmax.f32 v13, v36;
	v0 =	vmax.f32 v11, v26;
	v1 =	vld [tilespmem:s20+$0x83B0]  }
0x250: {  	v11 =	vmin.f32 v11, v26;
	v13 =	vmax.f32 v37, v39;
	v15 =	vmin.f32 v37, v39  }
0x251: {  	v16 =	vmax.f32 v40, v41;
	v20 =	vmin.f32 v40, v41;
	v23 =	vmax.f32 v21, v18  }
0x252: {  	v18 =	vmin.f32 v21, v18;
	v21 =	vmax.f32 v42, v14;
	v14 =	vmin.f32 v42, v14  }
0x253: {  	v24 =	vmax.f32 v10, v12;
	v10 =	vmin.f32 v10, v12;
	v12 =	vmax.f32 v17, v22  }
0x254: {  	v22 =	vmin.f32 v17, v22;
	v17 =	vmax.f32 v9, v1;
	v1 =	vmin.f32 v9, v1  }
0x255: {  	v25 =	vmax.f32 v0, v13;
	v35 =	vmin.f32 v11, v15;
	v26 =	vmax.f32 v16, v23  }
0x256: {  	v36 =	vmin.f32 v20, v18;
	v37 =	vmax.f32 v21, v24;
	v39 =	vmin.f32 v14, v10  }
0x257: {  	v0 =	vmin.f32 v0, v13;
	v13 =	vmax.f32 v12, v17;
	v40 =	vmin.f32 v22, v1  }
0x258: {  	v11 =	vmax.f32 v11, v15;
	v15 =	vmin.f32 v16, v23;
	v16 =	vmax.f32 v20, v18  }
0x259: {  	v18 =	vmin.f32 v21, v24;
	v14 =	vmax.f32 v14, v10;
	v12 =	vmin.f32 v12, v17  }
0x25a: {  	v9 =	vmin.f32 v35, v36;
	v17 =	vmax.f32 v25, v26;
	v1 =	vmax.f32 v22, v1  }
0x25b: {  	v20 =	vmin.f32 v25, v26;
	v10 =	vmax.f32 v37, v13;
	v26 =	vmin.f32 v39, v40  }
0x25c: {  	v23 =	vmax.f32 v35, v36;
	v13 =	vmin.f32 v37, v13;
	v24 =	vmax.f32 v39, v40  }
0x25d: {  	v22 =	vmax.f32 v11, v0;
	v0 =	vmin.f32 v11, v0;
	v11 =	vmax.f32 v16, v15  }
0x25e: {  	v15 =	vmin.f32 v16, v15;
	v16 =	vmax.f32 v14, v18;
	v14 =	vmin.f32 v14, v18  }
0x25f: {  	v18 =	vmax.f32 v22, v11;
	v25 =	vmax.f32 v1, v12;
	v35 =	vmin.f32 v1, v12  }
0x260: {  	v1 =	vmin.f32 v0, v15;
	v21 =	vmax.f32 v16, v25;
	v12 =	vmin.f32 v14, v35  }
.Ltmp5:
0x261: {  	v11 =	vmin.f32 v22, v11;
	v0 =	vmax.f32 v0, v15;
	v15 =	vmin.f32 v16, v25;
	(pc) =	sbr.rel @p0 .LBB2_14-.Ltmp5, $4  }
0x262: {  	v16 =	vmax.f32 v0, v20;
	v22 =	vmin.f32 v0, v20;
	v0 =	vmax.f32 v14, v35  }
0x263: {  	v37 =	vmax.f32 v23, v11;
	v36 =	vmin.f32 v23, v11;
	v23 =	vmax.f32 v0, v13  }
0x264: {  	v14 =	vmin.f32 v0, v13;
	v35 =	vmax.f32 v24, v15;
	v20 =	vmin.f32 v24, v15  }
0x265: {  	s19 =	sadd.s32 $0x1000, s19;
	v0 =	vmax.f32 v18, v16;
	v11 =	vmin.f32 v18, v16;
	v13 =	vmax.f32 v37, v22  }
0x266: {  	v15 =	vmin.f32 v37, v22  }
0x267: {  	v16 =	vmax.f32 v36, v1;
	v1 =	vmin.f32 v36, v1;
	v18 =	vmax.f32 v21, v23  }
0x268: {  	v21 =	vmin.f32 v21, v23;
	v22 =	vmax.f32 v35, v14;
	v14 =	vmin.f32 v35, v14  }
0x269: {  	v23 =	vmax.f32 v20, v12;
	v12 =	vmin.f32 v20, v12;
	v9 =	vmax.f32 v51, v9  }
0x26a: {  	v17 =	vmax.f32 v19, v17;
	v13 =	vmax.f32 v54, v13;
	v11 =	vmax.f32 v55, v11  }
0x26b: {  	v0 =	vmax.f32 v56, v0;
	v10 =	vmax.f32 v27, v10;
	v1 =	vmax.f32 v52, v1  }
0x26c: {  	v16 =	vmax.f32 v50, v16;
	v15 =	vmax.f32 v53, v15;
	v20 =	vmin.f32 v9, v13  }
0x26d: {  	v9 =	vmax.f32 v9, v13;
	v12 =	vmax.f32 v6, v12;
	v23 =	vmax.f32 v2, v23  }
0x26e: {  	v14 =	vmax.f32 v3, v14;
	v22 =	vmax.f32 v4, v22;
	v21 =	vmax.f32 v28, v21  }
0x26f: {  	v18 =	vmax.f32 v7, v18;
	v53 =	vmin.f32 v1, v11;
	v36 =	vmin.f32 v16, v0  }
0x270: {  	v37 =	vmin.f32 v15, v17;
	v1 =	vmax.f32 v1, v11;
	v0 =	vmax.f32 v16, v0  }
0x271: {  	s19 =	simm.s32 $0x0;
	v25 =	vmin.f32 v12, v21;
	v13 =	vmin.f32 v20, v36;
	v39 =	vmin.f32 v53, v37  }
0x272: {  	v40 =	vld [tilespmem:s19+$0x8140];
	v27 =	vmin.f32 v23, v18;
	v28 =	vmin.f32 v14, v10;
	v11 =	vmin.f32 v13, v39  }
0x273: {  	v41 =	vld [tilespmem:s19+$0x81C0];
	v12 =	vmax.f32 v12, v21;
	v18 =	vmax.f32 v23, v18;
	[tilespmem:$0x1FE80] =	vst v11;
	v11 =	vmax.f32 v5, v26  }
0x274: {  	v42 =	vld [tilespmem:s19+$0x8240];
	v10 =	vmax.f32 v14, v10;
	v24 =	vmin.f32 v11, v22;
	v11 =	vmax.f32 v11, v22  }
0x275: {  	v16 =	vld [tilespmem:s19+$0x8040];
	v50 =	vmin.f32 v25, v28;
	v22 =	vmin.f32 v24, v27;
	v14 =	vmax.f32 v11, v18  }
0x276: {  	v26 =	vld [tilespmem:s19+$0x80C0];
	v11 =	vmin.f32 v11, v18;
	v18 =	vmax.f32 v12, v10;
	v23 =	vmin.f32 v22, v50  }
0x277: {  	v35 =	vld [tilespmem:s19+$0x8050];
	v10 =	vmin.f32 v12, v10;
	v19 =	vmax.f32 v14, v18;
	v14 =	vmin.f32 v14, v18;
	[tilespmem:$0x1FFA0] =	vst v23  }
0x278: {  	v21 =	vld [tilespmem:s19+$0x82C0];
	v56 =	vmax.f32 v25, v28;
	v51 =	vmax.f32 v24, v27;
	[tilespmem:$0x1FFC0] =	vst v14;
	v14 =	vmax.f32 v11, v10  }
0x279: {  	v12 =	vld [tilespmem:s19+$0x83C0];
	v10 =	vmin.f32 v11, v10;
	v11 =	vmax.f32 v51, v56;
	[tilespmem:$0x1FFB0] =	vst v14  }
0x27a: {  	v18 =	vld [tilespmem:s19+$0x8250];
	[tilespmem:$0x1FEE0] =	vst v11;
	v11 =	vmax.f32 v15, v17;
	v14 =	vmin.f32 v51, v56  }
0x27b: {  	v23 =	vld [tilespmem:s19+$0x8340];
	[tilespmem:$0x1FEF0] =	vst v10;
	v15 =	vmax.f32 v22, v50;
	v51 =	vmax.f32 v13, v39;
	v13 =	vmin.f32 v16, v26  }
0x27c: {  	v10 =	vld [tilespmem:s19+$0x80D0];
	[tilespmem:$0x1FEB0] =	vst v15;
	v15 =	vmax.f32 v9, v0;
	v0 =	vmin.f32 v9, v0;
	v17 =	vmax.f32 v1, v11  }
0x27d: {  	[tilespmem:$0x1FED0] =	vst v14;
	v14 =	vld [tilespmem:s19+$0x8150];
	v1 =	vmin.f32 v1, v11;
	v11 =	vmax.f32 v20, v36;
	v20 =	vmax.f32 v53, v37  }
0x27e: {  	v9 =	vld [tilespmem:s19+$0x81D0];
	v56 =	vmax.f32 v15, v17;
	v55 =	vmin.f32 v15, v17;
	v54 =	vmax.f32 v0, v1  }
0x27f: {  	v15 =	vld [tilespmem:s19+$0x82D0];
	v53 =	vmin.f32 v0, v1;
	v52 =	vmax.f32 v11, v20;
	v50 =	vmin.f32 v11, v20  }
0x280: {  	v0 =	vld [tilespmem:s19+$0x8350];
	v1 =	vmax.f32 v16, v26;
	v16 =	vmax.f32 v40, v41;
	v17 =	vmin.f32 v40, v41  }
0x281: {  	v11 =	vld [tilespmem:s19+$0x83D0];
	v20 =	vmax.f32 v42, v21;
	v21 =	vmin.f32 v42, v21;
	v22 =	vmax.f32 v23, v12  }
0x282: {  	v12 =	vmin.f32 v23, v12;
	v23 =	vmax.f32 v35, v10;
	v10 =	vmin.f32 v35, v10  }
0x283: {  	v35 =	vmin.f32 v13, v17;
	v36 =	vmax.f32 v20, v22;
	v37 =	vmin.f32 v21, v12  }
0x284: {  	v13 =	vmax.f32 v13, v17;
	v17 =	vmin.f32 v20, v22;
	v20 =	vmax.f32 v21, v12  }
0x285: {  	v26 =	vmax.f32 v14, v9;
	v9 =	vmin.f32 v14, v9;
	v14 =	vmax.f32 v18, v15  }
0x286: {  	v15 =	vmin.f32 v18, v15;
	v18 =	vmax.f32 v0, v11;
	v0 =	vmin.f32 v0, v11  }
0x287: {  	v11 =	vmax.f32 v1, v16;
	v39 =	vmax.f32 v23, v26;
	v40 =	vmin.f32 v10, v9  }
0x288: {  	v1 =	vmin.f32 v1, v16;
	v21 =	vmin.f32 v23, v26;
	v22 =	vmax.f32 v10, v9  }
0x289: {  	v9 =	vmin.f32 v35, v37;
	v16 =	vmax.f32 v14, v18;
	v41 =	vmin.f32 v15, v0  }
0x28a: {  	v14 =	vmin.f32 v14, v18;
	v12 =	vmax.f32 v11, v36;
	v0 =	vmax.f32 v15, v0  }
0x28b: {  	v11 =	vmin.f32 v11, v36;
	v15 =	vmax.f32 v35, v37;
	v23 =	vmax.f32 v13, v1  }
0x28c: {  	v13 =	vmin.f32 v13, v1;
	v35 =	vmax.f32 v20, v17;
	v20 =	vmin.f32 v20, v17  }
0x28d: {  	v2 =	vld [tilespmem:$0x1FC40];
	v36 =	vmax.f32 v22, v21;
	v22 =	vmin.f32 v22, v21;
	v10 =	vmax.f32 v39, v16  }
0x28e: {  	v3 =	vld [tilespmem:$0x1FC50];
	v26 =	vmin.f32 v40, v41;
	v16 =	vmin.f32 v39, v16;
	v18 =	vmax.f32 v40, v41  }
0x28f: {  	v4 =	vld [tilespmem:$0x1FC60];
	v39 =	vmax.f32 v23, v35;
	v42 =	vmax.f32 v0, v14;
	v0 =	vmin.f32 v0, v14  }
0x290: {  	v6 =	vld [tilespmem:$0x1FC30];
	v1 =	vmin.f32 v13, v20;
	v14 =	vmin.f32 v23, v35;
	v13 =	vmax.f32 v13, v20  }
0x291: {  	v7 =	vld [tilespmem:$0x1FC80];
	v21 =	vmax.f32 v36, v42;
	v17 =	vmin.f32 v22, v0;
	v20 =	vmin.f32 v36, v42  }
0x292: {  	v28 =	vld [tilespmem:$0x1FC10];
	v40 =	vmax.f32 v13, v11;
	v35 =	vmin.f32 v13, v11;
	v0 =	vmax.f32 v22, v0  }
0x293: {  	v5 =	vld [tilespmem:$0x1FC20];
	v37 =	vmax.f32 v15, v14;
	v36 =	vmin.f32 v15, v14;
	v22 =	vmax.f32 v0, v16  }
0x294: {  	[tilespmem:$0x1FB30] =	vst v19;
	v19 =	vld [tilespmem:$0x1FC00];
	v14 =	vmin.f32 v0, v16;
	v23 =	vmax.f32 v18, v20;
	v20 =	vmin.f32 v18, v20  }
0x295: {  	s20 =	simm.s32 $0x1000;
	v42 =	vld [tilespmem:$0x1FC70];
	v0 =	vmax.f32 v39, v40;
	v11 =	vmin.f32 v39, v40;
	v13 =	vmax.f32 v37, v35  }
.LBB2_16:
0x296: {  	p0 =	sne.s32 s20, $0x1F000;
	v15 =	vmin.f32 v37, v35;
	v16 =	vmax.f32 v36, v1;
	v1 =	vmin.f32 v36, v1  }
0x297: {  	v18 =	vmax.f32 v21, v22;
	v21 =	vmin.f32 v21, v22;
	v22 =	vmax.f32 v23, v14  }
0x298: {  	v14 =	vmin.f32 v23, v14;
	v23 =	vmax.f32 v20, v17;
	v17 =	vmin.f32 v20, v17  }
0x299: {  	v9 =	vmax.f32 v44, v9;
	v12 =	vmax.f32 v19, v12;
	v1 =	vmax.f32 v45, v1  }
0x29a: {  	v13 =	vmax.f32 v47, v13;
	v16 =	vmax.f32 v43, v16;
	v15 =	vmax.f32 v46, v15  }
0x29b: {  	v11 =	vmax.f32 v48, v11;
	v0 =	vmax.f32 v49, v0;
	v20 =	vmin.f32 v9, v13  }
0x29c: {  	v35 =	vmin.f32 v1, v11;
	v36 =	vmin.f32 v16, v0;
	v37 =	vmin.f32 v15, v12  }
0x29d: {  	v9 =	vmax.f32 v9, v13;
	v13 =	vmin.f32 v20, v36;
	v39 =	vmin.f32 v35, v37  }
0x29e: {  	s21 =	sshra.s32 s20, $0x2;
	v1 =	vmax.f32 v1, v11;
	v0 =	vmax.f32 v16, v0;
	v46 =	vmin.f32 v13, v39  }
0x29f: {  	v10 =	vmax.f32 v28, v10;
	v17 =	vmax.f32 v6, v17;
	v16 =	vmax.f32 v5, v26;
	v11 =	vld [tilespmem:s21+$0x8040]  }
0x2a0: {  	v23 =	vmax.f32 v2, v23;
	v14 =	vmax.f32 v3, v14;
	v22 =	vmax.f32 v4, v22;
	v26 =	vld [tilespmem:s21+$0x80C0]  }
0x2a1: {  	v21 =	vmax.f32 v42, v21;
	v18 =	vmax.f32 v7, v18;
	v19 =	vmin.f32 v16, v22;
	v40 =	vld [tilespmem:s21+$0x8140]  }
0x2a2: {  	v42 =	vmin.f32 v17, v21;
	v43 =	vmin.f32 v23, v18;
	v44 =	vmin.f32 v14, v10;
	v41 =	vld [tilespmem:s21+$0x81C0]  }
0x2a3: {  	v16 =	vmax.f32 v16, v22;
	v45 =	vmin.f32 v42, v44;
	v22 =	vmin.f32 v19, v43;
	v24 =	vld [tilespmem:s21+$0x8240]  }
0x2a4: {  	v17 =	vmax.f32 v17, v21;
	v18 =	vmax.f32 v23, v18;
	v28 =	vmin.f32 v22, v45;
	v25 =	vld [tilespmem:s21+$0x82C0]  }
0x2a5: {  	v10 =	vmax.f32 v14, v10;
	v14 =	vmax.f32 v16, v18;
	v16 =	vmin.f32 v16, v18;
	v21 =	vld [tilespmem:s21+$0x8340]  }
0x2a6: {  	v23 =	vmax.f32 v17, v10;
	v10 =	vmin.f32 v17, v10;
	v17 =	vmax.f32 v19, v43;
	v18 =	vld [tilespmem:s21+$0x83C0]  }
0x2a7: {  	v7 =	vmax.f32 v42, v44;
	v5 =	vmax.f32 v14, v23;
	v6 =	vmin.f32 v14, v23;
	v27 =	vld [tilespmem:s21+$0x8050]  }
0x2a8: {  	v2 =	vmax.f32 v16, v10;
	v3 =	vmin.f32 v16, v10;
	v4 =	vmax.f32 v17, v7;
	v14 =	vld [tilespmem:s21+$0x80D0]  }
0x2a9: {  	v12 =	vmax.f32 v15, v12;
	v42 =	vmin.f32 v17, v7;
	v7 =	vmax.f32 v22, v45;
	v19 =	vmovc v46;
	v10 =	vld [tilespmem:s21+$0x8150]  }
0x2aa: {  	v16 =	vmax.f32 v9, v0;
	v0 =	vmin.f32 v9, v0;
	v9 =	vmax.f32 v1, v12;
	v15 =	vld [tilespmem:s21+$0x81D0]  }
0x2ab: {  	v1 =	vmin.f32 v1, v12;
	v12 =	vmax.f32 v20, v36;
	v20 =	vmax.f32 v35, v37;
	v17 =	vld [tilespmem:s21+$0x8250]  }
0x2ac: {  	v44 =	vmax.f32 v16, v9;
	v45 =	vmin.f32 v16, v9;
	v43 =	vmax.f32 v0, v1;
	v22 =	vld [tilespmem:s21+$0x82D0]  }
0x2ad: {  	v46 =	vmin.f32 v0, v1;
	v47 =	vmax.f32 v12, v20;
	v48 =	vmin.f32 v12, v20;
	v9 =	vld [tilespmem:s21+$0x8350]  }
0x2ae: {  	v49 =	vmax.f32 v13, v39;
	v0 =	vmax.f32 v11, v26;
	v1 =	vld [tilespmem:s21+$0x83D0]  }
0x2af: {  	v11 =	vmin.f32 v11, v26;
	v12 =	vmax.f32 v40, v41;
	v13 =	vmin.f32 v40, v41  }
0x2b0: {  	v16 =	vmax.f32 v24, v25;
	v20 =	vmin.f32 v24, v25;
	v23 =	vmax.f32 v21, v18  }
0x2b1: {  	v18 =	vmin.f32 v21, v18;
	v21 =	vmax.f32 v27, v14;
	v14 =	vmin.f32 v27, v14  }
0x2b2: {  	v24 =	vmax.f32 v10, v15;
	v10 =	vmin.f32 v10, v15;
	v15 =	vmax.f32 v17, v22  }
0x2b3: {  	v17 =	vmin.f32 v17, v22;
	v22 =	vmax.f32 v9, v1;
	v1 =	vmin.f32 v9, v1  }
0x2b4: {  	v25 =	vmax.f32 v0, v12;
	v26 =	vmax.f32 v16, v23;
	v27 =	vmin.f32 v11, v13  }
0x2b5: {  	v35 =	vmin.f32 v20, v18;
	v36 =	vmax.f32 v21, v24;
	v37 =	vmin.f32 v14, v10  }
0x2b6: {  	v0 =	vmin.f32 v0, v12;
	v39 =	vmax.f32 v15, v22;
	v40 =	vmin.f32 v17, v1  }
0x2b7: {  	v11 =	vmax.f32 v11, v13;
	v13 =	vmin.f32 v16, v23;
	v16 =	vmax.f32 v20, v18  }
0x2b8: {  	v18 =	vmin.f32 v21, v24;
	v14 =	vmax.f32 v14, v10;
	v15 =	vmin.f32 v15, v22  }
0x2b9: {  	v12 =	vmax.f32 v25, v26;
	v9 =	vmin.f32 v27, v35;
	v1 =	vmax.f32 v17, v1  }
0x2ba: {  	v20 =	vmin.f32 v25, v26;
	v10 =	vmax.f32 v36, v39;
	v26 =	vmin.f32 v37, v40  }
0x2bb: {  	v22 =	vmax.f32 v27, v35;
	v23 =	vmin.f32 v36, v39;
	v24 =	vmax.f32 v37, v40  }
0x2bc: {  	v25 =	vmax.f32 v11, v0;
	v0 =	vmin.f32 v11, v0;
	v11 =	vmax.f32 v16, v13  }
0x2bd: {  	v13 =	vmin.f32 v16, v13;
	v16 =	vmax.f32 v14, v18;
	v14 =	vmin.f32 v14, v18  }
0x2be: {  	v18 =	vmax.f32 v25, v11;
	v27 =	vmax.f32 v1, v15;
	v15 =	vmin.f32 v1, v15  }
0x2bf: {  	v1 =	vmin.f32 v0, v13;
	v21 =	vmax.f32 v16, v27;
	v17 =	vmin.f32 v14, v15  }
.Ltmp6:
0x2c0: {  	v11 =	vmin.f32 v25, v11;
	v0 =	vmax.f32 v0, v13;
	v13 =	vmin.f32 v16, v27;
	(pc) =	sbr.rel @p0 .LBB2_16-.Ltmp6, $4  }
0x2c1: {  	v16 =	vmax.f32 v0, v20;
	v35 =	vmin.f32 v0, v20;
	v0 =	vmax.f32 v14, v15  }
0x2c2: {  	v37 =	vmax.f32 v22, v11;
	v36 =	vmin.f32 v22, v11;
	v22 =	vmax.f32 v0, v23  }
0x2c3: {  	v14 =	vmin.f32 v0, v23;
	v23 =	vmax.f32 v24, v13;
	v20 =	vmin.f32 v24, v13  }
0x2c4: {  	s20 =	sadd.s32 $0x1000, s20;
	v0 =	vmax.f32 v18, v16;
	v11 =	vmin.f32 v18, v16;
	v13 =	vmax.f32 v37, v35  }
0x2c5: {  	v15 =	vmin.f32 v37, v35  }
0x2c6: {  	v16 =	vmax.f32 v36, v1;
	v1 =	vmin.f32 v36, v1;
	v18 =	vmax.f32 v21, v22  }
0x2c7: {  	v21 =	vmin.f32 v21, v22;
	v22 =	vmax.f32 v23, v14;
	v14 =	vmin.f32 v23, v14  }
0x2c8: {  	v23 =	vmax.f32 v20, v17;
	v17 =	vmin.f32 v20, v17;
	v9 =	vmax.f32 v44, v9  }
0x2c9: {  	v12 =	vmax.f32 v19, v12;
	v13 =	vmax.f32 v47, v13;
	v11 =	vmax.f32 v48, v11  }
0x2ca: {  	v0 =	vmax.f32 v49, v0;
	v10 =	vmax.f32 v28, v10;
	v1 =	vmax.f32 v45, v1  }
0x2cb: {  	v16 =	vmax.f32 v43, v16;
	v15 =	vmax.f32 v46, v15;
	v20 =	vmin.f32 v9, v13  }
0x2cc: {  	v9 =	vmax.f32 v9, v13;
	v23 =	vmax.f32 v2, v23;
	v14 =	vmax.f32 v3, v14  }
0x2cd: {  	v22 =	vmax.f32 v4, v22;
	v21 =	vmax.f32 v42, v21;
	v18 =	vmax.f32 v7, v18  }
0x2ce: {  	v24 =	vmin.f32 v1, v11;
	v25 =	vmin.f32 v16, v0;
	v27 =	vmin.f32 v15, v12  }
0x2cf: {  	v1 =	vmax.f32 v1, v11;
	v0 =	vmax.f32 v16, v0;
	v16 =	vmax.f32 v6, v17  }
0x2d0: {  	v39 =	vmin.f32 v23, v18;
	v13 =	vmin.f32 v20, v25;
	v35 =	vmin.f32 v24, v27  }
0x2d1: {  	v36 =	vld [tilespmem:s19+$0x8160];
	v41 =	vmin.f32 v14, v10;
	v18 =	vmax.f32 v23, v18;
	v11 =	vmin.f32 v13, v35  }
0x2d2: {  	v40 =	vld [tilespmem:s19+$0x81E0];
	v10 =	vmax.f32 v14, v10;
	v48 =	vmin.f32 v16, v21;
	[tilespmem:$0x1FE60] =	vst v11;
	v11 =	vmax.f32 v5, v26  }
0x2d3: {  	v42 =	vld [tilespmem:s19+$0x8260];
	v16 =	vmax.f32 v16, v21;
	v19 =	vmin.f32 v11, v22;
	v11 =	vmax.f32 v11, v22  }
0x2d4: {  	v17 =	vld [tilespmem:s19+$0x8060];
	v49 =	vmin.f32 v48, v41;
	v22 =	vmin.f32 v19, v39;
	v14 =	vmax.f32 v11, v18  }
0x2d5: {  	v21 =	vld [tilespmem:s19+$0x82E0];
	v11 =	vmin.f32 v11, v18;
	v18 =	vmax.f32 v16, v10;
	v23 =	vmin.f32 v22, v49  }
0x2d6: {  	v26 =	vld [tilespmem:s19+$0x80E0];
	v39 =	vmax.f32 v19, v39;
	v19 =	vmax.f32 v14, v18;
	[tilespmem:$0x1FE50] =	vst v23  }
0x2d7: {  	v37 =	vmax.f32 v48, v41;
	v41 =	vld [tilespmem:s19+$0x8070];
	v10 =	vmin.f32 v16, v10;
	v14 =	vmin.f32 v14, v18;
	[tilespmem:$0x1FEA0] =	vst v19  }
0x2d8: {  	v16 =	vld [tilespmem:s19+$0x83E0];
	v2 =	vmin.f32 v11, v10;
	[tilespmem:$0x1FE90] =	vst v14;
	v19 =	vmax.f32 v11, v10;
	v11 =	vmax.f32 v39, v37  }
0x2d9: {  	v44 =	vmax.f32 v13, v35;
	v18 =	vld [tilespmem:s19+$0x8270];
	v14 =	vmax.f32 v22, v49;
	[tilespmem:$0x1FE70] =	vst v11  }
0x2da: {  	v23 =	vld [tilespmem:s19+$0x8360];
	v11 =	vmax.f32 v15, v12;
	v12 =	vmin.f32 v39, v37;
	[tilespmem:$0x1FF70] =	vst v14;
	v14 =	vmax.f32 v9, v0  }
0x2db: {  	v10 =	vld [tilespmem:s19+$0x80F0];
	v0 =	vmin.f32 v9, v0;
	v13 =	vmin.f32 v17, v26;
	v15 =	vmax.f32 v1, v11  }
0x2dc: {  	v9 =	vld [tilespmem:s19+$0x81F0];
	v1 =	vmin.f32 v1, v11;
	v11 =	vmax.f32 v20, v25;
	v20 =	vmax.f32 v24, v27  }
0x2dd: {  	[tilespmem:$0x1FF80] =	vst v12;
	v12 =	vld [tilespmem:s19+$0x8170];
	v49 =	vmax.f32 v14, v15;
	v48 =	vmin.f32 v14, v15;
	v47 =	vmax.f32 v0, v1  }
0x2de: {  	v14 =	vld [tilespmem:s19+$0x82F0];
	v46 =	vmin.f32 v0, v1;
	v45 =	vmax.f32 v11, v20;
	v43 =	vmin.f32 v11, v20  }
0x2df: {  	v0 =	vld [tilespmem:s19+$0x8370];
	v1 =	vmax.f32 v17, v26;
	v15 =	vmax.f32 v36, v40;
	v17 =	vmin.f32 v36, v40  }
0x2e0: {  	v11 =	vld [tilespmem:s19+$0x83F0];
	v20 =	vmax.f32 v42, v21;
	v21 =	vmin.f32 v42, v21;
	v25 =	vmin.f32 v13, v17  }
0x2e1: {  	v13 =	vmax.f32 v13, v17;
	v22 =	vmax.f32 v23, v16;
	v16 =	vmin.f32 v23, v16  }
0x2e2: {  	v23 =	vmax.f32 v41, v10;
	v10 =	vmin.f32 v41, v10;
	v26 =	vmax.f32 v20, v22  }
0x2e3: {  	v27 =	vmin.f32 v21, v16;
	v17 =	vmin.f32 v20, v22;
	v16 =	vmax.f32 v21, v16  }
0x2e4: {  	v24 =	vmax.f32 v12, v9;
	v9 =	vmin.f32 v12, v9;
	v12 =	vmax.f32 v18, v14  }
0x2e5: {  	v14 =	vmin.f32 v18, v14;
	v18 =	vmax.f32 v0, v11;
	v0 =	vmin.f32 v0, v11  }
0x2e6: {  	v11 =	vmax.f32 v1, v15;
	v42 =	vmax.f32 v23, v24;
	v40 =	vmin.f32 v10, v9  }
0x2e7: {  	v1 =	vmin.f32 v1, v15;
	v20 =	vmin.f32 v23, v24;
	v21 =	vmax.f32 v10, v9  }
0x2e8: {  	v9 =	vmin.f32 v25, v27;
	v23 =	vmax.f32 v16, v17;
	v16 =	vmin.f32 v16, v17  }
0x2e9: {  	v15 =	vmax.f32 v12, v18;
	v41 =	vmin.f32 v14, v0;
	v18 =	vmin.f32 v12, v18  }
0x2ea: {  	v12 =	vmax.f32 v11, v26;
	v0 =	vmax.f32 v14, v0;
	v11 =	vmin.f32 v11, v26  }
0x2eb: {  	v14 =	vmax.f32 v25, v27;
	v22 =	vmax.f32 v13, v1;
	v13 =	vmin.f32 v13, v1  }
0x2ec: {  	v25 =	vmax.f32 v21, v20;
	v20 =	vmin.f32 v21, v20;
	v10 =	vmax.f32 v42, v15  }
0x2ed: {  	v28 =	vld [tilespmem:$0x1FB60];
	v26 =	vmin.f32 v40, v41;
	v15 =	vmin.f32 v42, v15;
	v24 =	vmax.f32 v40, v41  }
0x2ee: {  	v3 =	vld [tilespmem:$0x1FBB0];
	v27 =	vmax.f32 v22, v23;
	v42 =	vmax.f32 v0, v18;
	v0 =	vmin.f32 v0, v18  }
0x2ef: {  	v4 =	vld [tilespmem:$0x1FB80];
	v1 =	vmin.f32 v13, v16;
	v18 =	vmin.f32 v22, v23;
	v13 =	vmax.f32 v13, v16  }
0x2f0: {  	v7 =	vld [tilespmem:$0x1FBD0];
	v21 =	vmax.f32 v25, v42;
	v17 =	vmin.f32 v20, v0;
	v16 =	vmin.f32 v25, v42  }
0x2f1: {  	v6 =	vld [tilespmem:$0x1FB90];
	v25 =	vmax.f32 v13, v11;
	v22 =	vmin.f32 v13, v11;
	v0 =	vmax.f32 v20, v0  }
0x2f2: {  	v5 =	vld [tilespmem:$0x1FBC0];
	v37 =	vmax.f32 v14, v18;
	v36 =	vmin.f32 v14, v18;
	v23 =	vmax.f32 v0, v15  }
0x2f3: {  	[tilespmem:$0x1FF90] =	vst v2;
	v2 =	vld [tilespmem:$0x1FBA0];
	v20 =	vmin.f32 v0, v15;
	v35 =	vmax.f32 v24, v16;
	v14 =	vmin.f32 v24, v16  }
0x2f4: {  	s19 =	simm.s32 $0x1000;
	v41 =	vld [tilespmem:$0x1FB70];
	v0 =	vmax.f32 v27, v25;
	v11 =	vmin.f32 v27, v25;
	v13 =	vmax.f32 v37, v22  }
.LBB2_18:
0x2f5: {  	p0 =	seq.s32 s19, $0x1F000;
	v15 =	vmin.f32 v37, v22;
	v16 =	vmax.f32 v36, v1;
	v1 =	vmin.f32 v36, v1  }
0x2f6: {  	v18 =	vmax.f32 v21, v23;
	v21 =	vmin.f32 v21, v23;
	v22 =	vmax.f32 v35, v20  }
0x2f7: {  	v20 =	vmin.f32 v35, v20;
	v23 =	vmax.f32 v14, v17;
	v14 =	vmin.f32 v14, v17  }
0x2f8: {  	v9 =	vmax.f32 v30, v9;
	v12 =	vmax.f32 v28, v12;
	v1 =	vmax.f32 v31, v1  }
0x2f9: {  	v13 =	vmax.f32 v33, v13;
	v16 =	vmax.f32 v29, v16;
	v15 =	vmax.f32 v32, v15  }
0x2fa: {  	v11 =	vmax.f32 v34, v11;
	v0 =	vmax.f32 v38, v0;
	v17 =	vmin.f32 v9, v13  }
0x2fb: {  	v24 =	vmin.f32 v1, v11;
	v25 =	vmin.f32 v16, v0;
	v27 =	vmin.f32 v15, v12  }
0x2fc: {  	v9 =	vmax.f32 v9, v13;
	v13 =	vmin.f32 v17, v25;
	v35 =	vmin.f32 v24, v27  }
0x2fd: {  	s20 =	sshra.s32 s19, $0x2;
	v1 =	vmax.f32 v1, v11;
	v0 =	vmax.f32 v16, v0;
	v28 =	vmin.f32 v13, v35  }
0x2fe: {  	v4 =	vmax.f32 v4, v26;
	v10 =	vmax.f32 v41, v10;
	v6 =	vmax.f32 v6, v14;
	v11 =	vld [tilespmem:s20+$0x8060]  }
0x2ff: {  	v2 =	vmax.f32 v2, v23;
	v3 =	vmax.f32 v3, v20;
	v5 =	vmax.f32 v5, v22;
	v14 =	vld [tilespmem:s20+$0x80E0]  }
0x300: {  	v7 =	vmax.f32 v7, v21;
	v8 =	vmax.f32 v8, v18;
	v18 =	vmin.f32 v4, v5;
	v16 =	vld [tilespmem:s20+$0x8160]  }
0x301: {  	v21 =	vmin.f32 v6, v7;
	v22 =	vmin.f32 v2, v8;
	v23 =	vmin.f32 v3, v10;
	v20 =	vld [tilespmem:s20+$0x81E0]  }
0x302: {  	v4 =	vmax.f32 v4, v5;
	v29 =	vmin.f32 v18, v22;
	v30 =	vmin.f32 v21, v23;
	v26 =	vld [tilespmem:s20+$0x8260]  }
0x303: {  	v5 =	vmax.f32 v6, v7;
	v2 =	vmax.f32 v2, v8;
	v41 =	vmin.f32 v29, v30;
	v36 =	vld [tilespmem:s20+$0x82E0]  }
0x304: {  	v3 =	vmax.f32 v3, v10;
	v6 =	vmax.f32 v4, v2;
	v7 =	vmin.f32 v4, v2;
	v37 =	vld [tilespmem:s20+$0x8360]  }
0x305: {  	v2 =	vmax.f32 v5, v3;
	v3 =	vmin.f32 v5, v3;
	v8 =	vmax.f32 v18, v22;
	v10 =	vld [tilespmem:s20+$0x83E0]  }
0x306: {  	v21 =	vmax.f32 v21, v23;
	v4 =	vmax.f32 v6, v2;
	v6 =	vmin.f32 v6, v2;
	v18 =	vld [tilespmem:s20+$0x8070]  }
0x307: {  	v2 =	vmax.f32 v7, v3;
	v3 =	vmin.f32 v7, v3;
	v5 =	vmax.f32 v8, v21;
	v22 =	vld [tilespmem:s20+$0x80F0]  }
0x308: {  	v12 =	vmax.f32 v15, v12;
	v7 =	vmin.f32 v8, v21;
	v8 =	vmax.f32 v29, v30;
	v23 =	vld [tilespmem:s20+$0x8170]  }
0x309: {  	v21 =	vmax.f32 v9, v0;
	v0 =	vmin.f32 v9, v0;
	v9 =	vmax.f32 v1, v12;
	v15 =	vld [tilespmem:s20+$0x81F0]  }
0x30a: {  	v1 =	vmin.f32 v1, v12;
	v12 =	vmax.f32 v17, v25;
	v17 =	vmax.f32 v24, v27;
	v39 =	vld [tilespmem:s20+$0x8270]  }
0x30b: {  	v30 =	vmax.f32 v21, v9;
	v31 =	vmin.f32 v21, v9;
	v29 =	vmax.f32 v0, v1;
	v24 =	vld [tilespmem:s20+$0x82F0]  }
0x30c: {  	v32 =	vmin.f32 v0, v1;
	v33 =	vmax.f32 v12, v17;
	v34 =	vmin.f32 v12, v17;
	v9 =	vld [tilespmem:s20+$0x8370]  }
0x30d: {  	v38 =	vmax.f32 v13, v35;
	v0 =	vmax.f32 v11, v14;
	v1 =	vld [tilespmem:s20+$0x83F0]  }
0x30e: {  	v11 =	vmin.f32 v11, v14;
	v12 =	vmax.f32 v16, v20;
	v13 =	vmin.f32 v16, v20  }
0x30f: {  	v14 =	vmax.f32 v26, v36;
	v16 =	vmin.f32 v26, v36;
	v17 =	vmax.f32 v37, v10  }
0x310: {  	v10 =	vmin.f32 v37, v10;
	v20 =	vmax.f32 v18, v22;
	v18 =	vmin.f32 v18, v22  }
0x311: {  	v21 =	vmax.f32 v23, v15;
	v15 =	vmin.f32 v23, v15;
	v22 =	vmax.f32 v39, v24  }
0x312: {  	v23 =	vmin.f32 v39, v24;
	v24 =	vmax.f32 v9, v1;
	v1 =	vmin.f32 v9, v1  }
0x313: {  	v25 =	vmax.f32 v0, v12;
	v27 =	vmin.f32 v11, v13;
	v26 =	vmax.f32 v14, v17  }
0x314: {  	v35 =	vmin.f32 v16, v10;
	v36 =	vmax.f32 v20, v21;
	v37 =	vmin.f32 v18, v15  }
0x315: {  	v0 =	vmin.f32 v0, v12;
	v39 =	vmax.f32 v22, v24;
	v40 =	vmin.f32 v23, v1  }
0x316: {  	v11 =	vmax.f32 v11, v13;
	v13 =	vmin.f32 v14, v17;
	v14 =	vmax.f32 v16, v10  }
0x317: {  	v16 =	vmin.f32 v20, v21;
	v15 =	vmax.f32 v18, v15;
	v17 =	vmin.f32 v22, v24  }
0x318: {  	v12 =	vmax.f32 v25, v26;
	v9 =	vmin.f32 v27, v35;
	v1 =	vmax.f32 v23, v1  }
0x319: {  	v18 =	vmin.f32 v25, v26;
	v10 =	vmax.f32 v36, v39;
	v26 =	vmin.f32 v37, v40  }
0x31a: {  	v20 =	vmax.f32 v27, v35;
	v24 =	vmin.f32 v36, v39;
	v25 =	vmax.f32 v37, v40  }
0x31b: {  	v22 =	vmax.f32 v11, v0;
	v0 =	vmin.f32 v11, v0;
	v11 =	vmax.f32 v14, v13  }
0x31c: {  	v13 =	vmin.f32 v14, v13;
	v14 =	vmax.f32 v15, v16;
	v15 =	vmin.f32 v15, v16  }
0x31d: {  	v16 =	vmax.f32 v22, v11;
	v23 =	vmax.f32 v1, v17;
	v27 =	vmin.f32 v1, v17  }
0x31e: {  	v1 =	vmin.f32 v0, v13;
	v21 =	vmax.f32 v14, v23;
	v17 =	vmin.f32 v15, v27  }
.Ltmp7:
0x31f: {  	v11 =	vmin.f32 v22, v11;
	v0 =	vmax.f32 v0, v13;
	v13 =	vmin.f32 v14, v23;
	(pc) =	sbr.rel @!p0 .LBB2_18-.Ltmp7, $4  }
0x320: {  	v39 =	vmax.f32 v0, v18;
	v22 =	vmin.f32 v0, v18;
	v0 =	vmax.f32 v15, v27  }
0x321: {  	v37 =	vmax.f32 v20, v11;
	v36 =	vmin.f32 v20, v11;
	v23 =	vmax.f32 v0, v24  }
0x322: {  	v20 =	vmin.f32 v0, v24;
	v35 =	vmax.f32 v25, v13;
	v14 =	vmin.f32 v25, v13  }
0x323: {  	s19 =	sadd.s32 $0x1000, s19;
	v0 =	vmax.f32 v16, v39;
	v11 =	vmin.f32 v16, v39;
	v13 =	vmax.f32 v37, v22  }
0x324: {  	v15 =	vmin.f32 v37, v22  }
0x325: {  	v16 =	vmax.f32 v36, v1;
	v37 =	vmin.f32 v36, v1;
	v18 =	vmax.f32 v21, v23  }
0x326: {  	v21 =	vmin.f32 v21, v23;
	v22 =	vmax.f32 v35, v20;
	v20 =	vmin.f32 v35, v20  }
0x327: {  	v23 =	vmax.f32 v14, v17;
	v14 =	vmin.f32 v14, v17;
	v9 =	vmax.f32 v30, v9  }
0x328: {  	v12 =	vmax.f32 v28, v12;
	v13 =	vmax.f32 v33, v13;
	v11 =	vmax.f32 v34, v11  }
0x329: {  	v0 =	vmax.f32 v38, v0;
	v4 =	vmax.f32 v4, v26;
	v10 =	vmax.f32 v41, v10  }
0x32a: {  	v1 =	vmax.f32 v31, v37;
	v16 =	vmax.f32 v29, v16;
	v15 =	vmax.f32 v32, v15  }
0x32b: {  	v17 =	vmin.f32 v9, v13;
	v9 =	vmax.f32 v9, v13;
	v6 =	vmax.f32 v6, v14  }
0x32c: {  	v2 =	vmax.f32 v2, v23;
	v3 =	vmax.f32 v3, v20;
	v5 =	vmax.f32 v5, v22  }
0x32d: {  	v7 =	vmax.f32 v7, v21;
	v8 =	vmax.f32 v8, v18;
	v24 =	vmin.f32 v1, v11  }
0x32e: {  	v25 =	vmin.f32 v16, v0;
	v27 =	vmin.f32 v15, v12;
	v1 =	vmax.f32 v1, v11  }
0x32f: {  	v0 =	vmax.f32 v16, v0;
	v11 =	vmin.f32 v4, v5;
	v14 =	vmin.f32 v6, v7  }
0x330: {  	v16 =	vmin.f32 v2, v8;
	v18 =	vmin.f32 v3, v10;
	v4 =	vmax.f32 v4, v5  }
0x331: {  	v6 =	vmax.f32 v6, v7;
	v2 =	vmax.f32 v2, v8;
	v3 =	vmax.f32 v3, v10  }
0x332: {  	v38 =	vmax.f32 v15, v12;
	v13 =	vmin.f32 v17, v25;
	v29 =	vmin.f32 v24, v27  }
0x333: {  	v5 =	vmin.f32 v11, v16;
	v20 =	vmin.f32 v14, v18;
	v7 =	vmax.f32 v4, v2  }
0x334: {  	v2 =	vmin.f32 v4, v2;
	v4 =	vmax.f32 v6, v3;
	v3 =	vmin.f32 v6, v3  }
0x335: {  	v6 =	vmax.f32 v11, v16;
	v8 =	vmax.f32 v14, v18;
	v39 =	vmax.f32 v17, v25  }
0x336: {  	v21 =	vmin.f32 v5, v20;
	v18 =	vmax.f32 v7, v4;
	v16 =	vmin.f32 v7, v4  }
0x337: {  	v14 =	vmax.f32 v2, v3;
	v11 =	vmin.f32 v2, v3;
	v10 =	vmax.f32 v6, v8  }
0x338: {  	v7 =	vmin.f32 v6, v8;
	v6 =	vmax.f32 v5, v20;
	v3 =	vmax.f32 v9, v0  }
0x339: {  	v0 =	vmin.f32 v9, v0;
	v4 =	vmax.f32 v1, v38;
	v1 =	vmin.f32 v1, v38  }
0x33a: {  	v5 =	vmax.f32 v24, v27;
	v42 =	vmax.f32 v13, v29;
	v9 =	vmax.f32 v3, v4  }
0x33b: {  	v8 =	vmin.f32 v3, v4;
	v4 =	vmax.f32 v0, v1;
	v0 =	vmin.f32 v0, v1;
	[tilespmem:$0x1FF30] =	vst v42  }
0x33c: {  	v28 =	vld [tilespmem:$0x1FB30];
	v40 =	vmax.f32 v39, v5;
	[tilespmem:$0x1FF60] =	vst v0  }
0x33d: {  	v41 =	vmin.f32 v39, v5;
	v42 =	vld [tilespmem:$0x1FB40];
	[tilespmem:$0x1FF50] =	vst v40  }
0x33e: {  	v30 =	vmin.f32 v13, v29;
	[tilespmem:$0x1FF40] =	vst v41;
	v41 =	vld [tilespmem:$0x1FB50]  }
0x33f: {  	v32 =	vld [tilespmem:$0x1FE50]  }
0x340: {  	v33 =	vld [tilespmem:$0x1FE60]  }
0x341: {  	v1 =	vld [tilespmem:$0x1FE70]  }
0x342: {  	v31 =	vld [tilespmem:$0x1FE80]  }
0x343: {  	v2 =	vld [tilespmem:$0x1FE90]  }
0x344: {  	v3 =	vld [tilespmem:$0x1FEA0]  }
0x345: {  	v24 =	vld [tilespmem:$0x1FEB0]  }
0x346: {  	v25 =	vld [tilespmem:$0x1FEC0]  }
0x347: {  	p0 =	seq.s32 s18, $0x10;
	v27 =	vld [tilespmem:$0x1FED0]  }
.Ltmp8:
0x348: {  	v34 =	vld [tilespmem:$0x1FEE0];
	(pc) =	sbr.rel @!p0 .LBB2_3-.Ltmp8, $4  }
0x349: {  	v38 =	vld [tilespmem:$0x1FEF0]  }
0x34a: {  	v39 =	vld [tilespmem:$0x1FF00]  }
0x34b: {  	v40 =	vld [tilespmem:$0x1FF10]  }
0x34c: {  	v29 =	vld [tilespmem:$0x1FF20]  }
0x34d: {  	[tilespmem:$0x10000] =	vst v63  }
0x34e: {  	[tilespmem:$0x10080] =	vst v62  }
0x34f: {  	[tilespmem:$0x10100] =	vst v61  }
0x350: {  	[tilespmem:$0x10180] =	vst v60  }
0x351: {  	[tilespmem:$0x10200] =	vst v59  }
0x352: {  	[tilespmem:$0x10280] =	vst v57  }
0x353: {  	[tilespmem:$0x10300] =	vst v58  }
0x354: {  	[tilespmem:$0x10190] =	vst v42  }
0x355: {  	[tilespmem:$0x10210] =	vst v41  }
0x356: {  	[tilespmem:$0x10390] =	vst v25  }
0x357: {  	[tilespmem:$0x10020] =	vst v56  }
0x358: {  	[tilespmem:$0x100A0] =	vst v55  }
0x359: {  	[tilespmem:$0x10120] =	vst v54  }
0x35a: {  	[tilespmem:$0x101A0] =	vst v53  }
0x35b: {  	[tilespmem:$0x10220] =	vst v52  }
0x35c: {  	[tilespmem:$0x102A0] =	vst v50  }
0x35d: {  	[tilespmem:$0x10320] =	vst v51  }
0x35e: {  	[tilespmem:$0x103A0] =	vst v31  }
0x35f: {  	[tilespmem:$0x10030] =	vst v28  }
0x360: {  	[tilespmem:$0x10230] =	vst v34  }
0x361: {  	[tilespmem:$0x102B0] =	vst v27  }
0x362: {  	[tilespmem:$0x10330] =	vst v24  }
0x363: {  	[tilespmem:$0x10040] =	vst v49  }
0x364: {  	[tilespmem:$0x100C0] =	vst v48  }
0x365: {  	[tilespmem:$0x10140] =	vst v47  }
0x366: {  	[tilespmem:$0x101C0] =	vst v46  }
0x367: {  	[tilespmem:$0x10240] =	vst v45  }
0x368: {  	[tilespmem:$0x102C0] =	vst v43  }
0x369: {  	[tilespmem:$0x10340] =	vst v44  }
0x36a: {  	[tilespmem:$0x103C0] =	vst v33  }
0x36b: {  	[tilespmem:$0x10050] =	vst v3  }
0x36c: {  	[tilespmem:$0x100D0] =	vst v2  }
0x36d: {  	[tilespmem:$0x10150] =	vst v19  }
0x36e: {  	[tilespmem:$0x10250] =	vst v1  }
0x36f: {  	[tilespmem:$0x103D0] =	vst v32  }
0x370: {  	[tilespmem:$0x10060] =	vst v9  }
0x371: {  	[tilespmem:$0x100E0] =	vst v8  }
0x372: {  	[tilespmem:$0x10160] =	vst v4  }
0x373: {  	[tilespmem:$0x103E0] =	vst v30  }
0x374: {  	[tilespmem:$0x10070] =	vst v18  }
0x375: {  	[tilespmem:$0x100F0] =	vst v16  }
0x376: {  	[tilespmem:$0x10170] =	vst v14  }
0x377: {  	[tilespmem:$0x101F0] =	vst v11  }
0x378: {  	[tilespmem:$0x10270] =	vst v10  }
0x379: {  	[tilespmem:$0x102F0] =	vst v7  }
0x37a: {  	[tilespmem:$0x10370] =	vst v6  }
0x37b: {  	v0 =	vld [tilespmem:$0x1FFF0];
	[tilespmem:$0x103F0] =	vst v21  }
0x37c: {  	v36 =	vld [tilespmem:$0x1FFE0];
	[tilespmem:$0x101B0] =	vst v38  }
0x37d: {  	v37 =	vld [tilespmem:$0x1FFD0];
	[tilespmem:$0x10310] =	vst v39  }
0x37e: {  	v54 =	vld [tilespmem:$0x1FFC0];
	[tilespmem:$0x10290] =	vst v40  }
0x37f: {  	v55 =	vld [tilespmem:$0x1FFB0];
	[tilespmem:$0x10010] =	vst v29  }
0x380: {  	v56 =	vld [tilespmem:$0x1FFA0];
	[tilespmem:$0x10380] =	vst v0  }
0x381: {  	v57 =	vld [tilespmem:$0x1FF90];
	[tilespmem:$0x10090] =	vst v36  }
0x382: {  	v58 =	vld [tilespmem:$0x1FF80];
	[tilespmem:$0x10110] =	vst v37  }
0x383: {  	v59 =	vld [tilespmem:$0x1FF70];
	[tilespmem:$0x100B0] =	vst v54  }
0x384: {  	v60 =	vld [tilespmem:$0x1FF60];
	[tilespmem:$0x10130] =	vst v55  }
0x385: {  	v61 =	vld [tilespmem:$0x1FF50];
	[tilespmem:$0x103B0] =	vst v56  }
0x386: {  	v62 =	vld [tilespmem:$0x1FF40];
	[tilespmem:$0x101D0] =	vst v57  }
0x387: {  	v63 =	vld [tilespmem:$0x1FF30];
	[tilespmem:$0x102D0] =	vst v58  }
0x388: {  	[tilespmem:$0x10350] =	vst v59  }
0x389: {  	[tilespmem:$0x101E0] =	vst v60  }
0x38a: {  	s17 =	sadd.s32 $0x1, s17;
	[tilespmem:$0x10260] =	vst v61  }
0x38b: {  	p0 =	sne.s32 s17, s8;
	[tilespmem:$0x102E0] =	vst v62  }
.Ltmp9:
0x38c: {  	[tilespmem:$0x10360] =	vst v63;
	(pc) =	sbr.rel @p0 .LBB2_1-.Ltmp9, $4  }
0x38d: {  	[hbm4b:s7+s14] =	stream.strided.scatter [tilespmem:s15], [sflag:$0x3], $0x400, s9, s14, $0x38;
	[tilespmem:$0x10400] =	vst v63  }
0x38e: {  	_ =	swait.ge [sflag:s16], $0x400  }
0x38f: {  	[sflag:s16] =	ssyncset.done $0x0  }
0x390: {  	[sflag:s16] =	ssyncadd.s32 $0xFFFFFC00  }
0x391: {  	_ =	sfence.sel $0x180000  }
0x392: {  	[bflag:$0x0] =	sbarrier.arrive $0xFFFF  }
0x393: {  	p0 =	sne.s32 s0, $0x0;
	_ =	strace $0x90000047  }
0x394: {  	s0 =	sadd.s32 @!p0 $0x100000, s1;
	[bflag:$0x2] =	sbarrier.arrive $0xFFFF  }
0x395: {  	[sflag:s0] =	ssyncadd.tile.s32 @!p0 $0x1;
	_ =	shalt  }
.Lfunc_end2:
_tile_overlayer_lowered:
.L_overlay_start_2:
0x396: {  	(tag) =	ssettag $0x2  }
0x397: {  	s0 =	rddreg [dreg:$0x0];
	s2 =	stileid.u32  }
0x398: {  	s1 =	rddreg [dreg:$0x1];
	p0 =	sne.s32 s2, $0x0  }
0x399: {  	s3 =	rddreg [dreg:$0x2];
	[bflag:$0x3] =	sbarrier.arrive $0xFFFF;
	s2 =	simm.s32 @!p0 $0x1C03  }
0x39a: {  	[timem:s3], [sflag:s2] =	dma.local @!p0 [hbm:s0], s1  }
0x39b: {  	s0 =	simm.s32 @!p0 $0x3  }
0x39c: {  	_ =	swait.ge @!p0 [sflag:s0], s1  }
0x39d: {  	s1 =	ssub.s32 @!p0 $0x0, s1;
	[sflag:s0] =	ssyncset.done @!p0 $0x0  }
0x39e: {  	[sflag:s0] =	ssyncadd.s32 @!p0 s1  }
0x39f: {  	[bflag:$0x3] =	sbarrier.arrive $0xFFFF  }
0x3a0: {  	_ =	shalt  }

</sc_bundles>
